<compile_context>
chip_gen: v7x
topology: tpu7x:2x2x1
jax: 0.10.2.dev20260603
libtpu: 0.0.44.dev20260713+nightly
codegen_flags: <defaults>
</compile_context>

<pallas_src>
import functools

import jax
import jax.numpy as jnp
from jax import lax
from jax.experimental import pallas as pl
from jax.experimental.pallas import tpu as pltpu
from jax.experimental.pallas import tpu_sc as plsc

_NC, _NS, _L = 2, 16, 16
_NW = _NC * _NS


def _proj_body(wq, wk, wv, bq, bk, bv, f, o):
    i = pl.program_id(0)
    w3 = jnp.concatenate([wq[...], wk[...], wv[...]], axis=0)
    b3 = jnp.concatenate([bq[...], bk[...], bv[...]], axis=0)[:, None]
    part = lax.dot_general(
        w3,
        f[...],
        dimension_numbers=(((1,), (1,)), ((), ())),
        preferred_element_type=jnp.float32,
    )

    @pl.when(i == 0)
    def _():
        o[...] = part + b3

    @pl.when(i != 0)
    def _():
        o[...] = o[...] + part


@functools.lru_cache(maxsize=None)
def _make_project(N, D):
    BD = 128
    return pl.pallas_call(
        _proj_body,
        grid=(D // BD,),
        in_specs=[
            pl.BlockSpec((1, BD), lambda i: (0, i)),
            pl.BlockSpec((1, BD), lambda i: (0, i)),
            pl.BlockSpec((1, BD), lambda i: (0, i)),
            pl.BlockSpec((1,), lambda i: (0,)),
            pl.BlockSpec((1,), lambda i: (0,)),
            pl.BlockSpec((1,), lambda i: (0,)),
            pl.BlockSpec((N, BD), lambda i: (0, i)),
        ],
        out_specs=pl.BlockSpec((3, N), lambda i: (0, 0)),
        out_shape=jax.ShapeDtypeStruct((3, N), jnp.float32),
    )


@functools.lru_cache(maxsize=None)
def _make_sc_attend(N, E, K, D):
    EPG = _L
    EPW = E // _NW
    G = EPW // EPG
    R = EPG * K
    CH = D // _L
    mesh = plsc.VectorSubcoreMesh(core_axis_name="c", subcore_axis_name="s")

    @functools.partial(
        pl.kernel,
        out_type=jax.ShapeDtypeStruct((E, D), jnp.float32),
        mesh=mesh,
        compiler_params=pltpu.CompilerParams(needs_layout_passes=False),
        scratch_types=[
            pltpu.VMEM((3, N), jnp.float32),
            pltpu.VMEM((EPW * K,), jnp.int32),
            pltpu.VMEM((R, D), jnp.float32),
            pltpu.VMEM((R, D), jnp.float32),
            pltpu.VMEM((EPG, D), jnp.float32),
            pltpu.VMEM((EPG, D), jnp.float32),
            pltpu.VMEM((R,), jnp.float32),
            pltpu.SemaphoreType.DMA,
            pltpu.SemaphoreType.DMA,
            pltpu.SemaphoreType.DMA,
            pltpu.SemaphoreType.DMA,
        ],
    )
    def sc_attend(feats_hbm, ed_hbm, p_hbm, out_hbm,
                  qkv_v, aidx_v, rows0_v, rows1_v, out0_v, out1_v, d_v,
                  sem_r0, sem_r1, sem_o0, sem_o1):
        wid = lax.axis_index("s") * _NC + lax.axis_index("c")
        ebase = wid * EPW
        pltpu.sync_copy(ed_hbm.at[pl.ds(ebase * K, EPW * K)], aidx_v)

        def fire(g, rows_v, sem):
            pltpu.async_copy(
                feats_hbm.at[aidx_v.at[pl.ds(g * R, R)]], rows_v, sem
            )

        def wait_rows(g, rows_v, sem):
            pltpu.make_async_copy(
                feats_hbm.at[aidx_v.at[pl.ds(g * R, R)]], rows_v, sem
            ).wait()

        def out_ref(g):
            return out_hbm.at[pl.ds(ebase + g * EPG, EPG)]

        def compute(g, rows_v, out_v, sem_o, sem_r):
            ii = lax.iota(jnp.int32, _L)
            base = g * R
            vid = [
                plsc.load_gather(aidx_v, [ii * K + (base + j)])
                for j in range(K)
            ]
            row = [jnp.full((_L,), r, jnp.int32) for r in range(3)]
            q = [plsc.load_gather(qkv_v, [row[0], vid[j]]) for j in range(K)]
            k = [plsc.load_gather(qkv_v, [row[1], vid[j]]) for j in range(K)]
            v = [plsc.load_gather(qkv_v, [row[2], vid[j]]) for j in range(K)]
            for j in range(K):
                logits = [q[j] * k[m] for m in range(K)]
                ms = [m for m in range(K) if m != j]
                mx = logits[ms[0]]
                for m in ms[1:]:
                    mx = jnp.maximum(mx, logits[m])
                s = None
                num = None
                for m in ms:
                    ex = jnp.exp(logits[m] - mx)
                    s = ex if s is None else s + ex
                    w = ex * v[m]
                    num = w if num is None else num + w
                r = num / s
                d_v[pl.ds(j * _L, _L)] = 1.0 - 2.0 / (jnp.exp(r + r) + 1.0)

            wait_rows(g, rows_v, sem_r)

            @pl.when(g >= 2)
            def _():
                pltpu.make_async_copy(out_v, out_ref(g - 2), sem_o).wait()

            @plsc.parallel_loop(0, EPG)
            def _edge(i):
                db = [
                    plsc.load_gather(
                        d_v, [jnp.full((_L,), j * _L, jnp.int32) + i]
                    )
                    for j in range(K)
                ]

                @plsc.parallel_loop(0, CH, unroll=4)
                def _chunk(c):
                    acc = db[0] * rows_v[i * K, pl.ds(c * _L, _L)]
                    for j in range(1, K):
                        acc = acc + db[j] * rows_v[i * K + j, pl.ds(c * _L, _L)]
                    out_v[i, pl.ds(c * _L, _L)] = acc

            pltpu.async_copy(out_v, out_ref(g), sem_o)

        fire(0, rows0_v, sem_r0)
        fire(1, rows1_v, sem_r1)
        pltpu.sync_copy(p_hbm, qkv_v)

        @pl.loop(0, G, step=2)
        def _group(g):
            compute(g, rows0_v, out0_v, sem_o0, sem_r0)

            @pl.when(g + 2 < G)
            def _():
                fire(g + 2, rows0_v, sem_r0)

            compute(g + 1, rows1_v, out1_v, sem_o1, sem_r1)

            @pl.when(g + 3 < G)
            def _():
                fire(g + 3, rows1_v, sem_r1)

        pltpu.make_async_copy(out0_v, out_ref(G - 2), sem_o0).wait()
        pltpu.make_async_copy(out1_v, out_ref(G - 1), sem_o1).wait()

    return sc_attend


def kernel(feats, edge_dict, Wq, bq, Wk, bk, Wv, bv):
    N, D = feats.shape
    E, K = edge_dict.shape
    qkv = _make_project(N, D)(Wq, Wk, Wv, bq, bk, bv, feats)
    return _make_sc_attend(N, E, K, D)(feats, edge_dict.reshape(-1), qkv)

# --- scband reference (transcript-rebuilt; emitter-appended) ---
"""Pipeline reference for scband-vertex-conv-39084202394049 (READ-ONLY COPY).

The authoritative reference and input builder live on the scoring server;
editing this copy changes nothing except your own understanding.
"""

import jax, jax.numpy as jnp
import numpy as np


def setup_inputs(seed: int = 0) -> dict:
    key = jax.random.key(seed)
    ks = jax.random.split(key, 8)
    N, d, E, K = 10000, 256, 4096, 8
    feats = jax.random.normal(ks[0], (N, d), dtype=jnp.float32)
    edge_dict = jax.random.randint(ks[1], (E, K), 0, N, dtype=jnp.int32)
    s = 1.0 / np.sqrt(d)
    Wq = jax.random.uniform(ks[2], (1, d), dtype=jnp.float32, minval=-s, maxval=s)
    bq = jax.random.uniform(ks[3], (1,), dtype=jnp.float32, minval=-s, maxval=s)
    Wk = jax.random.uniform(ks[4], (1, d), dtype=jnp.float32, minval=-s, maxval=s)
    bk = jax.random.uniform(ks[5], (1,), dtype=jnp.float32, minval=-s, maxval=s)
    Wv = jax.random.uniform(ks[6], (1, d), dtype=jnp.float32, minval=-s, maxval=s)
    bv = jax.random.uniform(ks[7], (1,), dtype=jnp.float32, minval=-s, maxval=s)
    return {"feats": feats, "edge_dict": edge_dict, "Wq": Wq, "bq": bq, "Wk": Wk, "bk": bk, "Wv": Wv, "bv": bv}


def reference(feats, edge_dict, Wq, bq, Wk, bk, Wv, bv):
    # gather vertex features per hyperedge: [E, K, d]
    sel = jnp.take(feats, edge_dict, axis=0)
    # scalar projections (nn.Linear(dim_in, 1)) -> [E, K]
    q = (sel @ Wq.T + bq)[..., 0]
    k = (sel @ Wk.T + bk)[..., 0]
    v = (sel @ Wv.T + bv)[..., 0]
    # eij[i, j, m] = q_j * k_m for m != j (original deletes index j from the edge)
    eij = q[:, :, None] * k[:, None, :]
    K_ = q.shape[1]
    diag = jnp.eye(K_, dtype=bool)[None, :, :]
    eij = jnp.where(diag, -jnp.inf, eij)
    # softmax over the k-1 remaining vertices (dim=0 in the original per-j loop)
    aij = jax.nn.softmax(eij, axis=-1)
    # di[i, j] = tanh(sum_{m != j} aij * v_m); masked entries contribute 0
    di = jnp.tanh(jnp.sum(aij * v[:, None, :], axis=-1))
    # hyperedge_feat_i = sum_j di[i, j] * feats[edge_dict[i, j]]
    out = jnp.sum(di[:, :, None] * sel, axis=1)
    return out

if __name__ == "__main__":
    import jax
    _d = setup_inputs()
    print(jax.jit(kernel)(*tuple(_d.values())))

</pallas_src>

<mosaic_0001>
#map = affine_map<(d0, d1) -> (0, 0)>
#map1 = affine_map<(d0, d1) -> (0)>
module attributes {stable_mosaic.version = 14 : i64} {
  func.func @sc_attend(%arg0: i32, %arg1: i32, %arg2: memref<10000x256xf32, #tpu.memory_space<hbm>>, %arg3: memref<32768xi32, #tpu.memory_space<hbm>>, %arg4: memref<3x10000xf32, #tpu.memory_space<hbm>>, %arg5: memref<4096x256xf32, #tpu.memory_space<hbm>>, %arg6: memref<3x10000xf32, #tpu.memory_space<vmem>>, %arg7: memref<1024xi32, #tpu.memory_space<vmem>>, %arg8: memref<128x256xf32, #tpu.memory_space<vmem>>, %arg9: memref<128x256xf32, #tpu.memory_space<vmem>>, %arg10: memref<16x256xf32, #tpu.memory_space<vmem>>, %arg11: memref<16x256xf32, #tpu.memory_space<vmem>>, %arg12: memref<128xf32, #tpu.memory_space<vmem>>, %arg13: memref<!tpu.dma_semaphore, #tpu.memory_space<semaphore_mem>>, %arg14: memref<!tpu.dma_semaphore, #tpu.memory_space<semaphore_mem>>, %arg15: memref<!tpu.dma_semaphore, #tpu.memory_space<semaphore_mem>>, %arg16: memref<!tpu.dma_semaphore, #tpu.memory_space<semaphore_mem>>) attributes {dimension_semantics = [#tpu.dimension_semantics<core_parallel>, #tpu.dimension_semantics<subcore_parallel>], iteration_bounds = array<i64: 2, 16>, scalar_prefetch = 0 : i64, scratch_operands = 11 : i64, tpu.core_type = #tpu.core_type<sc_vector_subcore>, window_params = [{transform_indices = #map}, {transform_indices = #map1}, {transform_indices = #map}, {transform_indices = #map}]} {
    %mul3A = arith.constant 2 : i32
    %mul3A_0 = arith.muli %arg1, %mul3A : i32
    %add3A = arith.addi %mul3A_0, %arg0 : i32
    %mul3A_1 = arith.constant 128 : i32
    %mul3A_2 = arith.muli %add3A, %mul3A_1 : i32
    %mul3A_3 = arith.constant 8 : i32
    %mul3A_4 = arith.muli %mul3A_2, %mul3A_3 : i32
    "tpu.region"() ({
      %run_scoped3A = tpu.sem_alloc : memref<!tpu.dma_semaphore, #tpu.memory_space<semaphore_mem>>
      %dma_start3A_29 = tpu.memref_slice %arg3[%mul3A_4] : memref<32768xi32, #tpu.memory_space<hbm>> -> memref<1024xi32, #tpu.memory_space<hbm>>
      %dma_start3A_30 = tpu.memref_slice %arg3[%mul3A_4] : memref<32768xi32, #tpu.memory_space<hbm>> -> memref<1024xi32, #tpu.memory_space<hbm>>
      tpu.enqueue_dma source(%dma_start3A_30 : memref<1024xi32, #tpu.memory_space<hbm>>) target(%arg7 : memref<1024xi32, #tpu.memory_space<vmem>>) target_semaphore(%run_scoped3A : memref<!tpu.dma_semaphore, #tpu.memory_space<semaphore_mem>>)
      %dma_wait3A_31 = tpu.memref_slice %arg3[%mul3A_4] : memref<32768xi32, #tpu.memory_space<hbm>> -> memref<1024xi32, #tpu.memory_space<hbm>>
      %dma_wait3A_32 = tpu.memref_slice %arg3[%mul3A_4] : memref<32768xi32, #tpu.memory_space<hbm>> -> memref<1024xi32, #tpu.memory_space<hbm>>
      tpu.wait_dma2 semaphore(%run_scoped3A : memref<!tpu.dma_semaphore, #tpu.memory_space<semaphore_mem>>) src(%dma_wait3A_32 : memref<1024xi32, #tpu.memory_space<hbm>>) dst(%arg7 : memref<1024xi32, #tpu.memory_space<vmem>>)
      tpu.yield
    }) : () -> ()
    %dma_start3A = arith.constant 0 : i32
    %dma_start3A_5 = tpu.memref_slice %arg7[%dma_start3A] : memref<1024xi32, #tpu.memory_space<vmem>> -> memref<128xi32, #tpu.memory_space<vmem>>
    %dma_start3A_6 = arith.constant 0 : i32
    %dma_start3A_7 = arith.constant 0 : i32
    %dma_start3A_8 = tpu.memref_slice %arg2[%dma_start3A_6, %dma_start3A_7] : memref<10000x256xf32, #tpu.memory_space<hbm>> -> memref<10000x256xf32, #tpu.memory_space<hbm>>
    tpu.enqueue_indirect_dma source(%dma_start3A_8 : memref<10000x256xf32, #tpu.memory_space<hbm>>) target(%arg8 : memref<128x256xf32, #tpu.memory_space<vmem>>) offsets(%dma_start3A_5 : memref<128xi32, #tpu.memory_space<vmem>>) semaphore(%arg13 : memref<!tpu.dma_semaphore, #tpu.memory_space<semaphore_mem>>)
    %dma_start3A_9 = arith.constant 128 : i32
    %dma_start3A_10 = tpu.memref_slice %arg7[%dma_start3A_9] : memref<1024xi32, #tpu.memory_space<vmem>> -> memref<128xi32, #tpu.memory_space<vmem>>
    %dma_start3A_11 = arith.constant 0 : i32
    %dma_start3A_12 = arith.constant 0 : i32
    %dma_start3A_13 = tpu.memref_slice %arg2[%dma_start3A_11, %dma_start3A_12] : memref<10000x256xf32, #tpu.memory_space<hbm>> -> memref<10000x256xf32, #tpu.memory_space<hbm>>
    tpu.enqueue_indirect_dma source(%dma_start3A_13 : memref<10000x256xf32, #tpu.memory_space<hbm>>) target(%arg9 : memref<128x256xf32, #tpu.memory_space<vmem>>) offsets(%dma_start3A_10 : memref<128xi32, #tpu.memory_space<vmem>>) semaphore(%arg14 : memref<!tpu.dma_semaphore, #tpu.memory_space<semaphore_mem>>)
    "tpu.region"() ({
      %run_scoped3A = tpu.sem_alloc : memref<!tpu.dma_semaphore, #tpu.memory_space<semaphore_mem>>
      tpu.enqueue_dma source(%arg4 : memref<3x10000xf32, #tpu.memory_space<hbm>>) target(%arg6 : memref<3x10000xf32, #tpu.memory_space<vmem>>) target_semaphore(%run_scoped3A : memref<!tpu.dma_semaphore, #tpu.memory_space<semaphore_mem>>)
      tpu.wait_dma2 semaphore(%run_scoped3A : memref<!tpu.dma_semaphore, #tpu.memory_space<semaphore_mem>>) src(%arg4 : memref<3x10000xf32, #tpu.memory_space<hbm>>) dst(%arg6 : memref<3x10000xf32, #tpu.memory_space<vmem>>)
      tpu.yield
    }) : () -> ()
    %scan3A = arith.constant 0 : i32
    %scan3A_14 = arith.constant 4 : i32
    %scan3A_15 = arith.addi %scan3A, %scan3A_14 : i32
    %scan3A_16 = arith.constant 1 : i32
    scf.for %scan3A_29 = %scan3A to %scan3A_15 step %scan3A_16  : i32 {
      %mul3A_30 = arith.constant 2 : i32
      %mul3A_31 = arith.muli %scan3A_29, %mul3A_30 : i32
      %add3A_32 = arith.constant 0 : i32
      %add3A_33 = arith.addi %add3A_32, %mul3A_31 : i32
      %iota3A = tpu.iota {dimensions = array<i32: 0>} : vector<16xi32>
      %mul3A_34 = arith.constant 128 : i32
      %mul3A_35 = arith.muli %add3A_33, %mul3A_34 : i32
      %mul3A_36 = arith.constant 8 : i32
      %mul3A_37 = vector.broadcast %mul3A_36 : i32 to vector<16xi32>
      %mul3A_38 = arith.muli %iota3A, %mul3A_37 : vector<16xi32>
      %add3A_39 = arith.constant 0 : i32
      %add3A_40 = arith.addi %mul3A_35, %add3A_39 : i32
      %add3A_41 = vector.broadcast %add3A_40 : i32 to vector<16xi32>
      %add3A_42 = arith.addi %mul3A_38, %add3A_41 : vector<16xi32>
      %gather3A = tpu.vector_load_idx %arg7[%add3A_42] : memref<1024xi32, #tpu.memory_space<vmem>>[vector<16xi32>], vector<16xi32>,
      %mul3A_43 = arith.constant 8 : i32
      %mul3A_44 = vector.broadcast %mul3A_43 : i32 to vector<16xi32>
      %mul3A_45 = arith.muli %iota3A, %mul3A_44 : vector<16xi32>
      %add3A_46 = arith.constant 1 : i32
      %add3A_47 = arith.addi %mul3A_35, %add3A_46 : i32
      %add3A_48 = vector.broadcast %add3A_47 : i32 to vector<16xi32>
      %add3A_49 = arith.addi %mul3A_45, %add3A_48 : vector<16xi32>
      %gather3A_50 = tpu.vector_load_idx %arg7[%add3A_49] : memref<1024xi32, #tpu.memory_space<vmem>>[vector<16xi32>], vector<16xi32>,
      %mul3A_51 = arith.constant 8 : i32
      %mul3A_52 = vector.broadcast %mul3A_51 : i32 to vector<16xi32>
      %mul3A_53 = arith.muli %iota3A, %mul3A_52 : vector<16xi32>
      %add3A_54 = arith.constant 2 : i32
      %add3A_55 = arith.addi %mul3A_35, %add3A_54 : i32
      %add3A_56 = vector.broadcast %add3A_55 : i32 to vector<16xi32>
      %add3A_57 = arith.addi %mul3A_53, %add3A_56 : vector<16xi32>
      %gather3A_58 = tpu.vector_load_idx %arg7[%add3A_57] : memref<1024xi32, #tpu.memory_space<vmem>>[vector<16xi32>], vector<16xi32>,
      %mul3A_59 = arith.constant 8 : i32
      %mul3A_60 = vector.broadcast %mul3A_59 : i32 to vector<16xi32>
      %mul3A_61 = arith.muli %iota3A, %mul3A_60 : vector<16xi32>
      %add3A_62 = arith.constant 3 : i32
      %add3A_63 = arith.addi %mul3A_35, %add3A_62 : i32
      %add3A_64 = vector.broadcast %add3A_63 : i32 to vector<16xi32>
      %add3A_65 = arith.addi %mul3A_61, %add3A_64 : vector<16xi32>
      %gather3A_66 = tpu.vector_load_idx %arg7[%add3A_65] : memref<1024xi32, #tpu.memory_space<vmem>>[vector<16xi32>], vector<16xi32>,
      %mul3A_67 = arith.constant 8 : i32
      %mul3A_68 = vector.broadcast %mul3A_67 : i32 to vector<16xi32>
      %mul3A_69 = arith.muli %iota3A, %mul3A_68 : vector<16xi32>
      %add3A_70 = arith.constant 4 : i32
      %add3A_71 = arith.addi %mul3A_35, %add3A_70 : i32
      %add3A_72 = vector.broadcast %add3A_71 : i32 to vector<16xi32>
      %add3A_73 = arith.addi %mul3A_69, %add3A_72 : vector<16xi32>
      %gather3A_74 = tpu.vector_load_idx %arg7[%add3A_73] : memref<1024xi32, #tpu.memory_space<vmem>>[vector<16xi32>], vector<16xi32>,
      %mul3A_75 = arith.constant 8 : i32
      %mul3A_76 = vector.broadcast %mul3A_75 : i32 to vector<16xi32>
      %mul3A_77 = arith.muli %iota3A, %mul3A_76 : vector<16xi32>
      %add3A_78 = arith.constant 5 : i32
      %add3A_79 = arith.addi %mul3A_35, %add3A_78 : i32
      %add3A_80 = vector.broadcast %add3A_79 : i32 to vector<16xi32>
      %add3A_81 = arith.addi %mul3A_77, %add3A_80 : vector<16xi32>
      %gather3A_82 = tpu.vector_load_idx %arg7[%add3A_81] : memref<1024xi32, #tpu.memory_space<vmem>>[vector<16xi32>], vector<16xi32>,
      %mul3A_83 = arith.constant 8 : i32
      %mul3A_84 = vector.broadcast %mul3A_83 : i32 to vector<16xi32>
      %mul3A_85 = arith.muli %iota3A, %mul3A_84 : vector<16xi32>
      %add3A_86 = arith.constant 6 : i32
      %add3A_87 = arith.addi %mul3A_35, %add3A_86 : i32
      %add3A_88 = vector.broadcast %add3A_87 : i32 to vector<16xi32>
      %add3A_89 = arith.addi %mul3A_85, %add3A_88 : vector<16xi32>
      %gather3A_90 = tpu.vector_load_idx %arg7[%add3A_89] : memref<1024xi32, #tpu.memory_space<vmem>>[vector<16xi32>], vector<16xi32>,
      %mul3A_91 = arith.constant 8 : i32
      %mul3A_92 = vector.broadcast %mul3A_91 : i32 to vector<16xi32>
      %mul3A_93 = arith.muli %iota3A, %mul3A_92 : vector<16xi32>
      %add3A_94 = arith.constant 7 : i32
      %add3A_95 = arith.addi %mul3A_35, %add3A_94 : i32
      %add3A_96 = vector.broadcast %add3A_95 : i32 to vector<16xi32>
      %add3A_97 = arith.addi %mul3A_93, %add3A_96 : vector<16xi32>
      %gather3A_98 = tpu.vector_load_idx %arg7[%add3A_97] : memref<1024xi32, #tpu.memory_space<vmem>>[vector<16xi32>], vector<16xi32>,
      %broadcast_in_dim3A = arith.constant 0 : i32
      %broadcast_in_dim3A_99 = vector.broadcast %broadcast_in_dim3A : i32 to vector<16xi32>
      %broadcast_in_dim3A_100 = arith.constant 1 : i32
      %broadcast_in_dim3A_101 = vector.broadcast %broadcast_in_dim3A_100 : i32 to vector<16xi32>
      %broadcast_in_dim3A_102 = arith.constant 2 : i32
      %broadcast_in_dim3A_103 = vector.broadcast %broadcast_in_dim3A_102 : i32 to vector<16xi32>
      %gather3A_104 = tpu.vector_load_idx %arg6[%broadcast_in_dim3A_99, %gather3A] : memref<3x10000xf32, #tpu.memory_space<vmem>>[vector<16xi32>, vector<16xi32>], vector<16xf32>,
      %gather3A_105 = tpu.vector_load_idx %arg6[%broadcast_in_dim3A_99, %gather3A_50] : memref<3x10000xf32, #tpu.memory_space<vmem>>[vector<16xi32>, vector<16xi32>], vector<16xf32>,
      %gather3A_106 = tpu.vector_load_idx %arg6[%broadcast_in_dim3A_99, %gather3A_58] : memref<3x10000xf32, #tpu.memory_space<vmem>>[vector<16xi32>, vector<16xi32>], vector<16xf32>,
      %gather3A_107 = tpu.vector_load_idx %arg6[%broadcast_in_dim3A_99, %gather3A_66] : memref<3x10000xf32, #tpu.memory_space<vmem>>[vector<16xi32>, vector<16xi32>], vector<16xf32>,
      %gather3A_108 = tpu.vector_load_idx %arg6[%broadcast_in_dim3A_99, %gather3A_74] : memref<3x10000xf32, #tpu.memory_space<vmem>>[vector<16xi32>, vector<16xi32>], vector<16xf32>,
      %gather3A_109 = tpu.vector_load_idx %arg6[%broadcast_in_dim3A_99, %gather3A_82] : memref<3x10000xf32, #tpu.memory_space<vmem>>[vector<16xi32>, vector<16xi32>], vector<16xf32>,
      %gather3A_110 = tpu.vector_load_idx %arg6[%broadcast_in_dim3A_99, %gather3A_90] : memref<3x10000xf32, #tpu.memory_space<vmem>>[vector<16xi32>, vector<16xi32>], vector<16xf32>,
      %gather3A_111 = tpu.vector_load_idx %arg6[%broadcast_in_dim3A_99, %gather3A_98] : memref<3x10000xf32, #tpu.memory_space<vmem>>[vector<16xi32>, vector<16xi32>], vector<16xf32>,
      %gather3A_112 = tpu.vector_load_idx %arg6[%broadcast_in_dim3A_101, %gather3A] : memref<3x10000xf32, #tpu.memory_space<vmem>>[vector<16xi32>, vector<16xi32>], vector<16xf32>,
      %gather3A_113 = tpu.vector_load_idx %arg6[%broadcast_in_dim3A_101, %gather3A_50] : memref<3x10000xf32, #tpu.memory_space<vmem>>[vector<16xi32>, vector<16xi32>], vector<16xf32>,
      %gather3A_114 = tpu.vector_load_idx %arg6[%broadcast_in_dim3A_101, %gather3A_58] : memref<3x10000xf32, #tpu.memory_space<vmem>>[vector<16xi32>, vector<16xi32>], vector<16xf32>,
      %gather3A_115 = tpu.vector_load_idx %arg6[%broadcast_in_dim3A_101, %gather3A_66] : memref<3x10000xf32, #tpu.memory_space<vmem>>[vector<16xi32>, vector<16xi32>], vector<16xf32>,
      %gather3A_116 = tpu.vector_load_idx %arg6[%broadcast_in_dim3A_101, %gather3A_74] : memref<3x10000xf32, #tpu.memory_space<vmem>>[vector<16xi32>, vector<16xi32>], vector<16xf32>,
      %gather3A_117 = tpu.vector_load_idx %arg6[%broadcast_in_dim3A_101, %gather3A_82] : memref<3x10000xf32, #tpu.memory_space<vmem>>[vector<16xi32>, vector<16xi32>], vector<16xf32>,
      %gather3A_118 = tpu.vector_load_idx %arg6[%broadcast_in_dim3A_101, %gather3A_90] : memref<3x10000xf32, #tpu.memory_space<vmem>>[vector<16xi32>, vector<16xi32>], vector<16xf32>,
      %gather3A_119 = tpu.vector_load_idx %arg6[%broadcast_in_dim3A_101, %gather3A_98] : memref<3x10000xf32, #tpu.memory_space<vmem>>[vector<16xi32>, vector<16xi32>], vector<16xf32>,
      %gather3A_120 = tpu.vector_load_idx %arg6[%broadcast_in_dim3A_103, %gather3A] : memref<3x10000xf32, #tpu.memory_space<vmem>>[vector<16xi32>, vector<16xi32>], vector<16xf32>,
      %gather3A_121 = tpu.vector_load_idx %arg6[%broadcast_in_dim3A_103, %gather3A_50] : memref<3x10000xf32, #tpu.memory_space<vmem>>[vector<16xi32>, vector<16xi32>], vector<16xf32>,
      %gather3A_122 = tpu.vector_load_idx %arg6[%broadcast_in_dim3A_103, %gather3A_58] : memref<3x10000xf32, #tpu.memory_space<vmem>>[vector<16xi32>, vector<16xi32>], vector<16xf32>,
      %gather3A_123 = tpu.vector_load_idx %arg6[%broadcast_in_dim3A_103, %gather3A_66] : memref<3x10000xf32, #tpu.memory_space<vmem>>[vector<16xi32>, vector<16xi32>], vector<16xf32>,
      %gather3A_124 = tpu.vector_load_idx %arg6[%broadcast_in_dim3A_103, %gather3A_74] : memref<3x10000xf32, #tpu.memory_space<vmem>>[vector<16xi32>, vector<16xi32>], vector<16xf32>,
      %gather3A_125 = tpu.vector_load_idx %arg6[%broadcast_in_dim3A_103, %gather3A_82] : memref<3x10000xf32, #tpu.memory_space<vmem>>[vector<16xi32>, vector<16xi32>], vector<16xf32>,
      %gather3A_126 = tpu.vector_load_idx %arg6[%broadcast_in_dim3A_103, %gather3A_90] : memref<3x10000xf32, #tpu.memory_space<vmem>>[vector<16xi32>, vector<16xi32>], vector<16xf32>,
      %gather3A_127 = tpu.vector_load_idx %arg6[%broadcast_in_dim3A_103, %gather3A_98] : memref<3x10000xf32, #tpu.memory_space<vmem>>[vector<16xi32>, vector<16xi32>], vector<16xf32>,
      %mul3A_128 = arith.mulf %gather3A_104, %gather3A_112 : vector<16xf32>
      %mul3A_129 = arith.mulf %gather3A_104, %gather3A_113 : vector<16xf32>
      %mul3A_130 = arith.mulf %gather3A_104, %gather3A_114 : vector<16xf32>
      %mul3A_131 = arith.mulf %gather3A_104, %gather3A_115 : vector<16xf32>
      %mul3A_132 = arith.mulf %gather3A_104, %gather3A_116 : vector<16xf32>
      %mul3A_133 = arith.mulf %gather3A_104, %gather3A_117 : vector<16xf32>
      %mul3A_134 = arith.mulf %gather3A_104, %gather3A_118 : vector<16xf32>
      %mul3A_135 = arith.mulf %gather3A_104, %gather3A_119 : vector<16xf32>
      %max3A = arith.maximumf %mul3A_129, %mul3A_130 : vector<16xf32>
      %max3A_136 = arith.maximumf %max3A, %mul3A_131 : vector<16xf32>
      %max3A_137 = arith.maximumf %max3A_136, %mul3A_132 : vector<16xf32>
      %max3A_138 = arith.maximumf %max3A_137, %mul3A_133 : vector<16xf32>
      %max3A_139 = arith.maximumf %max3A_138, %mul3A_134 : vector<16xf32>
      %max3A_140 = arith.maximumf %max3A_139, %mul3A_135 : vector<16xf32>
      %sub3A = arith.subf %mul3A_129, %max3A_140 : vector<16xf32>
      %exp3A = math.exp %sub3A : vector<16xf32>
      %mul3A_141 = arith.mulf %exp3A, %gather3A_121 : vector<16xf32>
      %sub3A_142 = arith.subf %mul3A_130, %max3A_140 : vector<16xf32>
      %exp3A_143 = math.exp %sub3A_142 : vector<16xf32>
      %add3A_144 = arith.addf %exp3A, %exp3A_143 : vector<16xf32>
      %mul3A_145 = arith.mulf %exp3A_143, %gather3A_122 : vector<16xf32>
      %add3A_146 = arith.addf %mul3A_141, %mul3A_145 : vector<16xf32>
      %sub3A_147 = arith.subf %mul3A_131, %max3A_140 : vector<16xf32>
      %exp3A_148 = math.exp %sub3A_147 : vector<16xf32>
      %add3A_149 = arith.addf %add3A_144, %exp3A_148 : vector<16xf32>
      %mul3A_150 = arith.mulf %exp3A_148, %gather3A_123 : vector<16xf32>
      %add3A_151 = arith.addf %add3A_146, %mul3A_150 : vector<16xf32>
      %sub3A_152 = arith.subf %mul3A_132, %max3A_140 : vector<16xf32>
      %exp3A_153 = math.exp %sub3A_152 : vector<16xf32>
      %add3A_154 = arith.addf %add3A_149, %exp3A_153 : vector<16xf32>
      %mul3A_155 = arith.mulf %exp3A_153, %gather3A_124 : vector<16xf32>
      %add3A_156 = arith.addf %add3A_151, %mul3A_155 : vector<16xf32>
      %sub3A_157 = arith.subf %mul3A_133, %max3A_140 : vector<16xf32>
      %exp3A_158 = math.exp %sub3A_157 : vector<16xf32>
      %add3A_159 = arith.addf %add3A_154, %exp3A_158 : vector<16xf32>
      %mul3A_160 = arith.mulf %exp3A_158, %gather3A_125 : vector<16xf32>
      %add3A_161 = arith.addf %add3A_156, %mul3A_160 : vector<16xf32>
      %sub3A_162 = arith.subf %mul3A_134, %max3A_140 : vector<16xf32>
      %exp3A_163 = math.exp %sub3A_162 : vector<16xf32>
      %add3A_164 = arith.addf %add3A_159, %exp3A_163 : vector<16xf32>
      %mul3A_165 = arith.mulf %exp3A_163, %gather3A_126 : vector<16xf32>
      %add3A_166 = arith.addf %add3A_161, %mul3A_165 : vector<16xf32>
      %sub3A_167 = arith.subf %mul3A_135, %max3A_140 : vector<16xf32>
      %exp3A_168 = math.exp %sub3A_167 : vector<16xf32>
      %add3A_169 = arith.addf %add3A_164, %exp3A_168 : vector<16xf32>
      %mul3A_170 = arith.mulf %exp3A_168, %gather3A_127 : vector<16xf32>
      %add3A_171 = arith.addf %add3A_166, %mul3A_170 : vector<16xf32>
      %div3A = arith.divf %add3A_171, %add3A_169 : vector<16xf32>
      %add3A_172 = arith.addf %div3A, %div3A : vector<16xf32>
      %exp3A_173 = math.exp %add3A_172 : vector<16xf32>
      %add3A_174 = arith.constant 1.000000e+00 : f32
      %add3A_175 = vector.broadcast %add3A_174 : f32 to vector<16xf32>
      %add3A_176 = arith.addf %exp3A_173, %add3A_175 : vector<16xf32>
      %div3A_177 = arith.constant 2.000000e+00 : f32
      %div3A_178 = vector.broadcast %div3A_177 : f32 to vector<16xf32>
      %div3A_179 = arith.divf %div3A_178, %add3A_176 : vector<16xf32>
      %sub3A_180 = arith.constant 1.000000e+00 : f32
      %sub3A_181 = vector.broadcast %sub3A_180 : f32 to vector<16xf32>
      %sub3A_182 = arith.subf %sub3A_181, %div3A_179 : vector<16xf32>
      %swap3A = arith.constant 0 : index
      %swap3A_183 = tpu.vector_load %arg12[%swap3A] {strides = array<i32>} : memref<128xf32, #tpu.memory_space<vmem>>, vector<16xf32>,
      tpu.vector_store %arg12[%swap3A], %sub3A_182 {strides = array<i32>} : memref<128xf32, #tpu.memory_space<vmem>>, vector<16xf32>,
      %mul3A_184 = arith.mulf %gather3A_105, %gather3A_112 : vector<16xf32>
      %mul3A_185 = arith.mulf %gather3A_105, %gather3A_113 : vector<16xf32>
      %mul3A_186 = arith.mulf %gather3A_105, %gather3A_114 : vector<16xf32>
      %mul3A_187 = arith.mulf %gather3A_105, %gather3A_115 : vector<16xf32>
      %mul3A_188 = arith.mulf %gather3A_105, %gather3A_116 : vector<16xf32>
      %mul3A_189 = arith.mulf %gather3A_105, %gather3A_117 : vector<16xf32>
      %mul3A_190 = arith.mulf %gather3A_105, %gather3A_118 : vector<16xf32>
      %mul3A_191 = arith.mulf %gather3A_105, %gather3A_119 : vector<16xf32>
      %max3A_192 = arith.maximumf %mul3A_184, %mul3A_186 : vector<16xf32>
      %max3A_193 = arith.maximumf %max3A_192, %mul3A_187 : vector<16xf32>
      %max3A_194 = arith.maximumf %max3A_193, %mul3A_188 : vector<16xf32>
      %max3A_195 = arith.maximumf %max3A_194, %mul3A_189 : vector<16xf32>
      %max3A_196 = arith.maximumf %max3A_195, %mul3A_190 : vector<16xf32>
      %max3A_197 = arith.maximumf %max3A_196, %mul3A_191 : vector<16xf32>
      %sub3A_198 = arith.subf %mul3A_184, %max3A_197 : vector<16xf32>
      %exp3A_199 = math.exp %sub3A_198 : vector<16xf32>
      %mul3A_200 = arith.mulf %exp3A_199, %gather3A_120 : vector<16xf32>
      %sub3A_201 = arith.subf %mul3A_186, %max3A_197 : vector<16xf32>
      %exp3A_202 = math.exp %sub3A_201 : vector<16xf32>
      %add3A_203 = arith.addf %exp3A_199, %exp3A_202 : vector<16xf32>
      %mul3A_204 = arith.mulf %exp3A_202, %gather3A_122 : vector<16xf32>
      %add3A_205 = arith.addf %mul3A_200, %mul3A_204 : vector<16xf32>
      %sub3A_206 = arith.subf %mul3A_187, %max3A_197 : vector<16xf32>
      %exp3A_207 = math.exp %sub3A_206 : vector<16xf32>
      %add3A_208 = arith.addf %add3A_203, %exp3A_207 : vector<16xf32>
      %mul3A_209 = arith.mulf %exp3A_207, %gather3A_123 : vector<16xf32>
      %add3A_210 = arith.addf %add3A_205, %mul3A_209 : vector<16xf32>
      %sub3A_211 = arith.subf %mul3A_188, %max3A_197 : vector<16xf32>
      %exp3A_212 = math.exp %sub3A_211 : vector<16xf32>
      %add3A_213 = arith.addf %add3A_208, %exp3A_212 : vector<16xf32>
      %mul3A_214 = arith.mulf %exp3A_212, %gather3A_124 : vector<16xf32>
      %add3A_215 = arith.addf %add3A_210, %mul3A_214 : vector<16xf32>
      %sub3A_216 = arith.subf %mul3A_189, %max3A_197 : vector<16xf32>
      %exp3A_217 = math.exp %sub3A_216 : vector<16xf32>
      %add3A_218 = arith.addf %add3A_213, %exp3A_217 : vector<16xf32>
      %mul3A_219 = arith.mulf %exp3A_217, %gather3A_125 : vector<16xf32>
      %add3A_220 = arith.addf %add3A_215, %mul3A_219 : vector<16xf32>
      %sub3A_221 = arith.subf %mul3A_190, %max3A_197 : vector<16xf32>
      %exp3A_222 = math.exp %sub3A_221 : vector<16xf32>
      %add3A_223 = arith.addf %add3A_218, %exp3A_222 : vector<16xf32>
      %mul3A_224 = arith.mulf %exp3A_222, %gather3A_126 : vector<16xf32>
      %add3A_225 = arith.addf %add3A_220, %mul3A_224 : vector<16xf32>
      %sub3A_226 = arith.subf %mul3A_191, %max3A_197 : vector<16xf32>
      %exp3A_227 = math.exp %sub3A_226 : vector<16xf32>
      %add3A_228 = arith.addf %add3A_223, %exp3A_227 : vector<16xf32>
      %mul3A_229 = arith.mulf %exp3A_227, %gather3A_127 : vector<16xf32>
      %add3A_230 = arith.addf %add3A_225, %mul3A_229 : vector<16xf32>
      %div3A_231 = arith.divf %add3A_230, %add3A_228 : vector<16xf32>
      %add3A_232 = arith.addf %div3A_231, %div3A_231 : vector<16xf32>
      %exp3A_233 = math.exp %add3A_232 : vector<16xf32>
      %add3A_234 = arith.constant 1.000000e+00 : f32
      %add3A_235 = vector.broadcast %add3A_234 : f32 to vector<16xf32>
      %add3A_236 = arith.addf %exp3A_233, %add3A_235 : vector<16xf32>
      %div3A_237 = arith.constant 2.000000e+00 : f32
      %div3A_238 = vector.broadcast %div3A_237 : f32 to vector<16xf32>
      %div3A_239 = arith.divf %div3A_238, %add3A_236 : vector<16xf32>
      %sub3A_240 = arith.constant 1.000000e+00 : f32
      %sub3A_241 = vector.broadcast %sub3A_240 : f32 to vector<16xf32>
      %sub3A_242 = arith.subf %sub3A_241, %div3A_239 : vector<16xf32>
      %swap3A_243 = arith.constant 16 : index
      %swap3A_244 = tpu.vector_load %arg12[%swap3A_243] {strides = array<i32>} : memref<128xf32, #tpu.memory_space<vmem>>, vector<16xf32>,
      tpu.vector_store %arg12[%swap3A_243], %sub3A_242 {strides = array<i32>} : memref<128xf32, #tpu.memory_space<vmem>>, vector<16xf32>,
      %mul3A_245 = arith.mulf %gather3A_106, %gather3A_112 : vector<16xf32>
      %mul3A_246 = arith.mulf %gather3A_106, %gather3A_113 : vector<16xf32>
      %mul3A_247 = arith.mulf %gather3A_106, %gather3A_114 : vector<16xf32>
      %mul3A_248 = arith.mulf %gather3A_106, %gather3A_115 : vector<16xf32>
      %mul3A_249 = arith.mulf %gather3A_106, %gather3A_116 : vector<16xf32>
      %mul3A_250 = arith.mulf %gather3A_106, %gather3A_117 : vector<16xf32>
      %mul3A_251 = arith.mulf %gather3A_106, %gather3A_118 : vector<16xf32>
      %mul3A_252 = arith.mulf %gather3A_106, %gather3A_119 : vector<16xf32>
      %max3A_253 = arith.maximumf %mul3A_245, %mul3A_246 : vector<16xf32>
      %max3A_254 = arith.maximumf %max3A_253, %mul3A_248 : vector<16xf32>
      %max3A_255 = arith.maximumf %max3A_254, %mul3A_249 : vector<16xf32>
      %max3A_256 = arith.maximumf %max3A_255, %mul3A_250 : vector<16xf32>
      %max3A_257 = arith.maximumf %max3A_256, %mul3A_251 : vector<16xf32>
      %max3A_258 = arith.maximumf %max3A_257, %mul3A_252 : vector<16xf32>
      %sub3A_259 = arith.subf %mul3A_245, %max3A_258 : vector<16xf32>
      %exp3A_260 = math.exp %sub3A_259 : vector<16xf32>
      %mul3A_261 = arith.mulf %exp3A_260, %gather3A_120 : vector<16xf32>
      %sub3A_262 = arith.subf %mul3A_246, %max3A_258 : vector<16xf32>
      %exp3A_263 = math.exp %sub3A_262 : vector<16xf32>
      %add3A_264 = arith.addf %exp3A_260, %exp3A_263 : vector<16xf32>
      %mul3A_265 = arith.mulf %exp3A_263, %gather3A_121 : vector<16xf32>
      %add3A_266 = arith.addf %mul3A_261, %mul3A_265 : vector<16xf32>
      %sub3A_267 = arith.subf %mul3A_248, %max3A_258 : vector<16xf32>
      %exp3A_268 = math.exp %sub3A_267 : vector<16xf32>
      %add3A_269 = arith.addf %add3A_264, %exp3A_268 : vector<16xf32>
      %mul3A_270 = arith.mulf %exp3A_268, %gather3A_123 : vector<16xf32>
      %add3A_271 = arith.addf %add3A_266, %mul3A_270 : vector<16xf32>
      %sub3A_272 = arith.subf %mul3A_249, %max3A_258 : vector<16xf32>
      %exp3A_273 = math.exp %sub3A_272 : vector<16xf32>
      %add3A_274 = arith.addf %add3A_269, %exp3A_273 : vector<16xf32>
      %mul3A_275 = arith.mulf %exp3A_273, %gather3A_124 : vector<16xf32>
      %add3A_276 = arith.addf %add3A_271, %mul3A_275 : vector<16xf32>
      %sub3A_277 = arith.subf %mul3A_250, %max3A_258 : vector<16xf32>
      %exp3A_278 = math.exp %sub3A_277 : vector<16xf32>
      %add3A_279 = arith.addf %add3A_274, %exp3A_278 : vector<16xf32>
      %mul3A_280 = arith.mulf %exp3A_278, %gather3A_125 : vector<16xf32>
      %add3A_281 = arith.addf %add3A_276, %mul3A_280 : vector<16xf32>
      %sub3A_282 = arith.subf %mul3A_251, %max3A_258 : vector<16xf32>
      %exp3A_283 = math.exp %sub3A_282 : vector<16xf32>
      %add3A_284 = arith.addf %add3A_279, %exp3A_283 : vector<16xf32>
      %mul3A_285 = arith.mulf %exp3A_283, %gather3A_126 : vector<16xf32>
      %add3A_286 = arith.addf %add3A_281, %mul3A_285 : vector<16xf32>
      %sub3A_287 = arith.subf %mul3A_252, %max3A_258 : vector<16xf32>
      %exp3A_288 = math.exp %sub3A_287 : vector<16xf32>
      %add3A_289 = arith.addf %add3A_284, %exp3A_288 : vector<16xf32>
      %mul3A_290 = arith.mulf %exp3A_288, %gather3A_127 : vector<16xf32>
      %add3A_291 = arith.addf %add3A_286, %mul3A_290 : vector<16xf32>
      %div3A_292 = arith.divf %add3A_291, %add3A_289 : vector<16xf32>
      %add3A_293 = arith.addf %div3A_292, %div3A_292 : vector<16xf32>
      %exp3A_294 = math.exp %add3A_293 : vector<16xf32>
      %add3A_295 = arith.constant 1.000000e+00 : f32
      %add3A_296 = vector.broadcast %add3A_295 : f32 to vector<16xf32>
      %add3A_297 = arith.addf %exp3A_294, %add3A_296 : vector<16xf32>
      %div3A_298 = arith.constant 2.000000e+00 : f32
      %div3A_299 = vector.broadcast %div3A_298 : f32 to vector<16xf32>
      %div3A_300 = arith.divf %div3A_299, %add3A_297 : vector<16xf32>
      %sub3A_301 = arith.constant 1.000000e+00 : f32
      %sub3A_302 = vector.broadcast %sub3A_301 : f32 to vector<16xf32>
      %sub3A_303 = arith.subf %sub3A_302, %div3A_300 : vector<16xf32>
      %swap3A_304 = arith.constant 32 : index
      %swap3A_305 = tpu.vector_load %arg12[%swap3A_304] {strides = array<i32>} : memref<128xf32, #tpu.memory_space<vmem>>, vector<16xf32>,
      tpu.vector_store %arg12[%swap3A_304], %sub3A_303 {strides = array<i32>} : memref<128xf32, #tpu.memory_space<vmem>>, vector<16xf32>,
      %mul3A_306 = arith.mulf %gather3A_107, %gather3A_112 : vector<16xf32>
      %mul3A_307 = arith.mulf %gather3A_107, %gather3A_113 : vector<16xf32>
      %mul3A_308 = arith.mulf %gather3A_107, %gather3A_114 : vector<16xf32>
      %mul3A_309 = arith.mulf %gather3A_107, %gather3A_115 : vector<16xf32>
      %mul3A_310 = arith.mulf %gather3A_107, %gather3A_116 : vector<16xf32>
      %mul3A_311 = arith.mulf %gather3A_107, %gather3A_117 : vector<16xf32>
      %mul3A_312 = arith.mulf %gather3A_107, %gather3A_118 : vector<16xf32>
      %mul3A_313 = arith.mulf %gather3A_107, %gather3A_119 : vector<16xf32>
      %max3A_314 = arith.maximumf %mul3A_306, %mul3A_307 : vector<16xf32>
      %max3A_315 = arith.maximumf %max3A_314, %mul3A_308 : vector<16xf32>
      %max3A_316 = arith.maximumf %max3A_315, %mul3A_310 : vector<16xf32>
      %max3A_317 = arith.maximumf %max3A_316, %mul3A_311 : vector<16xf32>
      %max3A_318 = arith.maximumf %max3A_317, %mul3A_312 : vector<16xf32>
      %max3A_319 = arith.maximumf %max3A_318, %mul3A_313 : vector<16xf32>
      %sub3A_320 = arith.subf %mul3A_306, %max3A_319 : vector<16xf32>
      %exp3A_321 = math.exp %sub3A_320 : vector<16xf32>
      %mul3A_322 = arith.mulf %exp3A_321, %gather3A_120 : vector<16xf32>
      %sub3A_323 = arith.subf %mul3A_307, %max3A_319 : vector<16xf32>
      %exp3A_324 = math.exp %sub3A_323 : vector<16xf32>
      %add3A_325 = arith.addf %exp3A_321, %exp3A_324 : vector<16xf32>
      %mul3A_326 = arith.mulf %exp3A_324, %gather3A_121 : vector<16xf32>
      %add3A_327 = arith.addf %mul3A_322, %mul3A_326 : vector<16xf32>
      %sub3A_328 = arith.subf %mul3A_308, %max3A_319 : vector<16xf32>
      %exp3A_329 = math.exp %sub3A_328 : vector<16xf32>
      %add3A_330 = arith.addf %add3A_325, %exp3A_329 : vector<16xf32>
      %mul3A_331 = arith.mulf %exp3A_329, %gather3A_122 : vector<16xf32>
      %add3A_332 = arith.addf %add3A_327, %mul3A_331 : vector<16xf32>
      %sub3A_333 = arith.subf %mul3A_310, %max3A_319 : vector<16xf32>
      %exp3A_334 = math.exp %sub3A_333 : vector<16xf32>
      %add3A_335 = arith.addf %add3A_330, %exp3A_334 : vector<16xf32>
      %mul3A_336 = arith.mulf %exp3A_334, %gather3A_124 : vector<16xf32>
      %add3A_337 = arith.addf %add3A_332, %mul3A_336 : vector<16xf32>
      %sub3A_338 = arith.subf %mul3A_311, %max3A_319 : vector<16xf32>
      %exp3A_339 = math.exp %sub3A_338 : vector<16xf32>
      %add3A_340 = arith.addf %add3A_335, %exp3A_339 : vector<16xf32>
      %mul3A_341 = arith.mulf %exp3A_339, %gather3A_125 : vector<16xf32>
      %add3A_342 = arith.addf %add3A_337, %mul3A_341 : vector<16xf32>
      %sub3A_343 = arith.subf %mul3A_312, %max3A_319 : vector<16xf32>
      %exp3A_344 = math.exp %sub3A_343 : vector<16xf32>
      %add3A_345 = arith.addf %add3A_340, %exp3A_344 : vector<16xf32>
      %mul3A_346 = arith.mulf %exp3A_344, %gather3A_126 : vector<16xf32>
      %add3A_347 = arith.addf %add3A_342, %mul3A_346 : vector<16xf32>
      %sub3A_348 = arith.subf %mul3A_313, %max3A_319 : vector<16xf32>
      %exp3A_349 = math.exp %sub3A_348 : vector<16xf32>
      %add3A_350 = arith.addf %add3A_345, %exp3A_349 : vector<16xf32>
      %mul3A_351 = arith.mulf %exp3A_349, %gather3A_127 : vector<16xf32>
      %add3A_352 = arith.addf %add3A_347, %mul3A_351 : vector<16xf32>
      %div3A_353 = arith.divf %add3A_352, %add3A_350 : vector<16xf32>
      %add3A_354 = arith.addf %div3A_353, %div3A_353 : vector<16xf32>
      %exp3A_355 = math.exp %add3A_354 : vector<16xf32>
      %add3A_356 = arith.constant 1.000000e+00 : f32
      %add3A_357 = vector.broadcast %add3A_356 : f32 to vector<16xf32>
      %add3A_358 = arith.addf %exp3A_355, %add3A_357 : vector<16xf32>
      %div3A_359 = arith.constant 2.000000e+00 : f32
      %div3A_360 = vector.broadcast %div3A_359 : f32 to vector<16xf32>
      %div3A_361 = arith.divf %div3A_360, %add3A_358 : vector<16xf32>
      %sub3A_362 = arith.constant 1.000000e+00 : f32
      %sub3A_363 = vector.broadcast %sub3A_362 : f32 to vector<16xf32>
      %sub3A_364 = arith.subf %sub3A_363, %div3A_361 : vector<16xf32>
      %swap3A_365 = arith.constant 48 : index
      %swap3A_366 = tpu.vector_load %arg12[%swap3A_365] {strides = array<i32>} : memref<128xf32, #tpu.memory_space<vmem>>, vector<16xf32>,
      tpu.vector_store %arg12[%swap3A_365], %sub3A_364 {strides = array<i32>} : memref<128xf32, #tpu.memory_space<vmem>>, vector<16xf32>,
      %mul3A_367 = arith.mulf %gather3A_108, %gather3A_112 : vector<16xf32>
      %mul3A_368 = arith.mulf %gather3A_108, %gather3A_113 : vector<16xf32>
      %mul3A_369 = arith.mulf %gather3A_108, %gather3A_114 : vector<16xf32>
      %mul3A_370 = arith.mulf %gather3A_108, %gather3A_115 : vector<16xf32>
      %mul3A_371 = arith.mulf %gather3A_108, %gather3A_116 : vector<16xf32>
      %mul3A_372 = arith.mulf %gather3A_108, %gather3A_117 : vector<16xf32>
      %mul3A_373 = arith.mulf %gather3A_108, %gather3A_118 : vector<16xf32>
      %mul3A_374 = arith.mulf %gather3A_108, %gather3A_119 : vector<16xf32>
      %max3A_375 = arith.maximumf %mul3A_367, %mul3A_368 : vector<16xf32>
      %max3A_376 = arith.maximumf %max3A_375, %mul3A_369 : vector<16xf32>
      %max3A_377 = arith.maximumf %max3A_376, %mul3A_370 : vector<16xf32>
      %max3A_378 = arith.maximumf %max3A_377, %mul3A_372 : vector<16xf32>
      %max3A_379 = arith.maximumf %max3A_378, %mul3A_373 : vector<16xf32>
      %max3A_380 = arith.maximumf %max3A_379, %mul3A_374 : vector<16xf32>
      %sub3A_381 = arith.subf %mul3A_367, %max3A_380 : vector<16xf32>
      %exp3A_382 = math.exp %sub3A_381 : vector<16xf32>
      %mul3A_383 = arith.mulf %exp3A_382, %gather3A_120 : vector<16xf32>
      %sub3A_384 = arith.subf %mul3A_368, %max3A_380 : vector<16xf32>
      %exp3A_385 = math.exp %sub3A_384 : vector<16xf32>
      %add3A_386 = arith.addf %exp3A_382, %exp3A_385 : vector<16xf32>
      %mul3A_387 = arith.mulf %exp3A_385, %gather3A_121 : vector<16xf32>
      %add3A_388 = arith.addf %mul3A_383, %mul3A_387 : vector<16xf32>
      %sub3A_389 = arith.subf %mul3A_369, %max3A_380 : vector<16xf32>
      %exp3A_390 = math.exp %sub3A_389 : vector<16xf32>
      %add3A_391 = arith.addf %add3A_386, %exp3A_390 : vector<16xf32>
      %mul3A_392 = arith.mulf %exp3A_390, %gather3A_122 : vector<16xf32>
      %add3A_393 = arith.addf %add3A_388, %mul3A_392 : vector<16xf32>
      %sub3A_394 = arith.subf %mul3A_370, %max3A_380 : vector<16xf32>
      %exp3A_395 = math.exp %sub3A_394 : vector<16xf32>
      %add3A_396 = arith.addf %add3A_391, %exp3A_395 : vector<16xf32>
      %mul3A_397 = arith.mulf %exp3A_395, %gather3A_123 : vector<16xf32>
      %add3A_398 = arith.addf %add3A_393, %mul3A_397 : vector<16xf32>
      %sub3A_399 = arith.subf %mul3A_372, %max3A_380 : vector<16xf32>
      %exp3A_400 = math.exp %sub3A_399 : vector<16xf32>
      %add3A_401 = arith.addf %add3A_396, %exp3A_400 : vector<16xf32>
      %mul3A_402 = arith.mulf %exp3A_400, %gather3A_125 : vector<16xf32>
      %add3A_403 = arith.addf %add3A_398, %mul3A_402 : vector<16xf32>
      %sub3A_404 = arith.subf %mul3A_373, %max3A_380 : vector<16xf32>
      %exp3A_405 = math.exp %sub3A_404 : vector<16xf32>
      %add3A_406 = arith.addf %add3A_401, %exp3A_405 : vector<16xf32>
      %mul3A_407 = arith.mulf %exp3A_405, %gather3A_126 : vector<16xf32>
      %add3A_408 = arith.addf %add3A_403, %mul3A_407 : vector<16xf32>
      %sub3A_409 = arith.subf %mul3A_374, %max3A_380 : vector<16xf32>
      %exp3A_410 = math.exp %sub3A_409 : vector<16xf32>
      %add3A_411 = arith.addf %add3A_406, %exp3A_410 : vector<16xf32>
      %mul3A_412 = arith.mulf %exp3A_410, %gather3A_127 : vector<16xf32>
      %add3A_413 = arith.addf %add3A_408, %mul3A_412 : vector<16xf32>
      %div3A_414 = arith.divf %add3A_413, %add3A_411 : vector<16xf32>
      %add3A_415 = arith.addf %div3A_414, %div3A_414 : vector<16xf32>
      %exp3A_416 = math.exp %add3A_415 : vector<16xf32>
      %add3A_417 = arith.constant 1.000000e+00 : f32
      %add3A_418 = vector.broadcast %add3A_417 : f32 to vector<16xf32>
      %add3A_419 = arith.addf %exp3A_416, %add3A_418 : vector<16xf32>
      %div3A_420 = arith.constant 2.000000e+00 : f32
      %div3A_421 = vector.broadcast %div3A_420 : f32 to vector<16xf32>
      %div3A_422 = arith.divf %div3A_421, %add3A_419 : vector<16xf32>
      %sub3A_423 = arith.constant 1.000000e+00 : f32
      %sub3A_424 = vector.broadcast %sub3A_423 : f32 to vector<16xf32>
      %sub3A_425 = arith.subf %sub3A_424, %div3A_422 : vector<16xf32>
      %swap3A_426 = arith.constant 64 : index
      %swap3A_427 = tpu.vector_load %arg12[%swap3A_426] {strides = array<i32>} : memref<128xf32, #tpu.memory_space<vmem>>, vector<16xf32>,
      tpu.vector_store %arg12[%swap3A_426], %sub3A_425 {strides = array<i32>} : memref<128xf32, #tpu.memory_space<vmem>>, vector<16xf32>,
      %mul3A_428 = arith.mulf %gather3A_109, %gather3A_112 : vector<16xf32>
      %mul3A_429 = arith.mulf %gather3A_109, %gather3A_113 : vector<16xf32>
      %mul3A_430 = arith.mulf %gather3A_109, %gather3A_114 : vector<16xf32>
      %mul3A_431 = arith.mulf %gather3A_109, %gather3A_115 : vector<16xf32>
      %mul3A_432 = arith.mulf %gather3A_109, %gather3A_116 : vector<16xf32>
      %mul3A_433 = arith.mulf %gather3A_109, %gather3A_117 : vector<16xf32>
      %mul3A_434 = arith.mulf %gather3A_109, %gather3A_118 : vector<16xf32>
      %mul3A_435 = arith.mulf %gather3A_109, %gather3A_119 : vector<16xf32>
      %max3A_436 = arith.maximumf %mul3A_428, %mul3A_429 : vector<16xf32>
      %max3A_437 = arith.maximumf %max3A_436, %mul3A_430 : vector<16xf32>
      %max3A_438 = arith.maximumf %max3A_437, %mul3A_431 : vector<16xf32>
      %max3A_439 = arith.maximumf %max3A_438, %mul3A_432 : vector<16xf32>
      %max3A_440 = arith.maximumf %max3A_439, %mul3A_434 : vector<16xf32>
      %max3A_441 = arith.maximumf %max3A_440, %mul3A_435 : vector<16xf32>
      %sub3A_442 = arith.subf %mul3A_428, %max3A_441 : vector<16xf32>
      %exp3A_443 = math.exp %sub3A_442 : vector<16xf32>
      %mul3A_444 = arith.mulf %exp3A_443, %gather3A_120 : vector<16xf32>
      %sub3A_445 = arith.subf %mul3A_429, %max3A_441 : vector<16xf32>
      %exp3A_446 = math.exp %sub3A_445 : vector<16xf32>
      %add3A_447 = arith.addf %exp3A_443, %exp3A_446 : vector<16xf32>
      %mul3A_448 = arith.mulf %exp3A_446, %gather3A_121 : vector<16xf32>
      %add3A_449 = arith.addf %mul3A_444, %mul3A_448 : vector<16xf32>
      %sub3A_450 = arith.subf %mul3A_430, %max3A_441 : vector<16xf32>
      %exp3A_451 = math.exp %sub3A_450 : vector<16xf32>
      %add3A_452 = arith.addf %add3A_447, %exp3A_451 : vector<16xf32>
      %mul3A_453 = arith.mulf %exp3A_451, %gather3A_122 : vector<16xf32>
      %add3A_454 = arith.addf %add3A_449, %mul3A_453 : vector<16xf32>
      %sub3A_455 = arith.subf %mul3A_431, %max3A_441 : vector<16xf32>
      %exp3A_456 = math.exp %sub3A_455 : vector<16xf32>
      %add3A_457 = arith.addf %add3A_452, %exp3A_456 : vector<16xf32>
      %mul3A_458 = arith.mulf %exp3A_456, %gather3A_123 : vector<16xf32>
      %add3A_459 = arith.addf %add3A_454, %mul3A_458 : vector<16xf32>
      %sub3A_460 = arith.subf %mul3A_432, %max3A_441 : vector<16xf32>
      %exp3A_461 = math.exp %sub3A_460 : vector<16xf32>
      %add3A_462 = arith.addf %add3A_457, %exp3A_461 : vector<16xf32>
      %mul3A_463 = arith.mulf %exp3A_461, %gather3A_124 : vector<16xf32>
      %add3A_464 = arith.addf %add3A_459, %mul3A_463 : vector<16xf32>
      %sub3A_465 = arith.subf %mul3A_434, %max3A_441 : vector<16xf32>
      %exp3A_466 = math.exp %sub3A_465 : vector<16xf32>
      %add3A_467 = arith.addf %add3A_462, %exp3A_466 : vector<16xf32>
      %mul3A_468 = arith.mulf %exp3A_466, %gather3A_126 : vector<16xf32>
      %add3A_469 = arith.addf %add3A_464, %mul3A_468 : vector<16xf32>
      %sub3A_470 = arith.subf %mul3A_435, %max3A_441 : vector<16xf32>
      %exp3A_471 = math.exp %sub3A_470 : vector<16xf32>
      %add3A_472 = arith.addf %add3A_467, %exp3A_471 : vector<16xf32>
      %mul3A_473 = arith.mulf %exp3A_471, %gather3A_127 : vector<16xf32>
      %add3A_474 = arith.addf %add3A_469, %mul3A_473 : vector<16xf32>
      %div3A_475 = arith.divf %add3A_474, %add3A_472 : vector<16xf32>
      %add3A_476 = arith.addf %div3A_475, %div3A_475 : vector<16xf32>
      %exp3A_477 = math.exp %add3A_476 : vector<16xf32>
      %add3A_478 = arith.constant 1.000000e+00 : f32
      %add3A_479 = vector.broadcast %add3A_478 : f32 to vector<16xf32>
      %add3A_480 = arith.addf %exp3A_477, %add3A_479 : vector<16xf32>
      %div3A_481 = arith.constant 2.000000e+00 : f32
      %div3A_482 = vector.broadcast %div3A_481 : f32 to vector<16xf32>
      %div3A_483 = arith.divf %div3A_482, %add3A_480 : vector<16xf32>
      %sub3A_484 = arith.constant 1.000000e+00 : f32
      %sub3A_485 = vector.broadcast %sub3A_484 : f32 to vector<16xf32>
      %sub3A_486 = arith.subf %sub3A_485, %div3A_483 : vector<16xf32>
      %swap3A_487 = arith.constant 80 : index
      %swap3A_488 = tpu.vector_load %arg12[%swap3A_487] {strides = array<i32>} : memref<128xf32, #tpu.memory_space<vmem>>, vector<16xf32>,
      tpu.vector_store %arg12[%swap3A_487], %sub3A_486 {strides = array<i32>} : memref<128xf32, #tpu.memory_space<vmem>>, vector<16xf32>,
      %mul3A_489 = arith.mulf %gather3A_110, %gather3A_112 : vector<16xf32>
      %mul3A_490 = arith.mulf %gather3A_110, %gather3A_113 : vector<16xf32>
      %mul3A_491 = arith.mulf %gather3A_110, %gather3A_114 : vector<16xf32>
      %mul3A_492 = arith.mulf %gather3A_110, %gather3A_115 : vector<16xf32>
      %mul3A_493 = arith.mulf %gather3A_110, %gather3A_116 : vector<16xf32>
      %mul3A_494 = arith.mulf %gather3A_110, %gather3A_117 : vector<16xf32>
      %mul3A_495 = arith.mulf %gather3A_110, %gather3A_118 : vector<16xf32>
      %mul3A_496 = arith.mulf %gather3A_110, %gather3A_119 : vector<16xf32>
      %max3A_497 = arith.maximumf %mul3A_489, %mul3A_490 : vector<16xf32>
      %max3A_498 = arith.maximumf %max3A_497, %mul3A_491 : vector<16xf32>
      %max3A_499 = arith.maximumf %max3A_498, %mul3A_492 : vector<16xf32>
      %max3A_500 = arith.maximumf %max3A_499, %mul3A_493 : vector<16xf32>
      %max3A_501 = arith.maximumf %max3A_500, %mul3A_494 : vector<16xf32>
      %max3A_502 = arith.maximumf %max3A_501, %mul3A_496 : vector<16xf32>
      %sub3A_503 = arith.subf %mul3A_489, %max3A_502 : vector<16xf32>
      %exp3A_504 = math.exp %sub3A_503 : vector<16xf32>
      %mul3A_505 = arith.mulf %exp3A_504, %gather3A_120 : vector<16xf32>
      %sub3A_506 = arith.subf %mul3A_490, %max3A_502 : vector<16xf32>
      %exp3A_507 = math.exp %sub3A_506 : vector<16xf32>
      %add3A_508 = arith.addf %exp3A_504, %exp3A_507 : vector<16xf32>
      %mul3A_509 = arith.mulf %exp3A_507, %gather3A_121 : vector<16xf32>
      %add3A_510 = arith.addf %mul3A_505, %mul3A_509 : vector<16xf32>
      %sub3A_511 = arith.subf %mul3A_491, %max3A_502 : vector<16xf32>
      %exp3A_512 = math.exp %sub3A_511 : vector<16xf32>
      %add3A_513 = arith.addf %add3A_508, %exp3A_512 : vector<16xf32>
      %mul3A_514 = arith.mulf %exp3A_512, %gather3A_122 : vector<16xf32>
      %add3A_515 = arith.addf %add3A_510, %mul3A_514 : vector<16xf32>
      %sub3A_516 = arith.subf %mul3A_492, %max3A_502 : vector<16xf32>
      %exp3A_517 = math.exp %sub3A_516 : vector<16xf32>
      %add3A_518 = arith.addf %add3A_513, %exp3A_517 : vector<16xf32>
      %mul3A_519 = arith.mulf %exp3A_517, %gather3A_123 : vector<16xf32>
      %add3A_520 = arith.addf %add3A_515, %mul3A_519 : vector<16xf32>
      %sub3A_521 = arith.subf %mul3A_493, %max3A_502 : vector<16xf32>
      %exp3A_522 = math.exp %sub3A_521 : vector<16xf32>
      %add3A_523 = arith.addf %add3A_518, %exp3A_522 : vector<16xf32>
      %mul3A_524 = arith.mulf %exp3A_522, %gather3A_124 : vector<16xf32>
      %add3A_525 = arith.addf %add3A_520, %mul3A_524 : vector<16xf32>
      %sub3A_526 = arith.subf %mul3A_494, %max3A_502 : vector<16xf32>
      %exp3A_527 = math.exp %sub3A_526 : vector<16xf32>
      %add3A_528 = arith.addf %add3A_523, %exp3A_527 : vector<16xf32>
      %mul3A_529 = arith.mulf %exp3A_527, %gather3A_125 : vector<16xf32>
      %add3A_530 = arith.addf %add3A_525, %mul3A_529 : vector<16xf32>
      %sub3A_531 = arith.subf %mul3A_496, %max3A_502 : vector<16xf32>
      %exp3A_532 = math.exp %sub3A_531 : vector<16xf32>
      %add3A_533 = arith.addf %add3A_528, %exp3A_532 : vector<16xf32>
      %mul3A_534 = arith.mulf %exp3A_532, %gather3A_127 : vector<16xf32>
      %add3A_535 = arith.addf %add3A_530, %mul3A_534 : vector<16xf32>
      %div3A_536 = arith.divf %add3A_535, %add3A_533 : vector<16xf32>
      %add3A_537 = arith.addf %div3A_536, %div3A_536 : vector<16xf32>
      %exp3A_538 = math.exp %add3A_537 : vector<16xf32>
      %add3A_539 = arith.constant 1.000000e+00 : f32
      %add3A_540 = vector.broadcast %add3A_539 : f32 to vector<16xf32>
      %add3A_541 = arith.addf %exp3A_538, %add3A_540 : vector<16xf32>
      %div3A_542 = arith.constant 2.000000e+00 : f32
      %div3A_543 = vector.broadcast %div3A_542 : f32 to vector<16xf32>
      %div3A_544 = arith.divf %div3A_543, %add3A_541 : vector<16xf32>
      %sub3A_545 = arith.constant 1.000000e+00 : f32
      %sub3A_546 = vector.broadcast %sub3A_545 : f32 to vector<16xf32>
      %sub3A_547 = arith.subf %sub3A_546, %div3A_544 : vector<16xf32>
      %swap3A_548 = arith.constant 96 : index
      %swap3A_549 = tpu.vector_load %arg12[%swap3A_548] {strides = array<i32>} : memref<128xf32, #tpu.memory_space<vmem>>, vector<16xf32>,
      tpu.vector_store %arg12[%swap3A_548], %sub3A_547 {strides = array<i32>} : memref<128xf32, #tpu.memory_space<vmem>>, vector<16xf32>,
      %mul3A_550 = arith.mulf %gather3A_111, %gather3A_112 : vector<16xf32>
      %mul3A_551 = arith.mulf %gather3A_111, %gather3A_113 : vector<16xf32>
      %mul3A_552 = arith.mulf %gather3A_111, %gather3A_114 : vector<16xf32>
      %mul3A_553 = arith.mulf %gather3A_111, %gather3A_115 : vector<16xf32>
      %mul3A_554 = arith.mulf %gather3A_111, %gather3A_116 : vector<16xf32>
      %mul3A_555 = arith.mulf %gather3A_111, %gather3A_117 : vector<16xf32>
      %mul3A_556 = arith.mulf %gather3A_111, %gather3A_118 : vector<16xf32>
      %mul3A_557 = arith.mulf %gather3A_111, %gather3A_119 : vector<16xf32>
      %max3A_558 = arith.maximumf %mul3A_550, %mul3A_551 : vector<16xf32>
      %max3A_559 = arith.maximumf %max3A_558, %mul3A_552 : vector<16xf32>
      %max3A_560 = arith.maximumf %max3A_559, %mul3A_553 : vector<16xf32>
      %max3A_561 = arith.maximumf %max3A_560, %mul3A_554 : vector<16xf32>
      %max3A_562 = arith.maximumf %max3A_561, %mul3A_555 : vector<16xf32>
      %max3A_563 = arith.maximumf %max3A_562, %mul3A_556 : vector<16xf32>
      %sub3A_564 = arith.subf %mul3A_550, %max3A_563 : vector<16xf32>
      %exp3A_565 = math.exp %sub3A_564 : vector<16xf32>
      %mul3A_566 = arith.mulf %exp3A_565, %gather3A_120 : vector<16xf32>
      %sub3A_567 = arith.subf %mul3A_551, %max3A_563 : vector<16xf32>
      %exp3A_568 = math.exp %sub3A_567 : vector<16xf32>
      %add3A_569 = arith.addf %exp3A_565, %exp3A_568 : vector<16xf32>
      %mul3A_570 = arith.mulf %exp3A_568, %gather3A_121 : vector<16xf32>
      %add3A_571 = arith.addf %mul3A_566, %mul3A_570 : vector<16xf32>
      %sub3A_572 = arith.subf %mul3A_552, %max3A_563 : vector<16xf32>
      %exp3A_573 = math.exp %sub3A_572 : vector<16xf32>
      %add3A_574 = arith.addf %add3A_569, %exp3A_573 : vector<16xf32>
      %mul3A_575 = arith.mulf %exp3A_573, %gather3A_122 : vector<16xf32>
      %add3A_576 = arith.addf %add3A_571, %mul3A_575 : vector<16xf32>
      %sub3A_577 = arith.subf %mul3A_553, %max3A_563 : vector<16xf32>
      %exp3A_578 = math.exp %sub3A_577 : vector<16xf32>
      %add3A_579 = arith.addf %add3A_574, %exp3A_578 : vector<16xf32>
      %mul3A_580 = arith.mulf %exp3A_578, %gather3A_123 : vector<16xf32>
      %add3A_581 = arith.addf %add3A_576, %mul3A_580 : vector<16xf32>
      %sub3A_582 = arith.subf %mul3A_554, %max3A_563 : vector<16xf32>
      %exp3A_583 = math.exp %sub3A_582 : vector<16xf32>
      %add3A_584 = arith.addf %add3A_579, %exp3A_583 : vector<16xf32>
      %mul3A_585 = arith.mulf %exp3A_583, %gather3A_124 : vector<16xf32>
      %add3A_586 = arith.addf %add3A_581, %mul3A_585 : vector<16xf32>
      %sub3A_587 = arith.subf %mul3A_555, %max3A_563 : vector<16xf32>
      %exp3A_588 = math.exp %sub3A_587 : vector<16xf32>
      %add3A_589 = arith.addf %add3A_584, %exp3A_588 : vector<16xf32>
      %mul3A_590 = arith.mulf %exp3A_588, %gather3A_125 : vector<16xf32>
      %add3A_591 = arith.addf %add3A_586, %mul3A_590 : vector<16xf32>
      %sub3A_592 = arith.subf %mul3A_556, %max3A_563 : vector<16xf32>
      %exp3A_593 = math.exp %sub3A_592 : vector<16xf32>
      %add3A_594 = arith.addf %add3A_589, %exp3A_593 : vector<16xf32>
      %mul3A_595 = arith.mulf %exp3A_593, %gather3A_126 : vector<16xf32>
      %add3A_596 = arith.addf %add3A_591, %mul3A_595 : vector<16xf32>
      %div3A_597 = arith.divf %add3A_596, %add3A_594 : vector<16xf32>
      %add3A_598 = arith.addf %div3A_597, %div3A_597 : vector<16xf32>
      %exp3A_599 = math.exp %add3A_598 : vector<16xf32>
      %add3A_600 = arith.constant 1.000000e+00 : f32
      %add3A_601 = vector.broadcast %add3A_600 : f32 to vector<16xf32>
      %add3A_602 = arith.addf %exp3A_599, %add3A_601 : vector<16xf32>
      %div3A_603 = arith.constant 2.000000e+00 : f32
      %div3A_604 = vector.broadcast %div3A_603 : f32 to vector<16xf32>
      %div3A_605 = arith.divf %div3A_604, %add3A_602 : vector<16xf32>
      %sub3A_606 = arith.constant 1.000000e+00 : f32
      %sub3A_607 = vector.broadcast %sub3A_606 : f32 to vector<16xf32>
      %sub3A_608 = arith.subf %sub3A_607, %div3A_605 : vector<16xf32>
      %swap3A_609 = arith.constant 112 : index
      %swap3A_610 = tpu.vector_load %arg12[%swap3A_609] {strides = array<i32>} : memref<128xf32, #tpu.memory_space<vmem>>, vector<16xf32>,
      tpu.vector_store %arg12[%swap3A_609], %sub3A_608 {strides = array<i32>} : memref<128xf32, #tpu.memory_space<vmem>>, vector<16xf32>,
      %mul3A_611 = arith.constant 128 : i32
      %mul3A_612 = arith.muli %add3A_33, %mul3A_611 : i32
      %dma_wait3A_613 = tpu.memref_slice %arg7[%mul3A_612] : memref<1024xi32, #tpu.memory_space<vmem>> -> memref<128xi32, #tpu.memory_space<vmem>>
      %dma_wait3A_614 = arith.constant 0 : i32
      %dma_wait3A_615 = arith.constant 0 : i32
      %dma_wait3A_616 = tpu.memref_slice %arg2[%dma_wait3A_614, %dma_wait3A_615] : memref<10000x256xf32, #tpu.memory_space<hbm>> -> memref<10000x256xf32, #tpu.memory_space<hbm>>
      tpu.wait_indirect_dma semaphore(%arg13 : memref<!tpu.dma_semaphore, #tpu.memory_space<semaphore_mem>>) src(%dma_wait3A_616 : memref<10000x256xf32, #tpu.memory_space<hbm>>) dst(%arg8 : memref<128x256xf32, #tpu.memory_space<vmem>>)
      %ge3A = arith.constant 2 : i32
      %ge3A_617 = arith.cmpi sge, %add3A_33, %ge3A : i32
      %convert_element_type3A = arith.extui %ge3A_617 : i1 to i32
      %cond3A = arith.constant 0 : i32
      %cond3A_618 = arith.cmpi ne, %convert_element_type3A, %cond3A : i32
      scf.if %cond3A_618 {
        %sub3A_1249 = arith.constant 2 : i32
        %sub3A_1250 = arith.subi %add3A_33, %sub3A_1249 : i32
        %mul3A_1251 = arith.constant 16 : i32
        %mul3A_1252 = arith.muli %sub3A_1250, %mul3A_1251 : i32
        %add3A_1253 = arith.addi %mul3A_2, %mul3A_1252 : i32
        %dma_wait3A_1254 = arith.constant 0 : i32
        %dma_wait3A_1255 = tpu.memref_slice %arg5[%add3A_1253, %dma_wait3A_1254] : memref<4096x256xf32, #tpu.memory_space<hbm>> -> memref<16x256xf32, #tpu.memory_space<hbm>>
        %dma_wait3A_1256 = arith.constant 0 : i32
        %dma_wait3A_1257 = tpu.memref_slice %arg5[%add3A_1253, %dma_wait3A_1256] : memref<4096x256xf32, #tpu.memory_space<hbm>> -> memref<16x256xf32, #tpu.memory_space<hbm>>
        tpu.wait_dma2 semaphore(%arg15 : memref<!tpu.dma_semaphore, #tpu.memory_space<semaphore_mem>>) src(%arg10 : memref<16x256xf32, #tpu.memory_space<vmem>>) dst(%dma_wait3A_1257 : memref<16x256xf32, #tpu.memory_space<hbm>>)
      } else {
      }
      %parallel_loop3A = arith.constant 0 : i32
      %parallel_loop3A_619 = arith.constant 16 : i32
      %parallel_loop3A_620 = arith.constant 1 : i32
      scf.for %parallel_loop3A_1249 = %parallel_loop3A to %parallel_loop3A_619 step %parallel_loop3A_620  : i32 {
        %parallel_loop3A_1250 = arith.constant 0 : i32
        %parallel_loop3A_1251 = vector.broadcast %parallel_loop3A_1250 : i32 to vector<16xi32>
        %parallel_loop3A_1252 = vector.broadcast %parallel_loop3A_1249 : i32 to vector<16xi32>
        %parallel_loop3A_1253 = arith.addi %parallel_loop3A_1251, %parallel_loop3A_1252 : vector<16xi32>
        %parallel_loop3A_1254 = tpu.vector_load_idx %arg12[%parallel_loop3A_1253] : memref<128xf32, #tpu.memory_space<vmem>>[vector<16xi32>], vector<16xf32>,
        %parallel_loop3A_1255 = arith.constant 16 : i32
        %parallel_loop3A_1256 = vector.broadcast %parallel_loop3A_1255 : i32 to vector<16xi32>
        %parallel_loop3A_1257 = vector.broadcast %parallel_loop3A_1249 : i32 to vector<16xi32>
        %parallel_loop3A_1258 = arith.addi %parallel_loop3A_1256, %parallel_loop3A_1257 : vector<16xi32>
        %parallel_loop3A_1259 = tpu.vector_load_idx %arg12[%parallel_loop3A_1258] : memref<128xf32, #tpu.memory_space<vmem>>[vector<16xi32>], vector<16xf32>,
        %parallel_loop3A_1260 = arith.constant 32 : i32
        %parallel_loop3A_1261 = vector.broadcast %parallel_loop3A_1260 : i32 to vector<16xi32>
        %parallel_loop3A_1262 = vector.broadcast %parallel_loop3A_1249 : i32 to vector<16xi32>
        %parallel_loop3A_1263 = arith.addi %parallel_loop3A_1261, %parallel_loop3A_1262 : vector<16xi32>
        %parallel_loop3A_1264 = tpu.vector_load_idx %arg12[%parallel_loop3A_1263] : memref<128xf32, #tpu.memory_space<vmem>>[vector<16xi32>], vector<16xf32>,
        %parallel_loop3A_1265 = arith.constant 48 : i32
        %parallel_loop3A_1266 = vector.broadcast %parallel_loop3A_1265 : i32 to vector<16xi32>
        %parallel_loop3A_1267 = vector.broadcast %parallel_loop3A_1249 : i32 to vector<16xi32>
        %parallel_loop3A_1268 = arith.addi %parallel_loop3A_1266, %parallel_loop3A_1267 : vector<16xi32>
        %parallel_loop3A_1269 = tpu.vector_load_idx %arg12[%parallel_loop3A_1268] : memref<128xf32, #tpu.memory_space<vmem>>[vector<16xi32>], vector<16xf32>,
        %parallel_loop3A_1270 = arith.constant 64 : i32
        %parallel_loop3A_1271 = vector.broadcast %parallel_loop3A_1270 : i32 to vector<16xi32>
        %parallel_loop3A_1272 = vector.broadcast %parallel_loop3A_1249 : i32 to vector<16xi32>
        %parallel_loop3A_1273 = arith.addi %parallel_loop3A_1271, %parallel_loop3A_1272 : vector<16xi32>
        %parallel_loop3A_1274 = tpu.vector_load_idx %arg12[%parallel_loop3A_1273] : memref<128xf32, #tpu.memory_space<vmem>>[vector<16xi32>], vector<16xf32>,
        %parallel_loop3A_1275 = arith.constant 80 : i32
        %parallel_loop3A_1276 = vector.broadcast %parallel_loop3A_1275 : i32 to vector<16xi32>
        %parallel_loop3A_1277 = vector.broadcast %parallel_loop3A_1249 : i32 to vector<16xi32>
        %parallel_loop3A_1278 = arith.addi %parallel_loop3A_1276, %parallel_loop3A_1277 : vector<16xi32>
        %parallel_loop3A_1279 = tpu.vector_load_idx %arg12[%parallel_loop3A_1278] : memref<128xf32, #tpu.memory_space<vmem>>[vector<16xi32>], vector<16xf32>,
        %parallel_loop3A_1280 = arith.constant 96 : i32
        %parallel_loop3A_1281 = vector.broadcast %parallel_loop3A_1280 : i32 to vector<16xi32>
        %parallel_loop3A_1282 = vector.broadcast %parallel_loop3A_1249 : i32 to vector<16xi32>
        %parallel_loop3A_1283 = arith.addi %parallel_loop3A_1281, %parallel_loop3A_1282 : vector<16xi32>
        %parallel_loop3A_1284 = tpu.vector_load_idx %arg12[%parallel_loop3A_1283] : memref<128xf32, #tpu.memory_space<vmem>>[vector<16xi32>], vector<16xf32>,
        %parallel_loop3A_1285 = arith.constant 112 : i32
        %parallel_loop3A_1286 = vector.broadcast %parallel_loop3A_1285 : i32 to vector<16xi32>
        %parallel_loop3A_1287 = vector.broadcast %parallel_loop3A_1249 : i32 to vector<16xi32>
        %parallel_loop3A_1288 = arith.addi %parallel_loop3A_1286, %parallel_loop3A_1287 : vector<16xi32>
        %parallel_loop3A_1289 = tpu.vector_load_idx %arg12[%parallel_loop3A_1288] : memref<128xf32, #tpu.memory_space<vmem>>[vector<16xi32>], vector<16xf32>,
        %parallel_loop3A_1290 = arith.constant 0 : i32
        %parallel_loop3A_1291 = arith.constant 16 : i32
        %parallel_loop3A_1292 = arith.constant 1 : i32
        scf.for %parallel_loop3A_1293 = %parallel_loop3A_1290 to %parallel_loop3A_1291 step %parallel_loop3A_1292  : i32 {
          %parallel_loop3A_1294 = arith.constant 8 : i32
          %parallel_loop3A_1295 = arith.muli %parallel_loop3A_1249, %parallel_loop3A_1294 : i32
          %parallel_loop3A_1296 = arith.constant 16 : i32
          %parallel_loop3A_1297 = arith.muli %parallel_loop3A_1293, %parallel_loop3A_1296 : i32
          %parallel_loop3A_1298 = arith.index_cast %parallel_loop3A_1295 : i32 to index
          %parallel_loop3A_1299 = arith.index_cast %parallel_loop3A_1297 : i32 to index
          %parallel_loop3A_1300 = tpu.vector_load %arg8[%parallel_loop3A_1298, %parallel_loop3A_1299] {strides = array<i32>} : memref<128x256xf32, #tpu.memory_space<vmem>>, vector<16xf32>,
          %parallel_loop3A_1301 = arith.mulf %parallel_loop3A_1254, %parallel_loop3A_1300 : vector<16xf32>
          %parallel_loop3A_1302 = arith.constant 8 : i32
          %parallel_loop3A_1303 = arith.muli %parallel_loop3A_1249, %parallel_loop3A_1302 : i32
          %parallel_loop3A_1304 = arith.constant 1 : i32
          %parallel_loop3A_1305 = arith.addi %parallel_loop3A_1303, %parallel_loop3A_1304 : i32
          %parallel_loop3A_1306 = arith.constant 16 : i32
          %parallel_loop3A_1307 = arith.muli %parallel_loop3A_1293, %parallel_loop3A_1306 : i32
          %parallel_loop3A_1308 = arith.index_cast %parallel_loop3A_1305 : i32 to index
          %parallel_loop3A_1309 = arith.index_cast %parallel_loop3A_1307 : i32 to index
          %parallel_loop3A_1310 = tpu.vector_load %arg8[%parallel_loop3A_1308, %parallel_loop3A_1309] {strides = array<i32>} : memref<128x256xf32, #tpu.memory_space<vmem>>, vector<16xf32>,
          %parallel_loop3A_1311 = arith.mulf %parallel_loop3A_1259, %parallel_loop3A_1310 : vector<16xf32>
          %parallel_loop3A_1312 = arith.addf %parallel_loop3A_1301, %parallel_loop3A_1311 : vector<16xf32>
          %parallel_loop3A_1313 = arith.constant 8 : i32
          %parallel_loop3A_1314 = arith.muli %parallel_loop3A_1249, %parallel_loop3A_1313 : i32
          %parallel_loop3A_1315 = arith.constant 2 : i32
          %parallel_loop3A_1316 = arith.addi %parallel_loop3A_1314, %parallel_loop3A_1315 : i32
          %parallel_loop3A_1317 = arith.constant 16 : i32
          %parallel_loop3A_1318 = arith.muli %parallel_loop3A_1293, %parallel_loop3A_1317 : i32
          %parallel_loop3A_1319 = arith.index_cast %parallel_loop3A_1316 : i32 to index
          %parallel_loop3A_1320 = arith.index_cast %parallel_loop3A_1318 : i32 to index
          %parallel_loop3A_1321 = tpu.vector_load %arg8[%parallel_loop3A_1319, %parallel_loop3A_1320] {strides = array<i32>} : memref<128x256xf32, #tpu.memory_space<vmem>>, vector<16xf32>,
          %parallel_loop3A_1322 = arith.mulf %parallel_loop3A_1264, %parallel_loop3A_1321 : vector<16xf32>
          %parallel_loop3A_1323 = arith.addf %parallel_loop3A_1312, %parallel_loop3A_1322 : vector<16xf32>
          %parallel_loop3A_1324 = arith.constant 8 : i32
          %parallel_loop3A_1325 = arith.muli %parallel_loop3A_1249, %parallel_loop3A_1324 : i32
          %parallel_loop3A_1326 = arith.constant 3 : i32
          %parallel_loop3A_1327 = arith.addi %parallel_loop3A_1325, %parallel_loop3A_1326 : i32
          %parallel_loop3A_1328 = arith.constant 16 : i32
          %parallel_loop3A_1329 = arith.muli %parallel_loop3A_1293, %parallel_loop3A_1328 : i32
          %parallel_loop3A_1330 = arith.index_cast %parallel_loop3A_1327 : i32 to index
          %parallel_loop3A_1331 = arith.index_cast %parallel_loop3A_1329 : i32 to index
          %parallel_loop3A_1332 = tpu.vector_load %arg8[%parallel_loop3A_1330, %parallel_loop3A_1331] {strides = array<i32>} : memref<128x256xf32, #tpu.memory_space<vmem>>, vector<16xf32>,
          %parallel_loop3A_1333 = arith.mulf %parallel_loop3A_1269, %parallel_loop3A_1332 : vector<16xf32>
          %parallel_loop3A_1334 = arith.addf %parallel_loop3A_1323, %parallel_loop3A_1333 : vector<16xf32>
          %parallel_loop3A_1335 = arith.constant 8 : i32
          %parallel_loop3A_1336 = arith.muli %parallel_loop3A_1249, %parallel_loop3A_1335 : i32
          %parallel_loop3A_1337 = arith.constant 4 : i32
          %parallel_loop3A_1338 = arith.addi %parallel_loop3A_1336, %parallel_loop3A_1337 : i32
          %parallel_loop3A_1339 = arith.constant 16 : i32
          %parallel_loop3A_1340 = arith.muli %parallel_loop3A_1293, %parallel_loop3A_1339 : i32
          %parallel_loop3A_1341 = arith.index_cast %parallel_loop3A_1338 : i32 to index
          %parallel_loop3A_1342 = arith.index_cast %parallel_loop3A_1340 : i32 to index
          %parallel_loop3A_1343 = tpu.vector_load %arg8[%parallel_loop3A_1341, %parallel_loop3A_1342] {strides = array<i32>} : memref<128x256xf32, #tpu.memory_space<vmem>>, vector<16xf32>,
          %parallel_loop3A_1344 = arith.mulf %parallel_loop3A_1274, %parallel_loop3A_1343 : vector<16xf32>
          %parallel_loop3A_1345 = arith.addf %parallel_loop3A_1334, %parallel_loop3A_1344 : vector<16xf32>
          %parallel_loop3A_1346 = arith.constant 8 : i32
          %parallel_loop3A_1347 = arith.muli %parallel_loop3A_1249, %parallel_loop3A_1346 : i32
          %parallel_loop3A_1348 = arith.constant 5 : i32
          %parallel_loop3A_1349 = arith.addi %parallel_loop3A_1347, %parallel_loop3A_1348 : i32
          %parallel_loop3A_1350 = arith.constant 16 : i32
          %parallel_loop3A_1351 = arith.muli %parallel_loop3A_1293, %parallel_loop3A_1350 : i32
          %parallel_loop3A_1352 = arith.index_cast %parallel_loop3A_1349 : i32 to index
          %parallel_loop3A_1353 = arith.index_cast %parallel_loop3A_1351 : i32 to index
          %parallel_loop3A_1354 = tpu.vector_load %arg8[%parallel_loop3A_1352, %parallel_loop3A_1353] {strides = array<i32>} : memref<128x256xf32, #tpu.memory_space<vmem>>, vector<16xf32>,
          %parallel_loop3A_1355 = arith.mulf %parallel_loop3A_1279, %parallel_loop3A_1354 : vector<16xf32>
          %parallel_loop3A_1356 = arith.addf %parallel_loop3A_1345, %parallel_loop3A_1355 : vector<16xf32>
          %parallel_loop3A_1357 = arith.constant 8 : i32
          %parallel_loop3A_1358 = arith.muli %parallel_loop3A_1249, %parallel_loop3A_1357 : i32
          %parallel_loop3A_1359 = arith.constant 6 : i32
          %parallel_loop3A_1360 = arith.addi %parallel_loop3A_1358, %parallel_loop3A_1359 : i32
          %parallel_loop3A_1361 = arith.constant 16 : i32
          %parallel_loop3A_1362 = arith.muli %parallel_loop3A_1293, %parallel_loop3A_1361 : i32
          %parallel_loop3A_1363 = arith.index_cast %parallel_loop3A_1360 : i32 to index
          %parallel_loop3A_1364 = arith.index_cast %parallel_loop3A_1362 : i32 to index
          %parallel_loop3A_1365 = tpu.vector_load %arg8[%parallel_loop3A_1363, %parallel_loop3A_1364] {strides = array<i32>} : memref<128x256xf32, #tpu.memory_space<vmem>>, vector<16xf32>,
          %parallel_loop3A_1366 = arith.mulf %parallel_loop3A_1284, %parallel_loop3A_1365 : vector<16xf32>
          %parallel_loop3A_1367 = arith.addf %parallel_loop3A_1356, %parallel_loop3A_1366 : vector<16xf32>
          %parallel_loop3A_1368 = arith.constant 8 : i32
          %parallel_loop3A_1369 = arith.muli %parallel_loop3A_1249, %parallel_loop3A_1368 : i32
          %parallel_loop3A_1370 = arith.constant 7 : i32
          %parallel_loop3A_1371 = arith.addi %parallel_loop3A_1369, %parallel_loop3A_1370 : i32
          %parallel_loop3A_1372 = arith.constant 16 : i32
          %parallel_loop3A_1373 = arith.muli %parallel_loop3A_1293, %parallel_loop3A_1372 : i32
          %parallel_loop3A_1374 = arith.index_cast %parallel_loop3A_1371 : i32 to index
          %parallel_loop3A_1375 = arith.index_cast %parallel_loop3A_1373 : i32 to index
          %parallel_loop3A_1376 = tpu.vector_load %arg8[%parallel_loop3A_1374, %parallel_loop3A_1375] {strides = array<i32>} : memref<128x256xf32, #tpu.memory_space<vmem>>, vector<16xf32>,
          %parallel_loop3A_1377 = arith.mulf %parallel_loop3A_1289, %parallel_loop3A_1376 : vector<16xf32>
          %parallel_loop3A_1378 = arith.addf %parallel_loop3A_1367, %parallel_loop3A_1377 : vector<16xf32>
          %parallel_loop3A_1379 = arith.constant 16 : i32
          %parallel_loop3A_1380 = arith.muli %parallel_loop3A_1293, %parallel_loop3A_1379 : i32
          %parallel_loop3A_1381 = arith.index_cast %parallel_loop3A_1249 : i32 to index
          %parallel_loop3A_1382 = arith.index_cast %parallel_loop3A_1380 : i32 to index
          %parallel_loop3A_1383 = tpu.vector_load %arg10[%parallel_loop3A_1381, %parallel_loop3A_1382] {strides = array<i32>} : memref<16x256xf32, #tpu.memory_space<vmem>>, vector<16xf32>,
          tpu.vector_store %arg10[%parallel_loop3A_1381, %parallel_loop3A_1382], %parallel_loop3A_1378 {strides = array<i32>} : memref<16x256xf32, #tpu.memory_space<vmem>>, vector<16xf32>,
        } {sc.loop_unroll_factor = 4 : i64, sc.parallel_access}
      } {sc.loop_unroll_factor = 1 : i64, sc.parallel_access}
      %mul3A_621 = arith.constant 16 : i32
      %mul3A_622 = arith.muli %add3A_33, %mul3A_621 : i32
      %add3A_623 = arith.addi %mul3A_2, %mul3A_622 : i32
      %dma_start3A_624 = arith.constant 0 : i32
      %dma_start3A_625 = tpu.memref_slice %arg5[%add3A_623, %dma_start3A_624] : memref<4096x256xf32, #tpu.memory_space<hbm>> -> memref<16x256xf32, #tpu.memory_space<hbm>>
      %dma_start3A_626 = arith.constant 0 : i32
      %dma_start3A_627 = tpu.memref_slice %arg5[%add3A_623, %dma_start3A_626] : memref<4096x256xf32, #tpu.memory_space<hbm>> -> memref<16x256xf32, #tpu.memory_space<hbm>>
      tpu.enqueue_dma source(%arg10 : memref<16x256xf32, #tpu.memory_space<vmem>>) target(%dma_start3A_627 : memref<16x256xf32, #tpu.memory_space<hbm>>) target_semaphore(%arg15 : memref<!tpu.dma_semaphore, #tpu.memory_space<semaphore_mem>>)
      %add3A_628 = arith.constant 2 : i32
      %add3A_629 = arith.addi %add3A_33, %add3A_628 : i32
      %lt3A = arith.constant 8 : i32
      %lt3A_630 = arith.cmpi slt, %add3A_629, %lt3A : i32
      %convert_element_type3A_631 = arith.extui %lt3A_630 : i1 to i32
      %cond3A_632 = arith.constant 0 : i32
      %cond3A_633 = arith.cmpi ne, %convert_element_type3A_631, %cond3A_632 : i32
      scf.if %cond3A_633 {
        %add3A_1249 = arith.constant 2 : i32
        %add3A_1250 = arith.addi %add3A_33, %add3A_1249 : i32
        %mul3A_1251 = arith.constant 128 : i32
        %mul3A_1252 = arith.muli %add3A_1250, %mul3A_1251 : i32
        %dma_start3A_1253 = tpu.memref_slice %arg7[%mul3A_1252] : memref<1024xi32, #tpu.memory_space<vmem>> -> memref<128xi32, #tpu.memory_space<vmem>>
        %dma_start3A_1254 = arith.constant 0 : i32
        %dma_start3A_1255 = arith.constant 0 : i32
        %dma_start3A_1256 = tpu.memref_slice %arg2[%dma_start3A_1254, %dma_start3A_1255] : memref<10000x256xf32, #tpu.memory_space<hbm>> -> memref<10000x256xf32, #tpu.memory_space<hbm>>
        tpu.enqueue_indirect_dma source(%dma_start3A_1256 : memref<10000x256xf32, #tpu.memory_space<hbm>>) target(%arg8 : memref<128x256xf32, #tpu.memory_space<vmem>>) offsets(%dma_start3A_1253 : memref<128xi32, #tpu.memory_space<vmem>>) semaphore(%arg13 : memref<!tpu.dma_semaphore, #tpu.memory_space<semaphore_mem>>)
      } else {
      }
      %add3A_634 = arith.constant 1 : i32
      %add3A_635 = arith.addi %add3A_33, %add3A_634 : i32
      %iota3A_636 = tpu.iota {dimensions = array<i32: 0>} : vector<16xi32>
      %mul3A_637 = arith.constant 128 : i32
      %mul3A_638 = arith.muli %add3A_635, %mul3A_637 : i32
      %mul3A_639 = arith.constant 8 : i32
      %mul3A_640 = vector.broadcast %mul3A_639 : i32 to vector<16xi32>
      %mul3A_641 = arith.muli %iota3A_636, %mul3A_640 : vector<16xi32>
      %add3A_642 = arith.constant 0 : i32
      %add3A_643 = arith.addi %mul3A_638, %add3A_642 : i32
      %add3A_644 = vector.broadcast %add3A_643 : i32 to vector<16xi32>
      %add3A_645 = arith.addi %mul3A_641, %add3A_644 : vector<16xi32>
      %gather3A_646 = tpu.vector_load_idx %arg7[%add3A_645] : memref<1024xi32, #tpu.memory_space<vmem>>[vector<16xi32>], vector<16xi32>,
      %mul3A_647 = arith.constant 8 : i32
      %mul3A_648 = vector.broadcast %mul3A_647 : i32 to vector<16xi32>
      %mul3A_649 = arith.muli %iota3A_636, %mul3A_648 : vector<16xi32>
      %add3A_650 = arith.constant 1 : i32
      %add3A_651 = arith.addi %mul3A_638, %add3A_650 : i32
      %add3A_652 = vector.broadcast %add3A_651 : i32 to vector<16xi32>
      %add3A_653 = arith.addi %mul3A_649, %add3A_652 : vector<16xi32>
      %gather3A_654 = tpu.vector_load_idx %arg7[%add3A_653] : memref<1024xi32, #tpu.memory_space<vmem>>[vector<16xi32>], vector<16xi32>,
      %mul3A_655 = arith.constant 8 : i32
      %mul3A_656 = vector.broadcast %mul3A_655 : i32 to vector<16xi32>
      %mul3A_657 = arith.muli %iota3A_636, %mul3A_656 : vector<16xi32>
      %add3A_658 = arith.constant 2 : i32
      %add3A_659 = arith.addi %mul3A_638, %add3A_658 : i32
      %add3A_660 = vector.broadcast %add3A_659 : i32 to vector<16xi32>
      %add3A_661 = arith.addi %mul3A_657, %add3A_660 : vector<16xi32>
      %gather3A_662 = tpu.vector_load_idx %arg7[%add3A_661] : memref<1024xi32, #tpu.memory_space<vmem>>[vector<16xi32>], vector<16xi32>,
      %mul3A_663 = arith.constant 8 : i32
      %mul3A_664 = vector.broadcast %mul3A_663 : i32 to vector<16xi32>
      %mul3A_665 = arith.muli %iota3A_636, %mul3A_664 : vector<16xi32>
      %add3A_666 = arith.constant 3 : i32
      %add3A_667 = arith.addi %mul3A_638, %add3A_666 : i32
      %add3A_668 = vector.broadcast %add3A_667 : i32 to vector<16xi32>
      %add3A_669 = arith.addi %mul3A_665, %add3A_668 : vector<16xi32>
      %gather3A_670 = tpu.vector_load_idx %arg7[%add3A_669] : memref<1024xi32, #tpu.memory_space<vmem>>[vector<16xi32>], vector<16xi32>,
      %mul3A_671 = arith.constant 8 : i32
      %mul3A_672 = vector.broadcast %mul3A_671 : i32 to vector<16xi32>
      %mul3A_673 = arith.muli %iota3A_636, %mul3A_672 : vector<16xi32>
      %add3A_674 = arith.constant 4 : i32
      %add3A_675 = arith.addi %mul3A_638, %add3A_674 : i32
      %add3A_676 = vector.broadcast %add3A_675 : i32 to vector<16xi32>
      %add3A_677 = arith.addi %mul3A_673, %add3A_676 : vector<16xi32>
      %gather3A_678 = tpu.vector_load_idx %arg7[%add3A_677] : memref<1024xi32, #tpu.memory_space<vmem>>[vector<16xi32>], vector<16xi32>,
      %mul3A_679 = arith.constant 8 : i32
      %mul3A_680 = vector.broadcast %mul3A_679 : i32 to vector<16xi32>
      %mul3A_681 = arith.muli %iota3A_636, %mul3A_680 : vector<16xi32>
      %add3A_682 = arith.constant 5 : i32
      %add3A_683 = arith.addi %mul3A_638, %add3A_682 : i32
      %add3A_684 = vector.broadcast %add3A_683 : i32 to vector<16xi32>
      %add3A_685 = arith.addi %mul3A_681, %add3A_684 : vector<16xi32>
      %gather3A_686 = tpu.vector_load_idx %arg7[%add3A_685] : memref<1024xi32, #tpu.memory_space<vmem>>[vector<16xi32>], vector<16xi32>,
      %mul3A_687 = arith.constant 8 : i32
      %mul3A_688 = vector.broadcast %mul3A_687 : i32 to vector<16xi32>
      %mul3A_689 = arith.muli %iota3A_636, %mul3A_688 : vector<16xi32>
      %add3A_690 = arith.constant 6 : i32
      %add3A_691 = arith.addi %mul3A_638, %add3A_690 : i32
      %add3A_692 = vector.broadcast %add3A_691 : i32 to vector<16xi32>
      %add3A_693 = arith.addi %mul3A_689, %add3A_692 : vector<16xi32>
      %gather3A_694 = tpu.vector_load_idx %arg7[%add3A_693] : memref<1024xi32, #tpu.memory_space<vmem>>[vector<16xi32>], vector<16xi32>,
      %mul3A_695 = arith.constant 8 : i32
      %mul3A_696 = vector.broadcast %mul3A_695 : i32 to vector<16xi32>
      %mul3A_697 = arith.muli %iota3A_636, %mul3A_696 : vector<16xi32>
      %add3A_698 = arith.constant 7 : i32
      %add3A_699 = arith.addi %mul3A_638, %add3A_698 : i32
      %add3A_700 = vector.broadcast %add3A_699 : i32 to vector<16xi32>
      %add3A_701 = arith.addi %mul3A_697, %add3A_700 : vector<16xi32>
      %gather3A_702 = tpu.vector_load_idx %arg7[%add3A_701] : memref<1024xi32, #tpu.memory_space<vmem>>[vector<16xi32>], vector<16xi32>,
      %broadcast_in_dim3A_703 = arith.constant 0 : i32
      %broadcast_in_dim3A_704 = vector.broadcast %broadcast_in_dim3A_703 : i32 to vector<16xi32>
      %broadcast_in_dim3A_705 = arith.constant 1 : i32
      %broadcast_in_dim3A_706 = vector.broadcast %broadcast_in_dim3A_705 : i32 to vector<16xi32>
      %broadcast_in_dim3A_707 = arith.constant 2 : i32
      %broadcast_in_dim3A_708 = vector.broadcast %broadcast_in_dim3A_707 : i32 to vector<16xi32>
      %gather3A_709 = tpu.vector_load_idx %arg6[%broadcast_in_dim3A_704, %gather3A_646] : memref<3x10000xf32, #tpu.memory_space<vmem>>[vector<16xi32>, vector<16xi32>], vector<16xf32>,
      %gather3A_710 = tpu.vector_load_idx %arg6[%broadcast_in_dim3A_704, %gather3A_654] : memref<3x10000xf32, #tpu.memory_space<vmem>>[vector<16xi32>, vector<16xi32>], vector<16xf32>,
      %gather3A_711 = tpu.vector_load_idx %arg6[%broadcast_in_dim3A_704, %gather3A_662] : memref<3x10000xf32, #tpu.memory_space<vmem>>[vector<16xi32>, vector<16xi32>], vector<16xf32>,
      %gather3A_712 = tpu.vector_load_idx %arg6[%broadcast_in_dim3A_704, %gather3A_670] : memref<3x10000xf32, #tpu.memory_space<vmem>>[vector<16xi32>, vector<16xi32>], vector<16xf32>,
      %gather3A_713 = tpu.vector_load_idx %arg6[%broadcast_in_dim3A_704, %gather3A_678] : memref<3x10000xf32, #tpu.memory_space<vmem>>[vector<16xi32>, vector<16xi32>], vector<16xf32>,
      %gather3A_714 = tpu.vector_load_idx %arg6[%broadcast_in_dim3A_704, %gather3A_686] : memref<3x10000xf32, #tpu.memory_space<vmem>>[vector<16xi32>, vector<16xi32>], vector<16xf32>,
      %gather3A_715 = tpu.vector_load_idx %arg6[%broadcast_in_dim3A_704, %gather3A_694] : memref<3x10000xf32, #tpu.memory_space<vmem>>[vector<16xi32>, vector<16xi32>], vector<16xf32>,
      %gather3A_716 = tpu.vector_load_idx %arg6[%broadcast_in_dim3A_704, %gather3A_702] : memref<3x10000xf32, #tpu.memory_space<vmem>>[vector<16xi32>, vector<16xi32>], vector<16xf32>,
      %gather3A_717 = tpu.vector_load_idx %arg6[%broadcast_in_dim3A_706, %gather3A_646] : memref<3x10000xf32, #tpu.memory_space<vmem>>[vector<16xi32>, vector<16xi32>], vector<16xf32>,
      %gather3A_718 = tpu.vector_load_idx %arg6[%broadcast_in_dim3A_706, %gather3A_654] : memref<3x10000xf32, #tpu.memory_space<vmem>>[vector<16xi32>, vector<16xi32>], vector<16xf32>,
      %gather3A_719 = tpu.vector_load_idx %arg6[%broadcast_in_dim3A_706, %gather3A_662] : memref<3x10000xf32, #tpu.memory_space<vmem>>[vector<16xi32>, vector<16xi32>], vector<16xf32>,
      %gather3A_720 = tpu.vector_load_idx %arg6[%broadcast_in_dim3A_706, %gather3A_670] : memref<3x10000xf32, #tpu.memory_space<vmem>>[vector<16xi32>, vector<16xi32>], vector<16xf32>,
      %gather3A_721 = tpu.vector_load_idx %arg6[%broadcast_in_dim3A_706, %gather3A_678] : memref<3x10000xf32, #tpu.memory_space<vmem>>[vector<16xi32>, vector<16xi32>], vector<16xf32>,
      %gather3A_722 = tpu.vector_load_idx %arg6[%broadcast_in_dim3A_706, %gather3A_686] : memref<3x10000xf32, #tpu.memory_space<vmem>>[vector<16xi32>, vector<16xi32>], vector<16xf32>,
      %gather3A_723 = tpu.vector_load_idx %arg6[%broadcast_in_dim3A_706, %gather3A_694] : memref<3x10000xf32, #tpu.memory_space<vmem>>[vector<16xi32>, vector<16xi32>], vector<16xf32>,
      %gather3A_724 = tpu.vector_load_idx %arg6[%broadcast_in_dim3A_706, %gather3A_702] : memref<3x10000xf32, #tpu.memory_space<vmem>>[vector<16xi32>, vector<16xi32>], vector<16xf32>,
      %gather3A_725 = tpu.vector_load_idx %arg6[%broadcast_in_dim3A_708, %gather3A_646] : memref<3x10000xf32, #tpu.memory_space<vmem>>[vector<16xi32>, vector<16xi32>], vector<16xf32>,
      %gather3A_726 = tpu.vector_load_idx %arg6[%broadcast_in_dim3A_708, %gather3A_654] : memref<3x10000xf32, #tpu.memory_space<vmem>>[vector<16xi32>, vector<16xi32>], vector<16xf32>,
      %gather3A_727 = tpu.vector_load_idx %arg6[%broadcast_in_dim3A_708, %gather3A_662] : memref<3x10000xf32, #tpu.memory_space<vmem>>[vector<16xi32>, vector<16xi32>], vector<16xf32>,
      %gather3A_728 = tpu.vector_load_idx %arg6[%broadcast_in_dim3A_708, %gather3A_670] : memref<3x10000xf32, #tpu.memory_space<vmem>>[vector<16xi32>, vector<16xi32>], vector<16xf32>,
      %gather3A_729 = tpu.vector_load_idx %arg6[%broadcast_in_dim3A_708, %gather3A_678] : memref<3x10000xf32, #tpu.memory_space<vmem>>[vector<16xi32>, vector<16xi32>], vector<16xf32>,
      %gather3A_730 = tpu.vector_load_idx %arg6[%broadcast_in_dim3A_708, %gather3A_686] : memref<3x10000xf32, #tpu.memory_space<vmem>>[vector<16xi32>, vector<16xi32>], vector<16xf32>,
      %gather3A_731 = tpu.vector_load_idx %arg6[%broadcast_in_dim3A_708, %gather3A_694] : memref<3x10000xf32, #tpu.memory_space<vmem>>[vector<16xi32>, vector<16xi32>], vector<16xf32>,
      %gather3A_732 = tpu.vector_load_idx %arg6[%broadcast_in_dim3A_708, %gather3A_702] : memref<3x10000xf32, #tpu.memory_space<vmem>>[vector<16xi32>, vector<16xi32>], vector<16xf32>,
      %mul3A_733 = arith.mulf %gather3A_709, %gather3A_717 : vector<16xf32>
      %mul3A_734 = arith.mulf %gather3A_709, %gather3A_718 : vector<16xf32>
      %mul3A_735 = arith.mulf %gather3A_709, %gather3A_719 : vector<16xf32>
      %mul3A_736 = arith.mulf %gather3A_709, %gather3A_720 : vector<16xf32>
      %mul3A_737 = arith.mulf %gather3A_709, %gather3A_721 : vector<16xf32>
      %mul3A_738 = arith.mulf %gather3A_709, %gather3A_722 : vector<16xf32>
      %mul3A_739 = arith.mulf %gather3A_709, %gather3A_723 : vector<16xf32>
      %mul3A_740 = arith.mulf %gather3A_709, %gather3A_724 : vector<16xf32>
      %max3A_741 = arith.maximumf %mul3A_734, %mul3A_735 : vector<16xf32>
      %max3A_742 = arith.maximumf %max3A_741, %mul3A_736 : vector<16xf32>
      %max3A_743 = arith.maximumf %max3A_742, %mul3A_737 : vector<16xf32>
      %max3A_744 = arith.maximumf %max3A_743, %mul3A_738 : vector<16xf32>
      %max3A_745 = arith.maximumf %max3A_744, %mul3A_739 : vector<16xf32>
      %max3A_746 = arith.maximumf %max3A_745, %mul3A_740 : vector<16xf32>
      %sub3A_747 = arith.subf %mul3A_734, %max3A_746 : vector<16xf32>
      %exp3A_748 = math.exp %sub3A_747 : vector<16xf32>
      %mul3A_749 = arith.mulf %exp3A_748, %gather3A_726 : vector<16xf32>
      %sub3A_750 = arith.subf %mul3A_735, %max3A_746 : vector<16xf32>
      %exp3A_751 = math.exp %sub3A_750 : vector<16xf32>
      %add3A_752 = arith.addf %exp3A_748, %exp3A_751 : vector<16xf32>
      %mul3A_753 = arith.mulf %exp3A_751, %gather3A_727 : vector<16xf32>
      %add3A_754 = arith.addf %mul3A_749, %mul3A_753 : vector<16xf32>
      %sub3A_755 = arith.subf %mul3A_736, %max3A_746 : vector<16xf32>
      %exp3A_756 = math.exp %sub3A_755 : vector<16xf32>
      %add3A_757 = arith.addf %add3A_752, %exp3A_756 : vector<16xf32>
      %mul3A_758 = arith.mulf %exp3A_756, %gather3A_728 : vector<16xf32>
      %add3A_759 = arith.addf %add3A_754, %mul3A_758 : vector<16xf32>
      %sub3A_760 = arith.subf %mul3A_737, %max3A_746 : vector<16xf32>
      %exp3A_761 = math.exp %sub3A_760 : vector<16xf32>
      %add3A_762 = arith.addf %add3A_757, %exp3A_761 : vector<16xf32>
      %mul3A_763 = arith.mulf %exp3A_761, %gather3A_729 : vector<16xf32>
      %add3A_764 = arith.addf %add3A_759, %mul3A_763 : vector<16xf32>
      %sub3A_765 = arith.subf %mul3A_738, %max3A_746 : vector<16xf32>
      %exp3A_766 = math.exp %sub3A_765 : vector<16xf32>
      %add3A_767 = arith.addf %add3A_762, %exp3A_766 : vector<16xf32>
      %mul3A_768 = arith.mulf %exp3A_766, %gather3A_730 : vector<16xf32>
      %add3A_769 = arith.addf %add3A_764, %mul3A_768 : vector<16xf32>
      %sub3A_770 = arith.subf %mul3A_739, %max3A_746 : vector<16xf32>
      %exp3A_771 = math.exp %sub3A_770 : vector<16xf32>
      %add3A_772 = arith.addf %add3A_767, %exp3A_771 : vector<16xf32>
      %mul3A_773 = arith.mulf %exp3A_771, %gather3A_731 : vector<16xf32>
      %add3A_774 = arith.addf %add3A_769, %mul3A_773 : vector<16xf32>
      %sub3A_775 = arith.subf %mul3A_740, %max3A_746 : vector<16xf32>
      %exp3A_776 = math.exp %sub3A_775 : vector<16xf32>
      %add3A_777 = arith.addf %add3A_772, %exp3A_776 : vector<16xf32>
      %mul3A_778 = arith.mulf %exp3A_776, %gather3A_732 : vector<16xf32>
      %add3A_779 = arith.addf %add3A_774, %mul3A_778 : vector<16xf32>
      %div3A_780 = arith.divf %add3A_779, %add3A_777 : vector<16xf32>
      %add3A_781 = arith.addf %div3A_780, %div3A_780 : vector<16xf32>
      %exp3A_782 = math.exp %add3A_781 : vector<16xf32>
      %add3A_783 = arith.constant 1.000000e+00 : f32
      %add3A_784 = vector.broadcast %add3A_783 : f32 to vector<16xf32>
      %add3A_785 = arith.addf %exp3A_782, %add3A_784 : vector<16xf32>
      %div3A_786 = arith.constant 2.000000e+00 : f32
      %div3A_787 = vector.broadcast %div3A_786 : f32 to vector<16xf32>
      %div3A_788 = arith.divf %div3A_787, %add3A_785 : vector<16xf32>
      %sub3A_789 = arith.constant 1.000000e+00 : f32
      %sub3A_790 = vector.broadcast %sub3A_789 : f32 to vector<16xf32>
      %sub3A_791 = arith.subf %sub3A_790, %div3A_788 : vector<16xf32>
      %swap3A_792 = arith.constant 0 : index
      %swap3A_793 = tpu.vector_load %arg12[%swap3A_792] {strides = array<i32>} : memref<128xf32, #tpu.memory_space<vmem>>, vector<16xf32>,
      tpu.vector_store %arg12[%swap3A_792], %sub3A_791 {strides = array<i32>} : memref<128xf32, #tpu.memory_space<vmem>>, vector<16xf32>,
      %mul3A_794 = arith.mulf %gather3A_710, %gather3A_717 : vector<16xf32>
      %mul3A_795 = arith.mulf %gather3A_710, %gather3A_718 : vector<16xf32>
      %mul3A_796 = arith.mulf %gather3A_710, %gather3A_719 : vector<16xf32>
      %mul3A_797 = arith.mulf %gather3A_710, %gather3A_720 : vector<16xf32>
      %mul3A_798 = arith.mulf %gather3A_710, %gather3A_721 : vector<16xf32>
      %mul3A_799 = arith.mulf %gather3A_710, %gather3A_722 : vector<16xf32>
      %mul3A_800 = arith.mulf %gather3A_710, %gather3A_723 : vector<16xf32>
      %mul3A_801 = arith.mulf %gather3A_710, %gather3A_724 : vector<16xf32>
      %max3A_802 = arith.maximumf %mul3A_794, %mul3A_796 : vector<16xf32>
      %max3A_803 = arith.maximumf %max3A_802, %mul3A_797 : vector<16xf32>
      %max3A_804 = arith.maximumf %max3A_803, %mul3A_798 : vector<16xf32>
      %max3A_805 = arith.maximumf %max3A_804, %mul3A_799 : vector<16xf32>
      %max3A_806 = arith.maximumf %max3A_805, %mul3A_800 : vector<16xf32>
      %max3A_807 = arith.maximumf %max3A_806, %mul3A_801 : vector<16xf32>
      %sub3A_808 = arith.subf %mul3A_794, %max3A_807 : vector<16xf32>
      %exp3A_809 = math.exp %sub3A_808 : vector<16xf32>
      %mul3A_810 = arith.mulf %exp3A_809, %gather3A_725 : vector<16xf32>
      %sub3A_811 = arith.subf %mul3A_796, %max3A_807 : vector<16xf32>
      %exp3A_812 = math.exp %sub3A_811 : vector<16xf32>
      %add3A_813 = arith.addf %exp3A_809, %exp3A_812 : vector<16xf32>
      %mul3A_814 = arith.mulf %exp3A_812, %gather3A_727 : vector<16xf32>
      %add3A_815 = arith.addf %mul3A_810, %mul3A_814 : vector<16xf32>
      %sub3A_816 = arith.subf %mul3A_797, %max3A_807 : vector<16xf32>
      %exp3A_817 = math.exp %sub3A_816 : vector<16xf32>
      %add3A_818 = arith.addf %add3A_813, %exp3A_817 : vector<16xf32>
      %mul3A_819 = arith.mulf %exp3A_817, %gather3A_728 : vector<16xf32>
      %add3A_820 = arith.addf %add3A_815, %mul3A_819 : vector<16xf32>
      %sub3A_821 = arith.subf %mul3A_798, %max3A_807 : vector<16xf32>
      %exp3A_822 = math.exp %sub3A_821 : vector<16xf32>
      %add3A_823 = arith.addf %add3A_818, %exp3A_822 : vector<16xf32>
      %mul3A_824 = arith.mulf %exp3A_822, %gather3A_729 : vector<16xf32>
      %add3A_825 = arith.addf %add3A_820, %mul3A_824 : vector<16xf32>
      %sub3A_826 = arith.subf %mul3A_799, %max3A_807 : vector<16xf32>
      %exp3A_827 = math.exp %sub3A_826 : vector<16xf32>
      %add3A_828 = arith.addf %add3A_823, %exp3A_827 : vector<16xf32>
      %mul3A_829 = arith.mulf %exp3A_827, %gather3A_730 : vector<16xf32>
      %add3A_830 = arith.addf %add3A_825, %mul3A_829 : vector<16xf32>
      %sub3A_831 = arith.subf %mul3A_800, %max3A_807 : vector<16xf32>
      %exp3A_832 = math.exp %sub3A_831 : vector<16xf32>
      %add3A_833 = arith.addf %add3A_828, %exp3A_832 : vector<16xf32>
      %mul3A_834 = arith.mulf %exp3A_832, %gather3A_731 : vector<16xf32>
      %add3A_835 = arith.addf %add3A_830, %mul3A_834 : vector<16xf32>
      %sub3A_836 = arith.subf %mul3A_801, %max3A_807 : vector<16xf32>
      %exp3A_837 = math.exp %sub3A_836 : vector<16xf32>
      %add3A_838 = arith.addf %add3A_833, %exp3A_837 : vector<16xf32>
      %mul3A_839 = arith.mulf %exp3A_837, %gather3A_732 : vector<16xf32>
      %add3A_840 = arith.addf %add3A_835, %mul3A_839 : vector<16xf32>
      %div3A_841 = arith.divf %add3A_840, %add3A_838 : vector<16xf32>
      %add3A_842 = arith.addf %div3A_841, %div3A_841 : vector<16xf32>
      %exp3A_843 = math.exp %add3A_842 : vector<16xf32>
      %add3A_844 = arith.constant 1.000000e+00 : f32
      %add3A_845 = vector.broadcast %add3A_844 : f32 to vector<16xf32>
      %add3A_846 = arith.addf %exp3A_843, %add3A_845 : vector<16xf32>
      %div3A_847 = arith.constant 2.000000e+00 : f32
      %div3A_848 = vector.broadcast %div3A_847 : f32 to vector<16xf32>
      %div3A_849 = arith.divf %div3A_848, %add3A_846 : vector<16xf32>
      %sub3A_850 = arith.constant 1.000000e+00 : f32
      %sub3A_851 = vector.broadcast %sub3A_850 : f32 to vector<16xf32>
      %sub3A_852 = arith.subf %sub3A_851, %div3A_849 : vector<16xf32>
      %swap3A_853 = arith.constant 16 : index
      %swap3A_854 = tpu.vector_load %arg12[%swap3A_853] {strides = array<i32>} : memref<128xf32, #tpu.memory_space<vmem>>, vector<16xf32>,
      tpu.vector_store %arg12[%swap3A_853], %sub3A_852 {strides = array<i32>} : memref<128xf32, #tpu.memory_space<vmem>>, vector<16xf32>,
      %mul3A_855 = arith.mulf %gather3A_711, %gather3A_717 : vector<16xf32>
      %mul3A_856 = arith.mulf %gather3A_711, %gather3A_718 : vector<16xf32>
      %mul3A_857 = arith.mulf %gather3A_711, %gather3A_719 : vector<16xf32>
      %mul3A_858 = arith.mulf %gather3A_711, %gather3A_720 : vector<16xf32>
      %mul3A_859 = arith.mulf %gather3A_711, %gather3A_721 : vector<16xf32>
      %mul3A_860 = arith.mulf %gather3A_711, %gather3A_722 : vector<16xf32>
      %mul3A_861 = arith.mulf %gather3A_711, %gather3A_723 : vector<16xf32>
      %mul3A_862 = arith.mulf %gather3A_711, %gather3A_724 : vector<16xf32>
      %max3A_863 = arith.maximumf %mul3A_855, %mul3A_856 : vector<16xf32>
      %max3A_864 = arith.maximumf %max3A_863, %mul3A_858 : vector<16xf32>
      %max3A_865 = arith.maximumf %max3A_864, %mul3A_859 : vector<16xf32>
      %max3A_866 = arith.maximumf %max3A_865, %mul3A_860 : vector<16xf32>
      %max3A_867 = arith.maximumf %max3A_866, %mul3A_861 : vector<16xf32>
      %max3A_868 = arith.maximumf %max3A_867, %mul3A_862 : vector<16xf32>
      %sub3A_869 = arith.subf %mul3A_855, %max3A_868 : vector<16xf32>
      %exp3A_870 = math.exp %sub3A_869 : vector<16xf32>
      %mul3A_871 = arith.mulf %exp3A_870, %gather3A_725 : vector<16xf32>
      %sub3A_872 = arith.subf %mul3A_856, %max3A_868 : vector<16xf32>
      %exp3A_873 = math.exp %sub3A_872 : vector<16xf32>
      %add3A_874 = arith.addf %exp3A_870, %exp3A_873 : vector<16xf32>
      %mul3A_875 = arith.mulf %exp3A_873, %gather3A_726 : vector<16xf32>
      %add3A_876 = arith.addf %mul3A_871, %mul3A_875 : vector<16xf32>
      %sub3A_877 = arith.subf %mul3A_858, %max3A_868 : vector<16xf32>
      %exp3A_878 = math.exp %sub3A_877 : vector<16xf32>
      %add3A_879 = arith.addf %add3A_874, %exp3A_878 : vector<16xf32>
      %mul3A_880 = arith.mulf %exp3A_878, %gather3A_728 : vector<16xf32>
      %add3A_881 = arith.addf %add3A_876, %mul3A_880 : vector<16xf32>
      %sub3A_882 = arith.subf %mul3A_859, %max3A_868 : vector<16xf32>
      %exp3A_883 = math.exp %sub3A_882 : vector<16xf32>
      %add3A_884 = arith.addf %add3A_879, %exp3A_883 : vector<16xf32>
      %mul3A_885 = arith.mulf %exp3A_883, %gather3A_729 : vector<16xf32>
      %add3A_886 = arith.addf %add3A_881, %mul3A_885 : vector<16xf32>
      %sub3A_887 = arith.subf %mul3A_860, %max3A_868 : vector<16xf32>
      %exp3A_888 = math.exp %sub3A_887 : vector<16xf32>
      %add3A_889 = arith.addf %add3A_884, %exp3A_888 : vector<16xf32>
      %mul3A_890 = arith.mulf %exp3A_888, %gather3A_730 : vector<16xf32>
      %add3A_891 = arith.addf %add3A_886, %mul3A_890 : vector<16xf32>
      %sub3A_892 = arith.subf %mul3A_861, %max3A_868 : vector<16xf32>
      %exp3A_893 = math.exp %sub3A_892 : vector<16xf32>
      %add3A_894 = arith.addf %add3A_889, %exp3A_893 : vector<16xf32>
      %mul3A_895 = arith.mulf %exp3A_893, %gather3A_731 : vector<16xf32>
      %add3A_896 = arith.addf %add3A_891, %mul3A_895 : vector<16xf32>
      %sub3A_897 = arith.subf %mul3A_862, %max3A_868 : vector<16xf32>
      %exp3A_898 = math.exp %sub3A_897 : vector<16xf32>
      %add3A_899 = arith.addf %add3A_894, %exp3A_898 : vector<16xf32>
      %mul3A_900 = arith.mulf %exp3A_898, %gather3A_732 : vector<16xf32>
      %add3A_901 = arith.addf %add3A_896, %mul3A_900 : vector<16xf32>
      %div3A_902 = arith.divf %add3A_901, %add3A_899 : vector<16xf32>
      %add3A_903 = arith.addf %div3A_902, %div3A_902 : vector<16xf32>
      %exp3A_904 = math.exp %add3A_903 : vector<16xf32>
      %add3A_905 = arith.constant 1.000000e+00 : f32
      %add3A_906 = vector.broadcast %add3A_905 : f32 to vector<16xf32>
      %add3A_907 = arith.addf %exp3A_904, %add3A_906 : vector<16xf32>
      %div3A_908 = arith.constant 2.000000e+00 : f32
      %div3A_909 = vector.broadcast %div3A_908 : f32 to vector<16xf32>
      %div3A_910 = arith.divf %div3A_909, %add3A_907 : vector<16xf32>
      %sub3A_911 = arith.constant 1.000000e+00 : f32
      %sub3A_912 = vector.broadcast %sub3A_911 : f32 to vector<16xf32>
      %sub3A_913 = arith.subf %sub3A_912, %div3A_910 : vector<16xf32>
      %swap3A_914 = arith.constant 32 : index
      %swap3A_915 = tpu.vector_load %arg12[%swap3A_914] {strides = array<i32>} : memref<128xf32, #tpu.memory_space<vmem>>, vector<16xf32>,
      tpu.vector_store %arg12[%swap3A_914], %sub3A_913 {strides = array<i32>} : memref<128xf32, #tpu.memory_space<vmem>>, vector<16xf32>,
      %mul3A_916 = arith.mulf %gather3A_712, %gather3A_717 : vector<16xf32>
      %mul3A_917 = arith.mulf %gather3A_712, %gather3A_718 : vector<16xf32>
      %mul3A_918 = arith.mulf %gather3A_712, %gather3A_719 : vector<16xf32>
      %mul3A_919 = arith.mulf %gather3A_712, %gather3A_720 : vector<16xf32>
      %mul3A_920 = arith.mulf %gather3A_712, %gather3A_721 : vector<16xf32>
      %mul3A_921 = arith.mulf %gather3A_712, %gather3A_722 : vector<16xf32>
      %mul3A_922 = arith.mulf %gather3A_712, %gather3A_723 : vector<16xf32>
      %mul3A_923 = arith.mulf %gather3A_712, %gather3A_724 : vector<16xf32>
      %max3A_924 = arith.maximumf %mul3A_916, %mul3A_917 : vector<16xf32>
      %max3A_925 = arith.maximumf %max3A_924, %mul3A_918 : vector<16xf32>
      %max3A_926 = arith.maximumf %max3A_925, %mul3A_920 : vector<16xf32>
      %max3A_927 = arith.maximumf %max3A_926, %mul3A_921 : vector<16xf32>
      %max3A_928 = arith.maximumf %max3A_927, %mul3A_922 : vector<16xf32>
      %max3A_929 = arith.maximumf %max3A_928, %mul3A_923 : vector<16xf32>
      %sub3A_930 = arith.subf %mul3A_916, %max3A_929 : vector<16xf32>
      %exp3A_931 = math.exp %sub3A_930 : vector<16xf32>
      %mul3A_932 = arith.mulf %exp3A_931, %gather3A_725 : vector<16xf32>
      %sub3A_933 = arith.subf %mul3A_917, %max3A_929 : vector<16xf32>
      %exp3A_934 = math.exp %sub3A_933 : vector<16xf32>
      %add3A_935 = arith.addf %exp3A_931, %exp3A_934 : vector<16xf32>
      %mul3A_936 = arith.mulf %exp3A_934, %gather3A_726 : vector<16xf32>
      %add3A_937 = arith.addf %mul3A_932, %mul3A_936 : vector<16xf32>
      %sub3A_938 = arith.subf %mul3A_918, %max3A_929 : vector<16xf32>
      %exp3A_939 = math.exp %sub3A_938 : vector<16xf32>
      %add3A_940 = arith.addf %add3A_935, %exp3A_939 : vector<16xf32>
      %mul3A_941 = arith.mulf %exp3A_939, %gather3A_727 : vector<16xf32>
      %add3A_942 = arith.addf %add3A_937, %mul3A_941 : vector<16xf32>
      %sub3A_943 = arith.subf %mul3A_920, %max3A_929 : vector<16xf32>
      %exp3A_944 = math.exp %sub3A_943 : vector<16xf32>
      %add3A_945 = arith.addf %add3A_940, %exp3A_944 : vector<16xf32>
      %mul3A_946 = arith.mulf %exp3A_944, %gather3A_729 : vector<16xf32>
      %add3A_947 = arith.addf %add3A_942, %mul3A_946 : vector<16xf32>
      %sub3A_948 = arith.subf %mul3A_921, %max3A_929 : vector<16xf32>
      %exp3A_949 = math.exp %sub3A_948 : vector<16xf32>
      %add3A_950 = arith.addf %add3A_945, %exp3A_949 : vector<16xf32>
      %mul3A_951 = arith.mulf %exp3A_949, %gather3A_730 : vector<16xf32>
      %add3A_952 = arith.addf %add3A_947, %mul3A_951 : vector<16xf32>
      %sub3A_953 = arith.subf %mul3A_922, %max3A_929 : vector<16xf32>
      %exp3A_954 = math.exp %sub3A_953 : vector<16xf32>
      %add3A_955 = arith.addf %add3A_950, %exp3A_954 : vector<16xf32>
      %mul3A_956 = arith.mulf %exp3A_954, %gather3A_731 : vector<16xf32>
      %add3A_957 = arith.addf %add3A_952, %mul3A_956 : vector<16xf32>
      %sub3A_958 = arith.subf %mul3A_923, %max3A_929 : vector<16xf32>
      %exp3A_959 = math.exp %sub3A_958 : vector<16xf32>
      %add3A_960 = arith.addf %add3A_955, %exp3A_959 : vector<16xf32>
      %mul3A_961 = arith.mulf %exp3A_959, %gather3A_732 : vector<16xf32>
      %add3A_962 = arith.addf %add3A_957, %mul3A_961 : vector<16xf32>
      %div3A_963 = arith.divf %add3A_962, %add3A_960 : vector<16xf32>
      %add3A_964 = arith.addf %div3A_963, %div3A_963 : vector<16xf32>
      %exp3A_965 = math.exp %add3A_964 : vector<16xf32>
      %add3A_966 = arith.constant 1.000000e+00 : f32
      %add3A_967 = vector.broadcast %add3A_966 : f32 to vector<16xf32>
      %add3A_968 = arith.addf %exp3A_965, %add3A_967 : vector<16xf32>
      %div3A_969 = arith.constant 2.000000e+00 : f32
      %div3A_970 = vector.broadcast %div3A_969 : f32 to vector<16xf32>
      %div3A_971 = arith.divf %div3A_970, %add3A_968 : vector<16xf32>
      %sub3A_972 = arith.constant 1.000000e+00 : f32
      %sub3A_973 = vector.broadcast %sub3A_972 : f32 to vector<16xf32>
      %sub3A_974 = arith.subf %sub3A_973, %div3A_971 : vector<16xf32>
      %swap3A_975 = arith.constant 48 : index
      %swap3A_976 = tpu.vector_load %arg12[%swap3A_975] {strides = array<i32>} : memref<128xf32, #tpu.memory_space<vmem>>, vector<16xf32>,
      tpu.vector_store %arg12[%swap3A_975], %sub3A_974 {strides = array<i32>} : memref<128xf32, #tpu.memory_space<vmem>>, vector<16xf32>,
      %mul3A_977 = arith.mulf %gather3A_713, %gather3A_717 : vector<16xf32>
      %mul3A_978 = arith.mulf %gather3A_713, %gather3A_718 : vector<16xf32>
      %mul3A_979 = arith.mulf %gather3A_713, %gather3A_719 : vector<16xf32>
      %mul3A_980 = arith.mulf %gather3A_713, %gather3A_720 : vector<16xf32>
      %mul3A_981 = arith.mulf %gather3A_713, %gather3A_721 : vector<16xf32>
      %mul3A_982 = arith.mulf %gather3A_713, %gather3A_722 : vector<16xf32>
      %mul3A_983 = arith.mulf %gather3A_713, %gather3A_723 : vector<16xf32>
      %mul3A_984 = arith.mulf %gather3A_713, %gather3A_724 : vector<16xf32>
      %max3A_985 = arith.maximumf %mul3A_977, %mul3A_978 : vector<16xf32>
      %max3A_986 = arith.maximumf %max3A_985, %mul3A_979 : vector<16xf32>
      %max3A_987 = arith.maximumf %max3A_986, %mul3A_980 : vector<16xf32>
      %max3A_988 = arith.maximumf %max3A_987, %mul3A_982 : vector<16xf32>
      %max3A_989 = arith.maximumf %max3A_988, %mul3A_983 : vector<16xf32>
      %max3A_990 = arith.maximumf %max3A_989, %mul3A_984 : vector<16xf32>
      %sub3A_991 = arith.subf %mul3A_977, %max3A_990 : vector<16xf32>
      %exp3A_992 = math.exp %sub3A_991 : vector<16xf32>
      %mul3A_993 = arith.mulf %exp3A_992, %gather3A_725 : vector<16xf32>
      %sub3A_994 = arith.subf %mul3A_978, %max3A_990 : vector<16xf32>
      %exp3A_995 = math.exp %sub3A_994 : vector<16xf32>
      %add3A_996 = arith.addf %exp3A_992, %exp3A_995 : vector<16xf32>
      %mul3A_997 = arith.mulf %exp3A_995, %gather3A_726 : vector<16xf32>
      %add3A_998 = arith.addf %mul3A_993, %mul3A_997 : vector<16xf32>
      %sub3A_999 = arith.subf %mul3A_979, %max3A_990 : vector<16xf32>
      %exp3A_1000 = math.exp %sub3A_999 : vector<16xf32>
      %add3A_1001 = arith.addf %add3A_996, %exp3A_1000 : vector<16xf32>
      %mul3A_1002 = arith.mulf %exp3A_1000, %gather3A_727 : vector<16xf32>
      %add3A_1003 = arith.addf %add3A_998, %mul3A_1002 : vector<16xf32>
      %sub3A_1004 = arith.subf %mul3A_980, %max3A_990 : vector<16xf32>
      %exp3A_1005 = math.exp %sub3A_1004 : vector<16xf32>
      %add3A_1006 = arith.addf %add3A_1001, %exp3A_1005 : vector<16xf32>
      %mul3A_1007 = arith.mulf %exp3A_1005, %gather3A_728 : vector<16xf32>
      %add3A_1008 = arith.addf %add3A_1003, %mul3A_1007 : vector<16xf32>
      %sub3A_1009 = arith.subf %mul3A_982, %max3A_990 : vector<16xf32>
      %exp3A_1010 = math.exp %sub3A_1009 : vector<16xf32>
      %add3A_1011 = arith.addf %add3A_1006, %exp3A_1010 : vector<16xf32>
      %mul3A_1012 = arith.mulf %exp3A_1010, %gather3A_730 : vector<16xf32>
      %add3A_1013 = arith.addf %add3A_1008, %mul3A_1012 : vector<16xf32>
      %sub3A_1014 = arith.subf %mul3A_983, %max3A_990 : vector<16xf32>
      %exp3A_1015 = math.exp %sub3A_1014 : vector<16xf32>
      %add3A_1016 = arith.addf %add3A_1011, %exp3A_1015 : vector<16xf32>
      %mul3A_1017 = arith.mulf %exp3A_1015, %gather3A_731 : vector<16xf32>
      %add3A_1018 = arith.addf %add3A_1013, %mul3A_1017 : vector<16xf32>
      %sub3A_1019 = arith.subf %mul3A_984, %max3A_990 : vector<16xf32>
      %exp3A_1020 = math.exp %sub3A_1019 : vector<16xf32>
      %add3A_1021 = arith.addf %add3A_1016, %exp3A_1020 : vector<16xf32>
      %mul3A_1022 = arith.mulf %exp3A_1020, %gather3A_732 : vector<16xf32>
      %add3A_1023 = arith.addf %add3A_1018, %mul3A_1022 : vector<16xf32>
      %div3A_1024 = arith.divf %add3A_1023, %add3A_1021 : vector<16xf32>
      %add3A_1025 = arith.addf %div3A_1024, %div3A_1024 : vector<16xf32>
      %exp3A_1026 = math.exp %add3A_1025 : vector<16xf32>
      %add3A_1027 = arith.constant 1.000000e+00 : f32
      %add3A_1028 = vector.broadcast %add3A_1027 : f32 to vector<16xf32>
      %add3A_1029 = arith.addf %exp3A_1026, %add3A_1028 : vector<16xf32>
      %div3A_1030 = arith.constant 2.000000e+00 : f32
      %div3A_1031 = vector.broadcast %div3A_1030 : f32 to vector<16xf32>
      %div3A_1032 = arith.divf %div3A_1031, %add3A_1029 : vector<16xf32>
      %sub3A_1033 = arith.constant 1.000000e+00 : f32
      %sub3A_1034 = vector.broadcast %sub3A_1033 : f32 to vector<16xf32>
      %sub3A_1035 = arith.subf %sub3A_1034, %div3A_1032 : vector<16xf32>
      %swap3A_1036 = arith.constant 64 : index
      %swap3A_1037 = tpu.vector_load %arg12[%swap3A_1036] {strides = array<i32>} : memref<128xf32, #tpu.memory_space<vmem>>, vector<16xf32>,
      tpu.vector_store %arg12[%swap3A_1036], %sub3A_1035 {strides = array<i32>} : memref<128xf32, #tpu.memory_space<vmem>>, vector<16xf32>,
      %mul3A_1038 = arith.mulf %gather3A_714, %gather3A_717 : vector<16xf32>
      %mul3A_1039 = arith.mulf %gather3A_714, %gather3A_718 : vector<16xf32>
      %mul3A_1040 = arith.mulf %gather3A_714, %gather3A_719 : vector<16xf32>
      %mul3A_1041 = arith.mulf %gather3A_714, %gather3A_720 : vector<16xf32>
      %mul3A_1042 = arith.mulf %gather3A_714, %gather3A_721 : vector<16xf32>
      %mul3A_1043 = arith.mulf %gather3A_714, %gather3A_722 : vector<16xf32>
      %mul3A_1044 = arith.mulf %gather3A_714, %gather3A_723 : vector<16xf32>
      %mul3A_1045 = arith.mulf %gather3A_714, %gather3A_724 : vector<16xf32>
      %max3A_1046 = arith.maximumf %mul3A_1038, %mul3A_1039 : vector<16xf32>
      %max3A_1047 = arith.maximumf %max3A_1046, %mul3A_1040 : vector<16xf32>
      %max3A_1048 = arith.maximumf %max3A_1047, %mul3A_1041 : vector<16xf32>
      %max3A_1049 = arith.maximumf %max3A_1048, %mul3A_1042 : vector<16xf32>
      %max3A_1050 = arith.maximumf %max3A_1049, %mul3A_1044 : vector<16xf32>
      %max3A_1051 = arith.maximumf %max3A_1050, %mul3A_1045 : vector<16xf32>
      %sub3A_1052 = arith.subf %mul3A_1038, %max3A_1051 : vector<16xf32>
      %exp3A_1053 = math.exp %sub3A_1052 : vector<16xf32>
      %mul3A_1054 = arith.mulf %exp3A_1053, %gather3A_725 : vector<16xf32>
      %sub3A_1055 = arith.subf %mul3A_1039, %max3A_1051 : vector<16xf32>
      %exp3A_1056 = math.exp %sub3A_1055 : vector<16xf32>
      %add3A_1057 = arith.addf %exp3A_1053, %exp3A_1056 : vector<16xf32>
      %mul3A_1058 = arith.mulf %exp3A_1056, %gather3A_726 : vector<16xf32>
      %add3A_1059 = arith.addf %mul3A_1054, %mul3A_1058 : vector<16xf32>
      %sub3A_1060 = arith.subf %mul3A_1040, %max3A_1051 : vector<16xf32>
      %exp3A_1061 = math.exp %sub3A_1060 : vector<16xf32>
      %add3A_1062 = arith.addf %add3A_1057, %exp3A_1061 : vector<16xf32>
      %mul3A_1063 = arith.mulf %exp3A_1061, %gather3A_727 : vector<16xf32>
      %add3A_1064 = arith.addf %add3A_1059, %mul3A_1063 : vector<16xf32>
      %sub3A_1065 = arith.subf %mul3A_1041, %max3A_1051 : vector<16xf32>
      %exp3A_1066 = math.exp %sub3A_1065 : vector<16xf32>
      %add3A_1067 = arith.addf %add3A_1062, %exp3A_1066 : vector<16xf32>
      %mul3A_1068 = arith.mulf %exp3A_1066, %gather3A_728 : vector<16xf32>
      %add3A_1069 = arith.addf %add3A_1064, %mul3A_1068 : vector<16xf32>
      %sub3A_1070 = arith.subf %mul3A_1042, %max3A_1051 : vector<16xf32>
      %exp3A_1071 = math.exp %sub3A_1070 : vector<16xf32>
      %add3A_1072 = arith.addf %add3A_1067, %exp3A_1071 : vector<16xf32>
      %mul3A_1073 = arith.mulf %exp3A_1071, %gather3A_729 : vector<16xf32>
      %add3A_1074 = arith.addf %add3A_1069, %mul3A_1073 : vector<16xf32>
      %sub3A_1075 = arith.subf %mul3A_1044, %max3A_1051 : vector<16xf32>
      %exp3A_1076 = math.exp %sub3A_1075 : vector<16xf32>
      %add3A_1077 = arith.addf %add3A_1072, %exp3A_1076 : vector<16xf32>
      %mul3A_1078 = arith.mulf %exp3A_1076, %gather3A_731 : vector<16xf32>
      %add3A_1079 = arith.addf %add3A_1074, %mul3A_1078 : vector<16xf32>
      %sub3A_1080 = arith.subf %mul3A_1045, %max3A_1051 : vector<16xf32>
      %exp3A_1081 = math.exp %sub3A_1080 : vector<16xf32>
      %add3A_1082 = arith.addf %add3A_1077, %exp3A_1081 : vector<16xf32>
      %mul3A_1083 = arith.mulf %exp3A_1081, %gather3A_732 : vector<16xf32>
      %add3A_1084 = arith.addf %add3A_1079, %mul3A_1083 : vector<16xf32>
      %div3A_1085 = arith.divf %add3A_1084, %add3A_1082 : vector<16xf32>
      %add3A_1086 = arith.addf %div3A_1085, %div3A_1085 : vector<16xf32>
      %exp3A_1087 = math.exp %add3A_1086 : vector<16xf32>
      %add3A_1088 = arith.constant 1.000000e+00 : f32
      %add3A_1089 = vector.broadcast %add3A_1088 : f32 to vector<16xf32>
      %add3A_1090 = arith.addf %exp3A_1087, %add3A_1089 : vector<16xf32>
      %div3A_1091 = arith.constant 2.000000e+00 : f32
      %div3A_1092 = vector.broadcast %div3A_1091 : f32 to vector<16xf32>
      %div3A_1093 = arith.divf %div3A_1092, %add3A_1090 : vector<16xf32>
      %sub3A_1094 = arith.constant 1.000000e+00 : f32
      %sub3A_1095 = vector.broadcast %sub3A_1094 : f32 to vector<16xf32>
      %sub3A_1096 = arith.subf %sub3A_1095, %div3A_1093 : vector<16xf32>
      %swap3A_1097 = arith.constant 80 : index
      %swap3A_1098 = tpu.vector_load %arg12[%swap3A_1097] {strides = array<i32>} : memref<128xf32, #tpu.memory_space<vmem>>, vector<16xf32>,
      tpu.vector_store %arg12[%swap3A_1097], %sub3A_1096 {strides = array<i32>} : memref<128xf32, #tpu.memory_space<vmem>>, vector<16xf32>,
      %mul3A_1099 = arith.mulf %gather3A_715, %gather3A_717 : vector<16xf32>
      %mul3A_1100 = arith.mulf %gather3A_715, %gather3A_718 : vector<16xf32>
      %mul3A_1101 = arith.mulf %gather3A_715, %gather3A_719 : vector<16xf32>
      %mul3A_1102 = arith.mulf %gather3A_715, %gather3A_720 : vector<16xf32>
      %mul3A_1103 = arith.mulf %gather3A_715, %gather3A_721 : vector<16xf32>
      %mul3A_1104 = arith.mulf %gather3A_715, %gather3A_722 : vector<16xf32>
      %mul3A_1105 = arith.mulf %gather3A_715, %gather3A_723 : vector<16xf32>
      %mul3A_1106 = arith.mulf %gather3A_715, %gather3A_724 : vector<16xf32>
      %max3A_1107 = arith.maximumf %mul3A_1099, %mul3A_1100 : vector<16xf32>
      %max3A_1108 = arith.maximumf %max3A_1107, %mul3A_1101 : vector<16xf32>
      %max3A_1109 = arith.maximumf %max3A_1108, %mul3A_1102 : vector<16xf32>
      %max3A_1110 = arith.maximumf %max3A_1109, %mul3A_1103 : vector<16xf32>
      %max3A_1111 = arith.maximumf %max3A_1110, %mul3A_1104 : vector<16xf32>
      %max3A_1112 = arith.maximumf %max3A_1111, %mul3A_1106 : vector<16xf32>
      %sub3A_1113 = arith.subf %mul3A_1099, %max3A_1112 : vector<16xf32>
      %exp3A_1114 = math.exp %sub3A_1113 : vector<16xf32>
      %mul3A_1115 = arith.mulf %exp3A_1114, %gather3A_725 : vector<16xf32>
      %sub3A_1116 = arith.subf %mul3A_1100, %max3A_1112 : vector<16xf32>
      %exp3A_1117 = math.exp %sub3A_1116 : vector<16xf32>
      %add3A_1118 = arith.addf %exp3A_1114, %exp3A_1117 : vector<16xf32>
      %mul3A_1119 = arith.mulf %exp3A_1117, %gather3A_726 : vector<16xf32>
      %add3A_1120 = arith.addf %mul3A_1115, %mul3A_1119 : vector<16xf32>
      %sub3A_1121 = arith.subf %mul3A_1101, %max3A_1112 : vector<16xf32>
      %exp3A_1122 = math.exp %sub3A_1121 : vector<16xf32>
      %add3A_1123 = arith.addf %add3A_1118, %exp3A_1122 : vector<16xf32>
      %mul3A_1124 = arith.mulf %exp3A_1122, %gather3A_727 : vector<16xf32>
      %add3A_1125 = arith.addf %add3A_1120, %mul3A_1124 : vector<16xf32>
      %sub3A_1126 = arith.subf %mul3A_1102, %max3A_1112 : vector<16xf32>
      %exp3A_1127 = math.exp %sub3A_1126 : vector<16xf32>
      %add3A_1128 = arith.addf %add3A_1123, %exp3A_1127 : vector<16xf32>
      %mul3A_1129 = arith.mulf %exp3A_1127, %gather3A_728 : vector<16xf32>
      %add3A_1130 = arith.addf %add3A_1125, %mul3A_1129 : vector<16xf32>
      %sub3A_1131 = arith.subf %mul3A_1103, %max3A_1112 : vector<16xf32>
      %exp3A_1132 = math.exp %sub3A_1131 : vector<16xf32>
      %add3A_1133 = arith.addf %add3A_1128, %exp3A_1132 : vector<16xf32>
      %mul3A_1134 = arith.mulf %exp3A_1132, %gather3A_729 : vector<16xf32>
      %add3A_1135 = arith.addf %add3A_1130, %mul3A_1134 : vector<16xf32>
      %sub3A_1136 = arith.subf %mul3A_1104, %max3A_1112 : vector<16xf32>
      %exp3A_1137 = math.exp %sub3A_1136 : vector<16xf32>
      %add3A_1138 = arith.addf %add3A_1133, %exp3A_1137 : vector<16xf32>
      %mul3A_1139 = arith.mulf %exp3A_1137, %gather3A_730 : vector<16xf32>
      %add3A_1140 = arith.addf %add3A_1135, %mul3A_1139 : vector<16xf32>
      %sub3A_1141 = arith.subf %mul3A_1106, %max3A_1112 : vector<16xf32>
      %exp3A_1142 = math.exp %sub3A_1141 : vector<16xf32>
      %add3A_1143 = arith.addf %add3A_1138, %exp3A_1142 : vector<16xf32>
      %mul3A_1144 = arith.mulf %exp3A_1142, %gather3A_732 : vector<16xf32>
      %add3A_1145 = arith.addf %add3A_1140, %mul3A_1144 : vector<16xf32>
      %div3A_1146 = arith.divf %add3A_1145, %add3A_1143 : vector<16xf32>
      %add3A_1147 = arith.addf %div3A_1146, %div3A_1146 : vector<16xf32>
      %exp3A_1148 = math.exp %add3A_1147 : vector<16xf32>
      %add3A_1149 = arith.constant 1.000000e+00 : f32
      %add3A_1150 = vector.broadcast %add3A_1149 : f32 to vector<16xf32>
      %add3A_1151 = arith.addf %exp3A_1148, %add3A_1150 : vector<16xf32>
      %div3A_1152 = arith.constant 2.000000e+00 : f32
      %div3A_1153 = vector.broadcast %div3A_1152 : f32 to vector<16xf32>
      %div3A_1154 = arith.divf %div3A_1153, %add3A_1151 : vector<16xf32>
      %sub3A_1155 = arith.constant 1.000000e+00 : f32
      %sub3A_1156 = vector.broadcast %sub3A_1155 : f32 to vector<16xf32>
      %sub3A_1157 = arith.subf %sub3A_1156, %div3A_1154 : vector<16xf32>
      %swap3A_1158 = arith.constant 96 : index
      %swap3A_1159 = tpu.vector_load %arg12[%swap3A_1158] {strides = array<i32>} : memref<128xf32, #tpu.memory_space<vmem>>, vector<16xf32>,
      tpu.vector_store %arg12[%swap3A_1158], %sub3A_1157 {strides = array<i32>} : memref<128xf32, #tpu.memory_space<vmem>>, vector<16xf32>,
      %mul3A_1160 = arith.mulf %gather3A_716, %gather3A_717 : vector<16xf32>
      %mul3A_1161 = arith.mulf %gather3A_716, %gather3A_718 : vector<16xf32>
      %mul3A_1162 = arith.mulf %gather3A_716, %gather3A_719 : vector<16xf32>
      %mul3A_1163 = arith.mulf %gather3A_716, %gather3A_720 : vector<16xf32>
      %mul3A_1164 = arith.mulf %gather3A_716, %gather3A_721 : vector<16xf32>
      %mul3A_1165 = arith.mulf %gather3A_716, %gather3A_722 : vector<16xf32>
      %mul3A_1166 = arith.mulf %gather3A_716, %gather3A_723 : vector<16xf32>
      %mul3A_1167 = arith.mulf %gather3A_716, %gather3A_724 : vector<16xf32>
      %max3A_1168 = arith.maximumf %mul3A_1160, %mul3A_1161 : vector<16xf32>
      %max3A_1169 = arith.maximumf %max3A_1168, %mul3A_1162 : vector<16xf32>
      %max3A_1170 = arith.maximumf %max3A_1169, %mul3A_1163 : vector<16xf32>
      %max3A_1171 = arith.maximumf %max3A_1170, %mul3A_1164 : vector<16xf32>
      %max3A_1172 = arith.maximumf %max3A_1171, %mul3A_1165 : vector<16xf32>
      %max3A_1173 = arith.maximumf %max3A_1172, %mul3A_1166 : vector<16xf32>
      %sub3A_1174 = arith.subf %mul3A_1160, %max3A_1173 : vector<16xf32>
      %exp3A_1175 = math.exp %sub3A_1174 : vector<16xf32>
      %mul3A_1176 = arith.mulf %exp3A_1175, %gather3A_725 : vector<16xf32>
      %sub3A_1177 = arith.subf %mul3A_1161, %max3A_1173 : vector<16xf32>
      %exp3A_1178 = math.exp %sub3A_1177 : vector<16xf32>
      %add3A_1179 = arith.addf %exp3A_1175, %exp3A_1178 : vector<16xf32>
      %mul3A_1180 = arith.mulf %exp3A_1178, %gather3A_726 : vector<16xf32>
      %add3A_1181 = arith.addf %mul3A_1176, %mul3A_1180 : vector<16xf32>
      %sub3A_1182 = arith.subf %mul3A_1162, %max3A_1173 : vector<16xf32>
      %exp3A_1183 = math.exp %sub3A_1182 : vector<16xf32>
      %add3A_1184 = arith.addf %add3A_1179, %exp3A_1183 : vector<16xf32>
      %mul3A_1185 = arith.mulf %exp3A_1183, %gather3A_727 : vector<16xf32>
      %add3A_1186 = arith.addf %add3A_1181, %mul3A_1185 : vector<16xf32>
      %sub3A_1187 = arith.subf %mul3A_1163, %max3A_1173 : vector<16xf32>
      %exp3A_1188 = math.exp %sub3A_1187 : vector<16xf32>
      %add3A_1189 = arith.addf %add3A_1184, %exp3A_1188 : vector<16xf32>
      %mul3A_1190 = arith.mulf %exp3A_1188, %gather3A_728 : vector<16xf32>
      %add3A_1191 = arith.addf %add3A_1186, %mul3A_1190 : vector<16xf32>
      %sub3A_1192 = arith.subf %mul3A_1164, %max3A_1173 : vector<16xf32>
      %exp3A_1193 = math.exp %sub3A_1192 : vector<16xf32>
      %add3A_1194 = arith.addf %add3A_1189, %exp3A_1193 : vector<16xf32>
      %mul3A_1195 = arith.mulf %exp3A_1193, %gather3A_729 : vector<16xf32>
      %add3A_1196 = arith.addf %add3A_1191, %mul3A_1195 : vector<16xf32>
      %sub3A_1197 = arith.subf %mul3A_1165, %max3A_1173 : vector<16xf32>
      %exp3A_1198 = math.exp %sub3A_1197 : vector<16xf32>
      %add3A_1199 = arith.addf %add3A_1194, %exp3A_1198 : vector<16xf32>
      %mul3A_1200 = arith.mulf %exp3A_1198, %gather3A_730 : vector<16xf32>
      %add3A_1201 = arith.addf %add3A_1196, %mul3A_1200 : vector<16xf32>
      %sub3A_1202 = arith.subf %mul3A_1166, %max3A_1173 : vector<16xf32>
      %exp3A_1203 = math.exp %sub3A_1202 : vector<16xf32>
      %add3A_1204 = arith.addf %add3A_1199, %exp3A_1203 : vector<16xf32>
      %mul3A_1205 = arith.mulf %exp3A_1203, %gather3A_731 : vector<16xf32>
      %add3A_1206 = arith.addf %add3A_1201, %mul3A_1205 : vector<16xf32>
      %div3A_1207 = arith.divf %add3A_1206, %add3A_1204 : vector<16xf32>
      %add3A_1208 = arith.addf %div3A_1207, %div3A_1207 : vector<16xf32>
      %exp3A_1209 = math.exp %add3A_1208 : vector<16xf32>
      %add3A_1210 = arith.constant 1.000000e+00 : f32
      %add3A_1211 = vector.broadcast %add3A_1210 : f32 to vector<16xf32>
      %add3A_1212 = arith.addf %exp3A_1209, %add3A_1211 : vector<16xf32>
      %div3A_1213 = arith.constant 2.000000e+00 : f32
      %div3A_1214 = vector.broadcast %div3A_1213 : f32 to vector<16xf32>
      %div3A_1215 = arith.divf %div3A_1214, %add3A_1212 : vector<16xf32>
      %sub3A_1216 = arith.constant 1.000000e+00 : f32
      %sub3A_1217 = vector.broadcast %sub3A_1216 : f32 to vector<16xf32>
      %sub3A_1218 = arith.subf %sub3A_1217, %div3A_1215 : vector<16xf32>
      %swap3A_1219 = arith.constant 112 : index
      %swap3A_1220 = tpu.vector_load %arg12[%swap3A_1219] {strides = array<i32>} : memref<128xf32, #tpu.memory_space<vmem>>, vector<16xf32>,
      tpu.vector_store %arg12[%swap3A_1219], %sub3A_1218 {strides = array<i32>} : memref<128xf32, #tpu.memory_space<vmem>>, vector<16xf32>,
      %mul3A_1221 = arith.constant 128 : i32
      %mul3A_1222 = arith.muli %add3A_635, %mul3A_1221 : i32
      %dma_wait3A_1223 = tpu.memref_slice %arg7[%mul3A_1222] : memref<1024xi32, #tpu.memory_space<vmem>> -> memref<128xi32, #tpu.memory_space<vmem>>
      %dma_wait3A_1224 = arith.constant 0 : i32
      %dma_wait3A_1225 = arith.constant 0 : i32
      %dma_wait3A_1226 = tpu.memref_slice %arg2[%dma_wait3A_1224, %dma_wait3A_1225] : memref<10000x256xf32, #tpu.memory_space<hbm>> -> memref<10000x256xf32, #tpu.memory_space<hbm>>
      tpu.wait_indirect_dma semaphore(%arg14 : memref<!tpu.dma_semaphore, #tpu.memory_space<semaphore_mem>>) src(%dma_wait3A_1226 : memref<10000x256xf32, #tpu.memory_space<hbm>>) dst(%arg9 : memref<128x256xf32, #tpu.memory_space<vmem>>)
      %ge3A_1227 = arith.constant 2 : i32
      %ge3A_1228 = arith.cmpi sge, %add3A_635, %ge3A_1227 : i32
      %convert_element_type3A_1229 = arith.extui %ge3A_1228 : i1 to i32
      %cond3A_1230 = arith.constant 0 : i32
      %cond3A_1231 = arith.cmpi ne, %convert_element_type3A_1229, %cond3A_1230 : i32
      scf.if %cond3A_1231 {
        %sub3A_1249 = arith.constant 2 : i32
        %sub3A_1250 = arith.subi %add3A_635, %sub3A_1249 : i32
        %mul3A_1251 = arith.constant 16 : i32
        %mul3A_1252 = arith.muli %sub3A_1250, %mul3A_1251 : i32
        %add3A_1253 = arith.addi %mul3A_2, %mul3A_1252 : i32
        %dma_wait3A_1254 = arith.constant 0 : i32
        %dma_wait3A_1255 = tpu.memref_slice %arg5[%add3A_1253, %dma_wait3A_1254] : memref<4096x256xf32, #tpu.memory_space<hbm>> -> memref<16x256xf32, #tpu.memory_space<hbm>>
        %dma_wait3A_1256 = arith.constant 0 : i32
        %dma_wait3A_1257 = tpu.memref_slice %arg5[%add3A_1253, %dma_wait3A_1256] : memref<4096x256xf32, #tpu.memory_space<hbm>> -> memref<16x256xf32, #tpu.memory_space<hbm>>
        tpu.wait_dma2 semaphore(%arg16 : memref<!tpu.dma_semaphore, #tpu.memory_space<semaphore_mem>>) src(%arg11 : memref<16x256xf32, #tpu.memory_space<vmem>>) dst(%dma_wait3A_1257 : memref<16x256xf32, #tpu.memory_space<hbm>>)
      } else {
      }
      %parallel_loop3A_1232 = arith.constant 0 : i32
      %parallel_loop3A_1233 = arith.constant 16 : i32
      %parallel_loop3A_1234 = arith.constant 1 : i32
      scf.for %parallel_loop3A_1249 = %parallel_loop3A_1232 to %parallel_loop3A_1233 step %parallel_loop3A_1234  : i32 {
        %parallel_loop3A_1250 = arith.constant 0 : i32
        %parallel_loop3A_1251 = vector.broadcast %parallel_loop3A_1250 : i32 to vector<16xi32>
        %parallel_loop3A_1252 = vector.broadcast %parallel_loop3A_1249 : i32 to vector<16xi32>
        %parallel_loop3A_1253 = arith.addi %parallel_loop3A_1251, %parallel_loop3A_1252 : vector<16xi32>
        %parallel_loop3A_1254 = tpu.vector_load_idx %arg12[%parallel_loop3A_1253] : memref<128xf32, #tpu.memory_space<vmem>>[vector<16xi32>], vector<16xf32>,
        %parallel_loop3A_1255 = arith.constant 16 : i32
        %parallel_loop3A_1256 = vector.broadcast %parallel_loop3A_1255 : i32 to vector<16xi32>
        %parallel_loop3A_1257 = vector.broadcast %parallel_loop3A_1249 : i32 to vector<16xi32>
        %parallel_loop3A_1258 = arith.addi %parallel_loop3A_1256, %parallel_loop3A_1257 : vector<16xi32>
        %parallel_loop3A_1259 = tpu.vector_load_idx %arg12[%parallel_loop3A_1258] : memref<128xf32, #tpu.memory_space<vmem>>[vector<16xi32>], vector<16xf32>,
        %parallel_loop3A_1260 = arith.constant 32 : i32
        %parallel_loop3A_1261 = vector.broadcast %parallel_loop3A_1260 : i32 to vector<16xi32>
        %parallel_loop3A_1262 = vector.broadcast %parallel_loop3A_1249 : i32 to vector<16xi32>
        %parallel_loop3A_1263 = arith.addi %parallel_loop3A_1261, %parallel_loop3A_1262 : vector<16xi32>
        %parallel_loop3A_1264 = tpu.vector_load_idx %arg12[%parallel_loop3A_1263] : memref<128xf32, #tpu.memory_space<vmem>>[vector<16xi32>], vector<16xf32>,
        %parallel_loop3A_1265 = arith.constant 48 : i32
        %parallel_loop3A_1266 = vector.broadcast %parallel_loop3A_1265 : i32 to vector<16xi32>
        %parallel_loop3A_1267 = vector.broadcast %parallel_loop3A_1249 : i32 to vector<16xi32>
        %parallel_loop3A_1268 = arith.addi %parallel_loop3A_1266, %parallel_loop3A_1267 : vector<16xi32>
        %parallel_loop3A_1269 = tpu.vector_load_idx %arg12[%parallel_loop3A_1268] : memref<128xf32, #tpu.memory_space<vmem>>[vector<16xi32>], vector<16xf32>,
        %parallel_loop3A_1270 = arith.constant 64 : i32
        %parallel_loop3A_1271 = vector.broadcast %parallel_loop3A_1270 : i32 to vector<16xi32>
        %parallel_loop3A_1272 = vector.broadcast %parallel_loop3A_1249 : i32 to vector<16xi32>
        %parallel_loop3A_1273 = arith.addi %parallel_loop3A_1271, %parallel_loop3A_1272 : vector<16xi32>
        %parallel_loop3A_1274 = tpu.vector_load_idx %arg12[%parallel_loop3A_1273] : memref<128xf32, #tpu.memory_space<vmem>>[vector<16xi32>], vector<16xf32>,
        %parallel_loop3A_1275 = arith.constant 80 : i32
        %parallel_loop3A_1276 = vector.broadcast %parallel_loop3A_1275 : i32 to vector<16xi32>
        %parallel_loop3A_1277 = vector.broadcast %parallel_loop3A_1249 : i32 to vector<16xi32>
        %parallel_loop3A_1278 = arith.addi %parallel_loop3A_1276, %parallel_loop3A_1277 : vector<16xi32>
        %parallel_loop3A_1279 = tpu.vector_load_idx %arg12[%parallel_loop3A_1278] : memref<128xf32, #tpu.memory_space<vmem>>[vector<16xi32>], vector<16xf32>,
        %parallel_loop3A_1280 = arith.constant 96 : i32
        %parallel_loop3A_1281 = vector.broadcast %parallel_loop3A_1280 : i32 to vector<16xi32>
        %parallel_loop3A_1282 = vector.broadcast %parallel_loop3A_1249 : i32 to vector<16xi32>
        %parallel_loop3A_1283 = arith.addi %parallel_loop3A_1281, %parallel_loop3A_1282 : vector<16xi32>
        %parallel_loop3A_1284 = tpu.vector_load_idx %arg12[%parallel_loop3A_1283] : memref<128xf32, #tpu.memory_space<vmem>>[vector<16xi32>], vector<16xf32>,
        %parallel_loop3A_1285 = arith.constant 112 : i32
        %parallel_loop3A_1286 = vector.broadcast %parallel_loop3A_1285 : i32 to vector<16xi32>
        %parallel_loop3A_1287 = vector.broadcast %parallel_loop3A_1249 : i32 to vector<16xi32>
        %parallel_loop3A_1288 = arith.addi %parallel_loop3A_1286, %parallel_loop3A_1287 : vector<16xi32>
        %parallel_loop3A_1289 = tpu.vector_load_idx %arg12[%parallel_loop3A_1288] : memref<128xf32, #tpu.memory_space<vmem>>[vector<16xi32>], vector<16xf32>,
        %parallel_loop3A_1290 = arith.constant 0 : i32
        %parallel_loop3A_1291 = arith.constant 16 : i32
        %parallel_loop3A_1292 = arith.constant 1 : i32
        scf.for %parallel_loop3A_1293 = %parallel_loop3A_1290 to %parallel_loop3A_1291 step %parallel_loop3A_1292  : i32 {
          %parallel_loop3A_1294 = arith.constant 8 : i32
          %parallel_loop3A_1295 = arith.muli %parallel_loop3A_1249, %parallel_loop3A_1294 : i32
          %parallel_loop3A_1296 = arith.constant 16 : i32
          %parallel_loop3A_1297 = arith.muli %parallel_loop3A_1293, %parallel_loop3A_1296 : i32
          %parallel_loop3A_1298 = arith.index_cast %parallel_loop3A_1295 : i32 to index
          %parallel_loop3A_1299 = arith.index_cast %parallel_loop3A_1297 : i32 to index
          %parallel_loop3A_1300 = tpu.vector_load %arg9[%parallel_loop3A_1298, %parallel_loop3A_1299] {strides = array<i32>} : memref<128x256xf32, #tpu.memory_space<vmem>>, vector<16xf32>,
          %parallel_loop3A_1301 = arith.mulf %parallel_loop3A_1254, %parallel_loop3A_1300 : vector<16xf32>
          %parallel_loop3A_1302 = arith.constant 8 : i32
          %parallel_loop3A_1303 = arith.muli %parallel_loop3A_1249, %parallel_loop3A_1302 : i32
          %parallel_loop3A_1304 = arith.constant 1 : i32
          %parallel_loop3A_1305 = arith.addi %parallel_loop3A_1303, %parallel_loop3A_1304 : i32
          %parallel_loop3A_1306 = arith.constant 16 : i32
          %parallel_loop3A_1307 = arith.muli %parallel_loop3A_1293, %parallel_loop3A_1306 : i32
          %parallel_loop3A_1308 = arith.index_cast %parallel_loop3A_1305 : i32 to index
          %parallel_loop3A_1309 = arith.index_cast %parallel_loop3A_1307 : i32 to index
          %parallel_loop3A_1310 = tpu.vector_load %arg9[%parallel_loop3A_1308, %parallel_loop3A_1309] {strides = array<i32>} : memref<128x256xf32, #tpu.memory_space<vmem>>, vector<16xf32>,
          %parallel_loop3A_1311 = arith.mulf %parallel_loop3A_1259, %parallel_loop3A_1310 : vector<16xf32>
          %parallel_loop3A_1312 = arith.addf %parallel_loop3A_1301, %parallel_loop3A_1311 : vector<16xf32>
          %parallel_loop3A_1313 = arith.constant 8 : i32
          %parallel_loop3A_1314 = arith.muli %parallel_loop3A_1249, %parallel_loop3A_1313 : i32
          %parallel_loop3A_1315 = arith.constant 2 : i32
          %parallel_loop3A_1316 = arith.addi %parallel_loop3A_1314, %parallel_loop3A_1315 : i32
          %parallel_loop3A_1317 = arith.constant 16 : i32
          %parallel_loop3A_1318 = arith.muli %parallel_loop3A_1293, %parallel_loop3A_1317 : i32
          %parallel_loop3A_1319 = arith.index_cast %parallel_loop3A_1316 : i32 to index
          %parallel_loop3A_1320 = arith.index_cast %parallel_loop3A_1318 : i32 to index
          %parallel_loop3A_1321 = tpu.vector_load %arg9[%parallel_loop3A_1319, %parallel_loop3A_1320] {strides = array<i32>} : memref<128x256xf32, #tpu.memory_space<vmem>>, vector<16xf32>,
          %parallel_loop3A_1322 = arith.mulf %parallel_loop3A_1264, %parallel_loop3A_1321 : vector<16xf32>
          %parallel_loop3A_1323 = arith.addf %parallel_loop3A_1312, %parallel_loop3A_1322 : vector<16xf32>
          %parallel_loop3A_1324 = arith.constant 8 : i32
          %parallel_loop3A_1325 = arith.muli %parallel_loop3A_1249, %parallel_loop3A_1324 : i32
          %parallel_loop3A_1326 = arith.constant 3 : i32
          %parallel_loop3A_1327 = arith.addi %parallel_loop3A_1325, %parallel_loop3A_1326 : i32
          %parallel_loop3A_1328 = arith.constant 16 : i32
          %parallel_loop3A_1329 = arith.muli %parallel_loop3A_1293, %parallel_loop3A_1328 : i32
          %parallel_loop3A_1330 = arith.index_cast %parallel_loop3A_1327 : i32 to index
          %parallel_loop3A_1331 = arith.index_cast %parallel_loop3A_1329 : i32 to index
          %parallel_loop3A_1332 = tpu.vector_load %arg9[%parallel_loop3A_1330, %parallel_loop3A_1331] {strides = array<i32>} : memref<128x256xf32, #tpu.memory_space<vmem>>, vector<16xf32>,
          %parallel_loop3A_1333 = arith.mulf %parallel_loop3A_1269, %parallel_loop3A_1332 : vector<16xf32>
          %parallel_loop3A_1334 = arith.addf %parallel_loop3A_1323, %parallel_loop3A_1333 : vector<16xf32>
          %parallel_loop3A_1335 = arith.constant 8 : i32
          %parallel_loop3A_1336 = arith.muli %parallel_loop3A_1249, %parallel_loop3A_1335 : i32
          %parallel_loop3A_1337 = arith.constant 4 : i32
          %parallel_loop3A_1338 = arith.addi %parallel_loop3A_1336, %parallel_loop3A_1337 : i32
          %parallel_loop3A_1339 = arith.constant 16 : i32
          %parallel_loop3A_1340 = arith.muli %parallel_loop3A_1293, %parallel_loop3A_1339 : i32
          %parallel_loop3A_1341 = arith.index_cast %parallel_loop3A_1338 : i32 to index
          %parallel_loop3A_1342 = arith.index_cast %parallel_loop3A_1340 : i32 to index
          %parallel_loop3A_1343 = tpu.vector_load %arg9[%parallel_loop3A_1341, %parallel_loop3A_1342] {strides = array<i32>} : memref<128x256xf32, #tpu.memory_space<vmem>>, vector<16xf32>,
          %parallel_loop3A_1344 = arith.mulf %parallel_loop3A_1274, %parallel_loop3A_1343 : vector<16xf32>
          %parallel_loop3A_1345 = arith.addf %parallel_loop3A_1334, %parallel_loop3A_1344 : vector<16xf32>
          %parallel_loop3A_1346 = arith.constant 8 : i32
          %parallel_loop3A_1347 = arith.muli %parallel_loop3A_1249, %parallel_loop3A_1346 : i32
          %parallel_loop3A_1348 = arith.constant 5 : i32
          %parallel_loop3A_1349 = arith.addi %parallel_loop3A_1347, %parallel_loop3A_1348 : i32
          %parallel_loop3A_1350 = arith.constant 16 : i32
          %parallel_loop3A_1351 = arith.muli %parallel_loop3A_1293, %parallel_loop3A_1350 : i32
          %parallel_loop3A_1352 = arith.index_cast %parallel_loop3A_1349 : i32 to index
          %parallel_loop3A_1353 = arith.index_cast %parallel_loop3A_1351 : i32 to index
          %parallel_loop3A_1354 = tpu.vector_load %arg9[%parallel_loop3A_1352, %parallel_loop3A_1353] {strides = array<i32>} : memref<128x256xf32, #tpu.memory_space<vmem>>, vector<16xf32>,
          %parallel_loop3A_1355 = arith.mulf %parallel_loop3A_1279, %parallel_loop3A_1354 : vector<16xf32>
          %parallel_loop3A_1356 = arith.addf %parallel_loop3A_1345, %parallel_loop3A_1355 : vector<16xf32>
          %parallel_loop3A_1357 = arith.constant 8 : i32
          %parallel_loop3A_1358 = arith.muli %parallel_loop3A_1249, %parallel_loop3A_1357 : i32
          %parallel_loop3A_1359 = arith.constant 6 : i32
          %parallel_loop3A_1360 = arith.addi %parallel_loop3A_1358, %parallel_loop3A_1359 : i32
          %parallel_loop3A_1361 = arith.constant 16 : i32
          %parallel_loop3A_1362 = arith.muli %parallel_loop3A_1293, %parallel_loop3A_1361 : i32
          %parallel_loop3A_1363 = arith.index_cast %parallel_loop3A_1360 : i32 to index
          %parallel_loop3A_1364 = arith.index_cast %parallel_loop3A_1362 : i32 to index
          %parallel_loop3A_1365 = tpu.vector_load %arg9[%parallel_loop3A_1363, %parallel_loop3A_1364] {strides = array<i32>} : memref<128x256xf32, #tpu.memory_space<vmem>>, vector<16xf32>,
          %parallel_loop3A_1366 = arith.mulf %parallel_loop3A_1284, %parallel_loop3A_1365 : vector<16xf32>
          %parallel_loop3A_1367 = arith.addf %parallel_loop3A_1356, %parallel_loop3A_1366 : vector<16xf32>
          %parallel_loop3A_1368 = arith.constant 8 : i32
          %parallel_loop3A_1369 = arith.muli %parallel_loop3A_1249, %parallel_loop3A_1368 : i32
          %parallel_loop3A_1370 = arith.constant 7 : i32
          %parallel_loop3A_1371 = arith.addi %parallel_loop3A_1369, %parallel_loop3A_1370 : i32
          %parallel_loop3A_1372 = arith.constant 16 : i32
          %parallel_loop3A_1373 = arith.muli %parallel_loop3A_1293, %parallel_loop3A_1372 : i32
          %parallel_loop3A_1374 = arith.index_cast %parallel_loop3A_1371 : i32 to index
          %parallel_loop3A_1375 = arith.index_cast %parallel_loop3A_1373 : i32 to index
          %parallel_loop3A_1376 = tpu.vector_load %arg9[%parallel_loop3A_1374, %parallel_loop3A_1375] {strides = array<i32>} : memref<128x256xf32, #tpu.memory_space<vmem>>, vector<16xf32>,
          %parallel_loop3A_1377 = arith.mulf %parallel_loop3A_1289, %parallel_loop3A_1376 : vector<16xf32>
          %parallel_loop3A_1378 = arith.addf %parallel_loop3A_1367, %parallel_loop3A_1377 : vector<16xf32>
          %parallel_loop3A_1379 = arith.constant 16 : i32
          %parallel_loop3A_1380 = arith.muli %parallel_loop3A_1293, %parallel_loop3A_1379 : i32
          %parallel_loop3A_1381 = arith.index_cast %parallel_loop3A_1249 : i32 to index
          %parallel_loop3A_1382 = arith.index_cast %parallel_loop3A_1380 : i32 to index
          %parallel_loop3A_1383 = tpu.vector_load %arg11[%parallel_loop3A_1381, %parallel_loop3A_1382] {strides = array<i32>} : memref<16x256xf32, #tpu.memory_space<vmem>>, vector<16xf32>,
          tpu.vector_store %arg11[%parallel_loop3A_1381, %parallel_loop3A_1382], %parallel_loop3A_1378 {strides = array<i32>} : memref<16x256xf32, #tpu.memory_space<vmem>>, vector<16xf32>,
        } {sc.loop_unroll_factor = 4 : i64, sc.parallel_access}
      } {sc.loop_unroll_factor = 1 : i64, sc.parallel_access}
      %mul3A_1235 = arith.constant 16 : i32
      %mul3A_1236 = arith.muli %add3A_635, %mul3A_1235 : i32
      %add3A_1237 = arith.addi %mul3A_2, %mul3A_1236 : i32
      %dma_start3A_1238 = arith.constant 0 : i32
      %dma_start3A_1239 = tpu.memref_slice %arg5[%add3A_1237, %dma_start3A_1238] : memref<4096x256xf32, #tpu.memory_space<hbm>> -> memref<16x256xf32, #tpu.memory_space<hbm>>
      %dma_start3A_1240 = arith.constant 0 : i32
      %dma_start3A_1241 = tpu.memref_slice %arg5[%add3A_1237, %dma_start3A_1240] : memref<4096x256xf32, #tpu.memory_space<hbm>> -> memref<16x256xf32, #tpu.memory_space<hbm>>
      tpu.enqueue_dma source(%arg11 : memref<16x256xf32, #tpu.memory_space<vmem>>) target(%dma_start3A_1241 : memref<16x256xf32, #tpu.memory_space<hbm>>) target_semaphore(%arg16 : memref<!tpu.dma_semaphore, #tpu.memory_space<semaphore_mem>>)
      %add3A_1242 = arith.constant 3 : i32
      %add3A_1243 = arith.addi %add3A_33, %add3A_1242 : i32
      %lt3A_1244 = arith.constant 8 : i32
      %lt3A_1245 = arith.cmpi slt, %add3A_1243, %lt3A_1244 : i32
      %convert_element_type3A_1246 = arith.extui %lt3A_1245 : i1 to i32
      %cond3A_1247 = arith.constant 0 : i32
      %cond3A_1248 = arith.cmpi ne, %convert_element_type3A_1246, %cond3A_1247 : i32
      scf.if %cond3A_1248 {
        %add3A_1249 = arith.constant 3 : i32
        %add3A_1250 = arith.addi %add3A_33, %add3A_1249 : i32
        %mul3A_1251 = arith.constant 128 : i32
        %mul3A_1252 = arith.muli %add3A_1250, %mul3A_1251 : i32
        %dma_start3A_1253 = tpu.memref_slice %arg7[%mul3A_1252] : memref<1024xi32, #tpu.memory_space<vmem>> -> memref<128xi32, #tpu.memory_space<vmem>>
        %dma_start3A_1254 = arith.constant 0 : i32
        %dma_start3A_1255 = arith.constant 0 : i32
        %dma_start3A_1256 = tpu.memref_slice %arg2[%dma_start3A_1254, %dma_start3A_1255] : memref<10000x256xf32, #tpu.memory_space<hbm>> -> memref<10000x256xf32, #tpu.memory_space<hbm>>
        tpu.enqueue_indirect_dma source(%dma_start3A_1256 : memref<10000x256xf32, #tpu.memory_space<hbm>>) target(%arg9 : memref<128x256xf32, #tpu.memory_space<vmem>>) offsets(%dma_start3A_1253 : memref<128xi32, #tpu.memory_space<vmem>>) semaphore(%arg14 : memref<!tpu.dma_semaphore, #tpu.memory_space<semaphore_mem>>)
      } else {
      }
    }
    %scan3A_17 = arith.constant 4 : i32
    %add3A_18 = arith.constant 96 : i32
    %add3A_19 = arith.addi %mul3A_2, %add3A_18 : i32
    %dma_wait3A = arith.constant 0 : i32
    %dma_wait3A_20 = tpu.memref_slice %arg5[%add3A_19, %dma_wait3A] : memref<4096x256xf32, #tpu.memory_space<hbm>> -> memref<16x256xf32, #tpu.memory_space<hbm>>
    %dma_wait3A_21 = arith.constant 0 : i32
    %dma_wait3A_22 = tpu.memref_slice %arg5[%add3A_19, %dma_wait3A_21] : memref<4096x256xf32, #tpu.memory_space<hbm>> -> memref<16x256xf32, #tpu.memory_space<hbm>>
    tpu.wait_dma2 semaphore(%arg15 : memref<!tpu.dma_semaphore, #tpu.memory_space<semaphore_mem>>) src(%arg10 : memref<16x256xf32, #tpu.memory_space<vmem>>) dst(%dma_wait3A_22 : memref<16x256xf32, #tpu.memory_space<hbm>>)
    %add3A_23 = arith.constant 112 : i32
    %add3A_24 = arith.addi %mul3A_2, %add3A_23 : i32
    %dma_wait3A_25 = arith.constant 0 : i32
    %dma_wait3A_26 = tpu.memref_slice %arg5[%add3A_24, %dma_wait3A_25] : memref<4096x256xf32, #tpu.memory_space<hbm>> -> memref<16x256xf32, #tpu.memory_space<hbm>>
    %dma_wait3A_27 = arith.constant 0 : i32
    %dma_wait3A_28 = tpu.memref_slice %arg5[%add3A_24, %dma_wait3A_27] : memref<4096x256xf32, #tpu.memory_space<hbm>> -> memref<16x256xf32, #tpu.memory_space<hbm>>
    tpu.wait_dma2 semaphore(%arg16 : memref<!tpu.dma_semaphore, #tpu.memory_space<semaphore_mem>>) src(%arg11 : memref<16x256xf32, #tpu.memory_space<vmem>>) dst(%dma_wait3A_28 : memref<16x256xf32, #tpu.memory_space<hbm>>)
    return
  }
}

module attributes {stable_mosaic.version = 14 : i64} {
  func.func @_proj_body(%arg0: i32, %arg1: memref<1x128xf32, #tpu.memory_space<vmem>>, %arg2: memref<1x128xf32, #tpu.memory_space<vmem>>, %arg3: memref<1x128xf32, #tpu.memory_space<vmem>>, %arg4: memref<1xf32, #tpu.memory_space<vmem>>, %arg5: memref<1xf32, #tpu.memory_space<vmem>>, %arg6: memref<1xf32, #tpu.memory_space<vmem>>, %arg7: memref<10000x128xf32, #tpu.memory_space<vmem>>, %arg8: memref<3x10000xf32, #tpu.memory_space<vmem>>) attributes {dimension_semantics = [#tpu.dimension_semantics<arbitrary>], iteration_bounds = array<i64: 2>, scalar_prefetch = 0 : i64, scratch_operands = 0 : i64, tpu.core_type = #tpu.core_type<tc>, window_params = [{transform_indices = @transform_0, window_bounds = array<i64: 1, 128>}, {transform_indices = @transform_1, window_bounds = array<i64: 1, 128>}, {transform_indices = @transform_2, window_bounds = array<i64: 1, 128>}, {pipeline_mode = #tpu.pipeline_mode<synchronous>, transform_indices = @transform_3, window_bounds = array<i64: 1>}, {pipeline_mode = #tpu.pipeline_mode<synchronous>, transform_indices = @transform_4, window_bounds = array<i64: 1>}, {pipeline_mode = #tpu.pipeline_mode<synchronous>, transform_indices = @transform_5, window_bounds = array<i64: 1>}, {transform_indices = @transform_6, window_bounds = array<i64: 10000, 128>}, {pipeline_mode = #tpu.pipeline_mode<synchronous>, transform_indices = @transform_7, window_bounds = array<i64: 3, 10000>}]} {
    %get3A = arith.constant 0 : index
    %get3A_0 = arith.constant 0 : index
    %get3A_1 = vector.load %arg1[%get3A, %get3A_0] : memref<1x128xf32, #tpu.memory_space<vmem>>, vector<1x128xf32>
    %get3A_2 = arith.constant 0 : index
    %get3A_3 = arith.constant 0 : index
    %get3A_4 = vector.load %arg2[%get3A_2, %get3A_3] : memref<1x128xf32, #tpu.memory_space<vmem>>, vector<1x128xf32>
    %get3A_5 = arith.constant 0 : index
    %get3A_6 = arith.constant 0 : index
    %get3A_7 = vector.load %arg3[%get3A_5, %get3A_6] : memref<1x128xf32, #tpu.memory_space<vmem>>, vector<1x128xf32>
    %concatenate3A = tpu.concatenate %get3A_1, %get3A_4, %get3A_7 in 0 : vector<1x128xf32>, vector<1x128xf32>, vector<1x128xf32> -> vector<3x128xf32>
    %get3A_8 = arith.constant 0 : index
    %get3A_9 = vector.load %arg4[%get3A_8] : memref<1xf32, #tpu.memory_space<vmem>>, vector<1xf32>
    %get3A_10 = arith.constant 0 : index
    %get3A_11 = vector.load %arg5[%get3A_10] : memref<1xf32, #tpu.memory_space<vmem>>, vector<1xf32>
    %get3A_12 = arith.constant 0 : index
    %get3A_13 = vector.load %arg6[%get3A_12] : memref<1xf32, #tpu.memory_space<vmem>>, vector<1xf32>
    %concatenate3A_14 = tpu.concatenate %get3A_9, %get3A_11, %get3A_13 in 0 : vector<1xf32>, vector<1xf32>, vector<1xf32> -> vector<3xf32>
    %broadcast_in_dim3A = vector.shape_cast %concatenate3A_14 : vector<3xf32> to vector<3x1xf32>
    %get3A_15 = arith.constant 0 : index
    %get3A_16 = arith.constant 0 : index
    %get3A_17 = vector.load %arg7[%get3A_15, %get3A_16] : memref<10000x128xf32, #tpu.memory_space<vmem>>, vector<10000x128xf32>
    %dot_general3A = arith.constant dense<0.000000e+00> : vector<3x10000xf32>
    %dot_general3A_18 = tpu.matmul %concatenate3A, %get3A_17, %dot_general3A {dimension_numbers = #tpu.dot_dimension_numbers<[1], [1], [0], [0], [0, 0, 1, 0], [], []>, transpose_lhs_hint = false} : vector<3x128xf32>, vector<10000x128xf32>, vector<3x10000xf32> -> vector<3x10000xf32>
    %eq3A = arith.constant 0 : i32
    %eq3A_19 = arith.cmpi eq, %arg0, %eq3A : i32
    %convert_element_type3A = arith.extui %eq3A_19 : i1 to i32
    %cond3A = arith.constant 0 : i32
    %cond3A_20 = arith.cmpi ne, %convert_element_type3A, %cond3A : i32
    scf.if %cond3A_20 {
      %add3A = vector.broadcast %broadcast_in_dim3A : vector<3x1xf32> to vector<3x10000xf32>
      %add3A_25 = arith.addf %dot_general3A_18, %add3A : vector<3x10000xf32>
      %swap3A = arith.constant 0 : index
      %swap3A_26 = arith.constant 0 : index
      %swap3A_27 = vector.load %arg8[%swap3A, %swap3A_26] : memref<3x10000xf32, #tpu.memory_space<vmem>>, vector<3x10000xf32>
      tpu.vector_store %arg8[%swap3A, %swap3A_26], %add3A_25 {strides = array<i32>} : memref<3x10000xf32, #tpu.memory_space<vmem>>, vector<3x10000xf32>,
    } else {
    }
    %ne3A = arith.constant 0 : i32
    %ne3A_21 = arith.cmpi ne, %arg0, %ne3A : i32
    %convert_element_type3A_22 = arith.extui %ne3A_21 : i1 to i32
    %cond3A_23 = arith.constant 0 : i32
    %cond3A_24 = arith.cmpi ne, %convert_element_type3A_22, %cond3A_23 : i32
    scf.if %cond3A_24 {
      %get3A_25 = arith.constant 0 : index
      %get3A_26 = arith.constant 0 : index
      %get3A_27 = vector.load %arg8[%get3A_25, %get3A_26] : memref<3x10000xf32, #tpu.memory_space<vmem>>, vector<3x10000xf32>
      %add3A = arith.addf %get3A_27, %dot_general3A_18 : vector<3x10000xf32>
      %swap3A = arith.constant 0 : index
      %swap3A_28 = arith.constant 0 : index
      %swap3A_29 = vector.load %arg8[%swap3A, %swap3A_28] : memref<3x10000xf32, #tpu.memory_space<vmem>>, vector<3x10000xf32>
      tpu.vector_store %arg8[%swap3A, %swap3A_28], %add3A {strides = array<i32>} : memref<3x10000xf32, #tpu.memory_space<vmem>>, vector<3x10000xf32>,
    } else {
    }
    return
  }
  func.func @transform_0(%arg0: i32) -> (i32, i32) {
    %c0_i32 = arith.constant 0 : i32
    %c0_i32_0 = arith.constant 0 : i32
    return %c0_i32, %arg0 : i32, i32
  }
  func.func @transform_1(%arg0: i32) -> (i32, i32) {
    %c0_i32 = arith.constant 0 : i32
    %c0_i32_0 = arith.constant 0 : i32
    return %c0_i32, %arg0 : i32, i32
  }
  func.func @transform_2(%arg0: i32) -> (i32, i32) {
    %c0_i32 = arith.constant 0 : i32
    %c0_i32_0 = arith.constant 0 : i32
    return %c0_i32, %arg0 : i32, i32
  }
  func.func @transform_3(%arg0: i32) -> i32 {
    %c0_i32 = arith.constant 0 : i32
    %c0_i32_0 = arith.constant 0 : i32
    return %c0_i32 : i32
  }
  func.func @transform_4(%arg0: i32) -> i32 {
    %c0_i32 = arith.constant 0 : i32
    %c0_i32_0 = arith.constant 0 : i32
    return %c0_i32 : i32
  }
  func.func @transform_5(%arg0: i32) -> i32 {
    %c0_i32 = arith.constant 0 : i32
    %c0_i32_0 = arith.constant 0 : i32
    return %c0_i32 : i32
  }
  func.func @transform_6(%arg0: i32) -> (i32, i32) {
    %c0_i32 = arith.constant 0 : i32
    %c0_i32_0 = arith.constant 0 : i32
    return %c0_i32, %arg0 : i32, i32
  }
  func.func @transform_7(%arg0: i32) -> (i32, i32) {
    %c0_i32 = arith.constant 0 : i32
    %c0_i32_0 = arith.constant 0 : i32
    %c0_i32_1 = arith.constant 0 : i32
    return %c0_i32, %c0_i32_0 : i32, i32
  }
}

</mosaic_0001>

<sc_bundles>
// kernel: kernel.4.cloned.1.call-start
scs
__scs_entry_jumppad:
0x0: {  	(pc) =	sbr.rel $0x88, $3  }
0x1: {  	(tag) =	ssettag $0x0;
	lr =	simm.s32 $0x1  }
0x2: {  	[smem:$0x3F99] =	sst lr;
	_ =	strace $0xD0000000  }
0x3: {  	_ = 	snop  }
0x4: {  	_ = 	snop  }
0x5: {  	_ = 	snop  }
0x6: {  	_ = 	snop  }
0x7: {  	_ = 	snop  }
__scs_overlays_trampoline_lowered:
0x8: {  	[smem:$0x3FA8] =	sst s0  }
0x9: {  	[smem:$0x3FA9] =	sst s1  }
0xa: {  	[smem:$0x3FAA] =	sst s2  }
0xb: {  	[smem:$0x3FAB] =	sst s3  }
0xc: {  	[smem:$0x3FAC] =	sst s4  }
0xd: {  	[smem:$0x3FAD] =	sst s5  }
0xe: {  	[smem:$0x3FAE] =	sst s6  }
0xf: {  	[smem:$0x3FAF] =	sst s7  }
0x10: {  	[smem:$0x3FB0] =	sst s8  }
0x11: {  	[smem:$0x3FB1] =	sst s9;
	s0 =	simm.s32 @!p0 $0x0  }
0x12: {  	s1 =	sld [smem:$0x3F97];
	s0 =	simm.s32 @p0 $0x1  }
0x13: {  	[smem:$0x3FB2] =	sst s0;
	s0 =	simm.s32 @!p1 $0x0  }
0x14: {  	s2 =	sld [smem:$0x3F96];
	s0 =	simm.s32 @p1 $0x1  }
0x15: {  	[smem:$0x3FB3] =	sst s0;
	s0 =	simm.s32 @!p2 $0x0  }
0x16: {  	s3 =	sld [smem:$0x3FDB];
	s0 =	simm.s32 @p2 $0x1  }
0x17: {  	s4 =	simm.s32 $0x1BF5;
	[smem:$0x3FB5] =	sst s0  }
0x18: {  	s0 =	sld [smem:$0x3F98];
	_ =	swait.ge [sflag:s4], $0x0  }
0x19: {  	s7 =	sld [smem:$0x3F99]  }
0x1a: {  	s8 =	sadd.s32 $0xFFFFE003, lr  }
0x1b: {  	s9 =	sadd.s32 $0xFFFFFEF7, lr;
	s5 =	simm.s32 $0xFFFFFFFF;
	p2 =	slt.u32 s8, $0xFFFFF086  }
0x1c: {  	p1 =	slt.u32 s9, $0xF7A;
	s5 =	simm.s32 @!p2 $0x0  }
0x1d: {  	s5 =	simm.s32 @p1 $0x1;
	p0 =	seq.s32 s7, s2  }
0x1e: {  	s7 =	smul.u32 @!p0 $0xF7A, s2;
	p2 =	seq.s32 @!p0 s5, $0x0  }
0x1f: {  	s9 =	smul.u32 $0xF7A, s1;
	s8 =	simm.s32 @!p0 $0x1BF5;
	p2 =	por !p2, p0  }
0x20: {  	[sflag:s8] =	ssyncset.s32 @!p0 $0xFFFFF086;
	s6 =	sadd.s32 @!p0 s3, s7;
	s7 =	simm.s32 @!p0 $0x108  }
0x21: {  	s3 =	sadd.s32 s3, s9;
	s6 =	sadd.s32 @!p0 $0x88, s6;
	s7 =	simm.s32 @p2 $0x1082  }
0x22: {  	[simem:s7], [sflag:s8] =	dma.local @!p0 [hbm:s6], $0xF7A  }
0x23: {  	s9 =	sor.u32 $0xD0000000, s2;
	s6 =	simm.s32 $0x108;
	_ =	swait.ge @!p0 [sflag:s8], $0x0  }
0x24: {  	s3 =	sadd.s32 $0x88, s3;
	s6 =	simm.s32 @!p1 $0x1082;
	[sflag:s4] =	ssyncset.s32 $0xFFFFF086  }
0x25: {  	[simem:s6], [sflag:s4] =	dma.local [hbm:s3], $0xF7A  }
0x26: {  	[smem:$0x3F99] =	sst s1;
	(tag) =	ssettag s2;
	_ =	strace s9  }
0x27: {  	s1 =	sld [smem:$0x3FA9]  }
0x28: {  	s2 =	sld [smem:$0x3FAA]  }
0x29: {  	s4 =	sld [smem:$0x3FAC]  }
0x2a: {  	p0 =	seq.s32 s5, $0x0;
	s5 =	sld [smem:$0x3FAD]  }
0x2b: {  	s6 =	sld [smem:$0x3FAE]  }
0x2c: {  	s7 =	sld [smem:$0x3FAF]  }
0x2d: {  	s3 =	simm.s32 $0x108;
	s8 =	sld [smem:$0x3FB0]  }
0x2e: {  	s3 =	simm.s32 @!p0 $0x1082;
	s9 =	sld [smem:$0x3FB1]  }
0x2f: {  	lr =	sadd.s32 s0, s3;
	s0 =	sld [smem:$0x3FA8]  }
0x30: {  	s3 =	sld [smem:$0x3FAB]  }
0x31: {  	[smem:$0x3FB4] =	sst s10  }
0x32: {  	s10 =	sld [smem:$0x3FB2];
	_ =	sdelay $0x3  }
0x33: {  	p0 =	seq.s32 s10, $0x1;
	s10 =	sld [smem:$0x3FB4];
	_ =	sdelay $0x3  }
0x34: {  	[smem:$0x3FB4] =	sst s10  }
0x35: {  	s10 =	sld [smem:$0x3FB3];
	_ =	sdelay $0x3  }
0x36: {  	p1 =	seq.s32 s10, $0x1;
	s10 =	sld [smem:$0x3FB4];
	_ =	sdelay $0x3  }
0x37: {  	[smem:$0x3FB4] =	sst s10  }
0x38: {  	s10 =	sld [smem:$0x3FB5]  }
0x39: {  	_ = 	snop;
	(pc) =	sbr.ind lr, $3  }
0x3a: {  	_ = 	snop  }
0x3b: {  	_ = 	snop  }
0x3c: {  	p2 =	seq.s32 s10, $0x1;
	s10 =	sld [smem:$0x3FB4]  }
0x3d: {  	_ =	shalt  }
0x3e: {  	_ =	shalt  }
0x3f: {  	_ =	shalt  }
0x40: {  	_ =	shalt  }
0x41: {  	_ =	shalt  }
0x42: {  	_ =	shalt  }
0x43: {  	_ =	shalt  }
0x44: {  	_ =	shalt  }
0x45: {  	_ =	shalt  }
0x46: {  	_ =	shalt  }
0x47: {  	_ =	shalt  }
0x48: {  	_ =	shalt  }
0x49: {  	_ =	shalt  }
0x4a: {  	_ =	shalt  }
0x4b: {  	_ =	shalt  }
0x4c: {  	_ =	shalt  }
0x4d: {  	_ =	shalt  }
0x4e: {  	_ =	shalt  }
0x4f: {  	_ =	shalt  }
0x50: {  	_ =	shalt  }
0x51: {  	_ =	shalt  }
0x52: {  	_ =	shalt  }
0x53: {  	_ =	shalt  }
0x54: {  	_ =	shalt  }
0x55: {  	_ =	shalt  }
0x56: {  	_ =	shalt  }
0x57: {  	_ =	shalt  }
0x58: {  	_ =	shalt  }
0x59: {  	_ =	shalt  }
0x5a: {  	_ =	shalt  }
0x5b: {  	_ =	shalt  }
0x5c: {  	_ =	shalt  }
0x5d: {  	_ =	shalt  }
0x5e: {  	_ =	shalt  }
0x5f: {  	_ =	shalt  }
0x60: {  	_ =	shalt  }
0x61: {  	_ =	shalt  }
0x62: {  	_ =	shalt  }
0x63: {  	_ =	shalt  }
0x64: {  	_ =	shalt  }
0x65: {  	_ =	shalt  }
0x66: {  	_ =	shalt  }
0x67: {  	_ =	shalt  }
0x68: {  	_ =	shalt  }
0x69: {  	_ =	shalt  }
0x6a: {  	_ =	shalt  }
0x6b: {  	_ =	shalt  }
0x6c: {  	_ =	shalt  }
0x6d: {  	_ =	shalt  }
0x6e: {  	_ =	shalt  }
0x6f: {  	_ =	shalt  }
0x70: {  	_ =	shalt  }
0x71: {  	_ =	shalt  }
0x72: {  	_ =	shalt  }
0x73: {  	_ =	shalt  }
0x74: {  	_ =	shalt  }
0x75: {  	_ =	shalt  }
0x76: {  	_ =	shalt  }
0x77: {  	_ =	shalt  }
0x78: {  	_ =	shalt  }
0x79: {  	_ =	shalt  }
0x7a: {  	_ =	shalt  }
0x7b: {  	_ =	shalt  }
0x7c: {  	_ =	shalt  }
0x7d: {  	_ =	shalt  }
0x7e: {  	_ =	shalt  }
0x7f: {  	_ =	shalt  }
0x80: {  	_ =	shalt  }
0x81: {  	_ =	shalt  }
0x82: {  	_ =	shalt  }
0x83: {  	_ =	shalt  }
0x84: {  	_ =	shalt  }
0x85: {  	_ =	shalt  }
0x86: {  	_ =	shalt  }
0x87: {  	_ =	shalt  }
.Lfunc_end0:
.L_simem_size_0:
called_computation_lowered:
.L_overlay_start_0:
0x88: {  	s2 =	sld [smem:$0x3FD9]  }
0x89: {  	s3 =	sld [smem:$0x3FFE];
	_ =	sdelay $0x1  }
0x8a: {  	s1 =	srdreg.scid  }
0x8b: {  	s0 =	sand.u32 $0x1, s1  }
0x8c: {  	s17 =	sshll.u32 s0, $0xA;
	s2 =	sadd.s32 s3, s2  }
0x8d: {  	s2 =	sadd.s32 s2, s17  }
0x8e: {  	[smem:$0x3FC0] =	sst s2  }
0x8f: {  	_ = 	snop  }
0x90: {  	s2 =	sld [smem:$0x3FC9]  }
0x91: {  	s18 =	sld [smem:$0x3FD0];
	(tm) =	ssettm $0x1  }
0x92: {  	s4 =	sld [smem:$0x3FFB];
	_ =	sdelay $0x3  }
0x93: {  	_ =	strace s4  }
0x94: {  	s4 =	sld [smem:$0x3FFC];
	_ =	sdelay $0x3  }
0x95: {  	_ =	strace s4  }
0x96: {  	s4 =	sld [smem:$0x3FFD];
	_ =	sdelay $0x3  }
0x97: {  	_ =	strace s4  }
0x98: {  	_ =	strace $0x8FFFFFFF  }
0x99: {  	s19 =	sld [smem:$0x3FDB];
	_ =	sdelay $0x1  }
0x9a: {  	s5 =	simm.s32 $_scs_section_size  }
0x9b: {  	s6 =	simm.s32 $_size__tile_overlayer_lowered;
	s7 =	simm.s32 $_tile_overlayer_lowered  }
0x9c: {  	s22 =	simm.s32 $0x1BFF;
	s21 =	sshll.u32 s7, $0x1;
	s4 =	sadd.s32 s5, s19  }
0x9d: {  	s8 =	simm.s32 $0x0;
	s20 =	sshll.u32 s6, $0x1;
	s6 =	sadd.s32 s21, s4  }
0x9e: {  	[timem:s8], [sflag:s22] =	dma.local [hbm:s6], s20  }
0x9f: {  	_ =	swait.ge [sflag:s22], s20  }
0xa0: {  	s5 =	ssub.s32 $0x0, s20;
	[sflag:s22] =	ssyncset.done $0x0  }
0xa1: {  	[sflag:s22] =	ssyncadd.s32 s5;
	_ =	sdelay $0x1  }
0xa2: {  	s23 =	simm.s32 $0x1B8B  }
0xa3: {  	_ =	swait.ge [sflag:s23], $0x1  }
0xa4: {  	[sflag:s23] =	ssyncset.done $0x0  }
0xa5: {  	s25 =	simm.s32 $0x1B8E;
	s24 =	sld [smem:$0x3FFE];
	[sflag:s23] =	ssyncadd.s32 $0xFFFFFFFF  }
0xa6: {  	s26 =	simm.s32 $execute0_lowered;
	[smem:$0x3FD2] =	sst s25  }
0xa7: {  	s6 =	sshll.u32 s26, $0x1;
	_ =	strace $0x80000046;
	[dreg:$0x1] =	wrdreg $0xFFFFFFFF  }
0xa8: {  	s28 =	simm.s32 $_size_execute0_lowered;
	s4 =	sadd.s32 s4, s6;
	[dreg:$0x0] =	wrdreg $0x0  }
0xa9: {  	s6 =	sshll.u32 s28, $0x1;
	[dreg:$0x2] =	wrdreg s4  }
0xaa: {  	[dreg:$0x3] =	wrdreg s6  }
0xab: {  	[dreg:$0x4] =	wrdreg $0xC0  }
0xac: {  	_ =	task [dreg:s8], $0x5FFFF  }
0xad: {  	[dreg:$0x1] =	wrdreg $0xFFFFFFFF  }
0xae: {  	[dreg:$0x0] =	wrdreg $0x60  }
0xaf: {  	[dreg:$0x2] =	wrdreg s2  }
0xb0: {  	[dreg:$0x3] =	wrdreg s24  }
0xb1: {  	[dreg:$0x4] =	wrdreg s18  }
0xb2: {  	[dreg:$0x5] =	wrdreg $0x9  }
0xb3: {  	_ =	task.clear_ibuf [dreg:s8], $0x6FFFF;
	_ =	strace $0x90000046  }
0xb4: {  	s29 =	simm.s32 $0x9;
	_ =	strace $0x80000048  }
0xb5: {  	_ =	swait.ge [sflag:s29], $0x1  }
0xb6: {  	[sflag:s29] =	ssyncadd.s32 $0xFFFFFFFF  }
0xb7: {  	_ =	strace $0x90000048  }
0xb8: {  	_ =	sfence  }
0xb9: {  	s30 =	sld [smem:$0x0];
	_ =	sdelay $0x2  }
0xba: {  	s31 =	sshll.u32 s1, $0xD;
	s1 =	sshrl.u32 s1, $0x2  }
0xbb: {  	s3 =	sand.u32 $0x4000, s31;
	s1 =	sadd.s32 s1, s30  }
0xbc: {  	s0 =	sor.u32 s3, s0;
	s1 =	sshll.u32 s1, $0x11  }
0xbd: {  	s0 =	sor.u32 s1, s0  }
0xbe: {  	s0 =	sadd.s32 $0x8F2B, s0  }
0xbf: {  	[sflag:s0] =	ssyncadd.remote.s32 $0x1  }
0xc0: {  	_ =	sfence.sel $0xFFFF  }
0xc1: {  	[dreg:$0x0] =	wrdreg $0xFFFFFFFF;
	(pc) =	sbr.abs _section_cstart, $3  }
0xc2: {  	[dreg:$0x1] =	wrdreg $0xFFFFFFFF  }
0xc3: {  	_ =	task.clear_ibuf [dreg:s8], $0x2FFFF;
	_ =	strace $0x9FFFFFFF  }
0xc4: {  	(tm) =	ssettm $0x7FFFFFFF  }
0xc5: {  	_ =	shalt  }
tec
execute0_lowered:
.L_overlay_start_1:
0x0: {  	(tag) =	ssettag $0x1  }
0x1: {  	s1 =	rddreg [dreg:$0x0]  }
0x2: {  	s0 =	rddreg [dreg:$0x1]  }
0x3: {  	s2 =	srdreg.scid;
	s3 =	stileid.u32  }
0x4: {  	s4 =	rddreg [dreg:$0x2];
	s8 =	simm.s32 $0x9E00;
	s15 =	simm.s32 $0x1  }
0x5: {  	s16 =	simm.s32 $0x1C200;
	s18 =	simm.s32 $0x2;
	s19 =	simm.s32 $0x1B200  }
0x6: {  	s2 =	sand.u32 $0x1, s2;
	s5 =	sshll.u32 s3, $0x1;
	s3 =	simm.s32 $0x0  }
0x7: {  	v3 =	vlaneseq.u32;
	s5 =	sor.u32 s2, s5;
	[smem:$0x7FF] =	sst s3;
	s2 =	ssub.s32 $0x2, s2  }
.Ltmp0:
0x8: {  	v0 =	vmul.u32 $0x8, v3;
	s6 =	sshll.u32 s5, $0x7;
	_ =	strace $0x80000047;
	(pc) =	sbr.rel .LBB2_1-.Ltmp0, $4  }
0x9: {  	vm0 =	vmmov $0xffff;
	v2 =	vshrl.u32 v3, $0x3;
	v1 =	vand.u32 $0x7, v3;
	s7 =	sshrl.u32 s2, $0x1;
	s6 =	sadd.s32 s6, s0;
	s0 =	sadd.s32 $0x1E00, s0  }
0xa: {  	v3 =	vor.u32 $0x8, v3;
	v2 =	vmul.u32 $0x8, v2;
	v4 =	vor.u32 $0x1, v0;
	s29 =	ssub.s32 s2, s7;
	[dreg:$0x4] =	wrdreg s0;
	s31 =	sadd.s32 $0xE00, s6  }
0xb: {  	s30 =	sshll.u32 s5, $0xC;
	v5 =	vor.u32 $0x2, v0;
	v6 =	vor.u32 $0x3, v0;
	v7 =	vor.u32 $0x4, v0;
	s0 =	smax.u32 s29, $0x1;
	[dreg:$0x5] =	wrdreg s31  }
0xc: {  	v8 =	vor.u32 $0x5, v0;
	v9 =	vor.u32 $0x6, v0;
	v10 =	vor.u32 $0x7, v0;
	s6 =	sadd.s32 s4, s30;
	s4 =	simm.s32 $0x0;
	[dreg:$0x6] =	wrdreg s0  }
.LBB2_14:
0xd: {  	s0 =	simm.s32 $0x3  }
0xe: {  	_ =	swait.ge [sflag:s0], $0x1000  }
0xf: {  	[sflag:s0] =	ssyncset.done $0x0  }
0x10: {  	s2 =	simm.s32 $0x4;
	[sflag:s0] =	ssyncadd.s32 $0xFFFFF000  }
0x11: {  	_ =	swait.ge [sflag:s2], $0x1000  }
0x12: {  	s4 =	rddreg [dreg:$0x7]  }
0x13: {  	s31 =	rddreg [dreg:$0x6];
	s4 =	sadd.s32 $0x1, s4  }
0x14: {  	p0 =	sne.s32 s4, s31  }
.Ltmp1:
0x15: {  	_ = 	snop;
	(pc) =	sbr.rel @!p0 .LBB2_15-.Ltmp1, $3  }
0x16: {  	_ =	sdelay $0x1  }
0x17: {  	[sflag:s2] =	ssyncset.done $0x0  }
0x18: {  	[sflag:s2] =	ssyncadd.s32 $0xFFFFF000  }
.LBB2_1:
0x19: {  	[dreg:$0x7] =	wrdreg s4  }
0x1a: {  	s0 =	rddreg [dreg:$0x5];
	s2 =	simm.s32 $0x5  }
0x1b: {  	[tilespmem:s8], [sflag:$0x5] =	stream.linear.gather [hbm4b:s0+s3], $0x400, $0x38;
	[tilespmem:$0x1C280] =	vst v63  }
0x1c: {  	_ =	swait.ge [sflag:s2], $0x400  }
0x1d: {  	[sflag:s2] =	ssyncset.done $0x0  }
0x1e: {  	[sflag:s2] =	ssyncadd.s32 $0xFFFFFC00  }
0x1f: {  	v11 =	vld [tilespmem:$0x9E00];
	_ =	sdelay $0x4  }
0x20: {  	v12 =	vshll.u32 v11, $0x1  }
0x21: {  	v11 =	vand.u32 $0x7, v11;
	v12 =	vand.u32 $0xFFFFFFF0, v12  }
0x22: {  	v11 =	vor.u32 v11, v12  }
0x23: {  	v12 =	vperm.xlane v11, v1;
	_ =	sdelay $0x1  }
0x24: {  	v11 =	vperm.xlane v11, v3;
	v12 =	vadd.s32 v2, v12;
	_ =	sdelay $0x1  }
0x25: {  	v11 =	vadd.s32 v2, v11;
	_ =	sdelay $0x1  }
0x26: {  	s17 =	simm.s32 $0xA200  }
0x27: {  	[tilespmem:s17], [sflag:$0x1] =	stream.indirect_vreg.gather [hbm4b:s1+s3], $0x80, v12, vm0, $0xb8;
	[tilespmem:$0x1C280] =	vst v63  }
0x28: {  	s20 =	simm.s32 $0xAA00  }
0x29: {  	[tilespmem:s20], [sflag:$0x1] =	stream.indirect_vreg.gather [hbm4b:s1+s3], $0x80, v11, vm0, $0xb8;
	[tilespmem:$0x1C280] =	vst v63  }
0x2a: {  	v11 =	vld [tilespmem:$0x9E10];
	_ =	sdelay $0x4  }
0x2b: {  	v49 =	vshll.u32 v11, $0x1  }
0x2c: {  	v11 =	vand.u32 $0x7, v11;
	v12 =	vand.u32 $0xFFFFFFF0, v49  }
0x2d: {  	v11 =	vor.u32 v11, v12  }
0x2e: {  	v12 =	vperm.xlane v11, v1;
	_ =	sdelay $0x1  }
0x2f: {  	v11 =	vperm.xlane v11, v3;
	v12 =	vadd.s32 v2, v12;
	_ =	sdelay $0x1  }
0x30: {  	v11 =	vadd.s32 v2, v11;
	_ =	sdelay $0x1  }
0x31: {  	s21 =	simm.s32 $0xB200  }
0x32: {  	[tilespmem:s21], [sflag:$0x1] =	stream.indirect_vreg.gather [hbm4b:s1+s3], $0x80, v12, vm0, $0xb8;
	[tilespmem:$0x1C280] =	vst v63  }
0x33: {  	s22 =	simm.s32 $0xBA00  }
0x34: {  	[tilespmem:s22], [sflag:$0x1] =	stream.indirect_vreg.gather [hbm4b:s1+s3], $0x80, v11, vm0, $0xb8;
	[tilespmem:$0x1C280] =	vst v63  }
0x35: {  	v11 =	vld [tilespmem:$0x9E20];
	_ =	sdelay $0x4  }
0x36: {  	v50 =	vshll.u32 v11, $0x1  }
0x37: {  	v11 =	vand.u32 $0x7, v11;
	v12 =	vand.u32 $0xFFFFFFF0, v50  }
0x38: {  	v11 =	vor.u32 v11, v12  }
0x39: {  	v12 =	vperm.xlane v11, v1;
	_ =	sdelay $0x1  }
0x3a: {  	v11 =	vperm.xlane v11, v3;
	v12 =	vadd.s32 v2, v12;
	_ =	sdelay $0x1  }
0x3b: {  	v11 =	vadd.s32 v2, v11;
	_ =	sdelay $0x1  }
0x3c: {  	s23 =	simm.s32 $0xC200  }
0x3d: {  	[tilespmem:s23], [sflag:$0x1] =	stream.indirect_vreg.gather [hbm4b:s1+s3], $0x80, v12, vm0, $0xb8;
	[tilespmem:$0x1C280] =	vst v63  }
0x3e: {  	s24 =	simm.s32 $0xCA00  }
0x3f: {  	[tilespmem:s24], [sflag:$0x1] =	stream.indirect_vreg.gather [hbm4b:s1+s3], $0x80, v11, vm0, $0xb8;
	[tilespmem:$0x1C280] =	vst v63  }
0x40: {  	v11 =	vld [tilespmem:$0x9E30];
	_ =	sdelay $0x4  }
0x41: {  	v51 =	vshll.u32 v11, $0x1  }
0x42: {  	v11 =	vand.u32 $0x7, v11;
	v12 =	vand.u32 $0xFFFFFFF0, v51  }
0x43: {  	v11 =	vor.u32 v11, v12  }
0x44: {  	v12 =	vperm.xlane v11, v1;
	_ =	sdelay $0x1  }
0x45: {  	v11 =	vperm.xlane v11, v3;
	v12 =	vadd.s32 v2, v12;
	_ =	sdelay $0x1  }
0x46: {  	v11 =	vadd.s32 v2, v11;
	_ =	sdelay $0x1  }
0x47: {  	s25 =	simm.s32 $0xD200  }
0x48: {  	[tilespmem:s25], [sflag:$0x1] =	stream.indirect_vreg.gather [hbm4b:s1+s3], $0x80, v12, vm0, $0xb8;
	[tilespmem:$0x1C280] =	vst v63  }
0x49: {  	s26 =	simm.s32 $0xDA00  }
0x4a: {  	[tilespmem:s26], [sflag:$0x1] =	stream.indirect_vreg.gather [hbm4b:s1+s3], $0x80, v11, vm0, $0xb8;
	[tilespmem:$0x1C280] =	vst v63  }
0x4b: {  	v11 =	vld [tilespmem:$0x9E40];
	_ =	sdelay $0x4  }
0x4c: {  	v52 =	vshll.u32 v11, $0x1  }
0x4d: {  	v11 =	vand.u32 $0x7, v11;
	v12 =	vand.u32 $0xFFFFFFF0, v52  }
0x4e: {  	v11 =	vor.u32 v11, v12  }
0x4f: {  	v12 =	vperm.xlane v11, v1;
	_ =	sdelay $0x1  }
0x50: {  	v11 =	vperm.xlane v11, v3;
	v12 =	vadd.s32 v2, v12;
	_ =	sdelay $0x1  }
0x51: {  	v11 =	vadd.s32 v2, v11;
	_ =	sdelay $0x1  }
0x52: {  	s28 =	simm.s32 $0xE200  }
0x53: {  	[tilespmem:s28], [sflag:$0x1] =	stream.indirect_vreg.gather [hbm4b:s1+s3], $0x80, v12, vm0, $0xb8;
	[tilespmem:$0x1C280] =	vst v63  }
0x54: {  	s29 =	simm.s32 $0xEA00  }
0x55: {  	[tilespmem:s29], [sflag:$0x1] =	stream.indirect_vreg.gather [hbm4b:s1+s3], $0x80, v11, vm0, $0xb8;
	[tilespmem:$0x1C280] =	vst v63  }
0x56: {  	v11 =	vld [tilespmem:$0x9E50];
	_ =	sdelay $0x4  }
0x57: {  	v53 =	vshll.u32 v11, $0x1  }
0x58: {  	v11 =	vand.u32 $0x7, v11;
	v12 =	vand.u32 $0xFFFFFFF0, v53  }
0x59: {  	v11 =	vor.u32 v11, v12  }
0x5a: {  	v12 =	vperm.xlane v11, v1;
	_ =	sdelay $0x1  }
0x5b: {  	v11 =	vperm.xlane v11, v3;
	v12 =	vadd.s32 v2, v12;
	_ =	sdelay $0x1  }
0x5c: {  	v11 =	vadd.s32 v2, v11;
	_ =	sdelay $0x1  }
0x5d: {  	s30 =	simm.s32 $0xF200  }
0x5e: {  	[tilespmem:s30], [sflag:$0x1] =	stream.indirect_vreg.gather [hbm4b:s1+s3], $0x80, v12, vm0, $0xb8;
	[tilespmem:$0x1C280] =	vst v63  }
0x5f: {  	s31 =	simm.s32 $0xFA00  }
0x60: {  	[tilespmem:s31], [sflag:$0x1] =	stream.indirect_vreg.gather [hbm4b:s1+s3], $0x80, v11, vm0, $0xb8;
	[tilespmem:$0x1C280] =	vst v63  }
0x61: {  	v11 =	vld [tilespmem:$0x9E60];
	_ =	sdelay $0x4  }
0x62: {  	v54 =	vshll.u32 v11, $0x1  }
0x63: {  	v11 =	vand.u32 $0x7, v11;
	v12 =	vand.u32 $0xFFFFFFF0, v54  }
0x64: {  	v11 =	vor.u32 v11, v12  }
0x65: {  	v12 =	vperm.xlane v11, v1;
	_ =	sdelay $0x1  }
0x66: {  	v11 =	vperm.xlane v11, v3;
	v12 =	vadd.s32 v2, v12;
	_ =	sdelay $0x1  }
0x67: {  	v11 =	vadd.s32 v2, v11;
	_ =	sdelay $0x1  }
0x68: {  	s4 =	simm.s32 $0x10200  }
0x69: {  	[tilespmem:s4], [sflag:$0x1] =	stream.indirect_vreg.gather [hbm4b:s1+s3], $0x80, v12, vm0, $0xb8;
	[tilespmem:$0x1C280] =	vst v63  }
0x6a: {  	s5 =	simm.s32 $0x10A00  }
0x6b: {  	[tilespmem:s5], [sflag:$0x1] =	stream.indirect_vreg.gather [hbm4b:s1+s3], $0x80, v11, vm0, $0xb8;
	[tilespmem:$0x1C280] =	vst v63  }
0x6c: {  	v11 =	vld [tilespmem:$0x9E70];
	_ =	sdelay $0x4  }
0x6d: {  	v55 =	vshll.u32 v11, $0x1  }
0x6e: {  	v11 =	vand.u32 $0x7, v11;
	v12 =	vand.u32 $0xFFFFFFF0, v55  }
0x6f: {  	v11 =	vor.u32 v11, v12  }
0x70: {  	v12 =	vperm.xlane v11, v1;
	_ =	sdelay $0x1  }
0x71: {  	v11 =	vperm.xlane v11, v3;
	v12 =	vadd.s32 v2, v12;
	_ =	sdelay $0x1  }
0x72: {  	v11 =	vadd.s32 v2, v11;
	_ =	sdelay $0x1  }
0x73: {  	s7 =	simm.s32 $0x11200  }
0x74: {  	[tilespmem:s7], [sflag:$0x1] =	stream.indirect_vreg.gather [hbm4b:s1+s3], $0x80, v12, vm0, $0xb8;
	[tilespmem:$0x1C280] =	vst v63  }
0x75: {  	s9 =	simm.s32 $0x11A00  }
0x76: {  	[tilespmem:s9], [sflag:$0x1] =	stream.indirect_vreg.gather [hbm4b:s1+s3], $0x80, v11, vm0, $0xb8;
	[tilespmem:$0x1C280] =	vst v63  }
0x77: {  	v11 =	vld [tilespmem:$0x9E80];
	_ =	sdelay $0x4  }
0x78: {  	v56 =	vshll.u32 v11, $0x1  }
0x79: {  	v11 =	vand.u32 $0x7, v11;
	v12 =	vand.u32 $0xFFFFFFF0, v56  }
0x7a: {  	v11 =	vor.u32 v11, v12  }
0x7b: {  	v12 =	vperm.xlane v11, v1;
	_ =	sdelay $0x1  }
0x7c: {  	v11 =	vperm.xlane v11, v3;
	v12 =	vadd.s32 v2, v12;
	_ =	sdelay $0x1  }
0x7d: {  	v11 =	vadd.s32 v2, v11;
	_ =	sdelay $0x1  }
0x7e: {  	s10 =	simm.s32 $0x12200  }
0x7f: {  	[tilespmem:s10], [sflag:$0x2] =	stream.indirect_vreg.gather [hbm4b:s1+s3], $0x80, v12, vm0, $0xb8;
	[tilespmem:$0x1C280] =	vst v63  }
0x80: {  	s11 =	simm.s32 $0x12A00  }
0x81: {  	[tilespmem:s11], [sflag:$0x2] =	stream.indirect_vreg.gather [hbm4b:s1+s3], $0x80, v11, vm0, $0xb8;
	[tilespmem:$0x1C280] =	vst v63  }
0x82: {  	v11 =	vld [tilespmem:$0x9E90];
	_ =	sdelay $0x4  }
0x83: {  	v57 =	vshll.u32 v11, $0x1  }
0x84: {  	v11 =	vand.u32 $0x7, v11;
	v12 =	vand.u32 $0xFFFFFFF0, v57  }
0x85: {  	v11 =	vor.u32 v11, v12  }
0x86: {  	v12 =	vperm.xlane v11, v1;
	_ =	sdelay $0x1  }
0x87: {  	v11 =	vperm.xlane v11, v3;
	v12 =	vadd.s32 v2, v12;
	_ =	sdelay $0x1  }
0x88: {  	v11 =	vadd.s32 v2, v11;
	_ =	sdelay $0x1  }
0x89: {  	s12 =	simm.s32 $0x13200  }
0x8a: {  	[tilespmem:s12], [sflag:$0x2] =	stream.indirect_vreg.gather [hbm4b:s1+s3], $0x80, v12, vm0, $0xb8;
	[tilespmem:$0x1C280] =	vst v63  }
0x8b: {  	s13 =	simm.s32 $0x13A00  }
0x8c: {  	[tilespmem:s13], [sflag:$0x2] =	stream.indirect_vreg.gather [hbm4b:s1+s3], $0x80, v11, vm0, $0xb8;
	[tilespmem:$0x1C280] =	vst v63  }
0x8d: {  	v11 =	vld [tilespmem:$0x9EA0];
	_ =	sdelay $0x4  }
0x8e: {  	v58 =	vshll.u32 v11, $0x1  }
0x8f: {  	v11 =	vand.u32 $0x7, v11;
	v12 =	vand.u32 $0xFFFFFFF0, v58  }
0x90: {  	v11 =	vor.u32 v11, v12  }
0x91: {  	v12 =	vperm.xlane v11, v1;
	_ =	sdelay $0x1  }
0x92: {  	v11 =	vperm.xlane v11, v3;
	v12 =	vadd.s32 v2, v12;
	_ =	sdelay $0x1  }
0x93: {  	v11 =	vadd.s32 v2, v11;
	_ =	sdelay $0x1  }
0x94: {  	s14 =	simm.s32 $0x14200  }
0x95: {  	[tilespmem:s14], [sflag:$0x2] =	stream.indirect_vreg.gather [hbm4b:s1+s3], $0x80, v12, vm0, $0xb8;
	[tilespmem:$0x1C280] =	vst v63  }
0x96: {  	s17 =	simm.s32 $0x14A00  }
0x97: {  	[tilespmem:s17], [sflag:$0x2] =	stream.indirect_vreg.gather [hbm4b:s1+s3], $0x80, v11, vm0, $0xb8;
	[tilespmem:$0x1C280] =	vst v63  }
0x98: {  	v11 =	vld [tilespmem:$0x9EB0];
	_ =	sdelay $0x4  }
0x99: {  	v59 =	vshll.u32 v11, $0x1  }
0x9a: {  	v11 =	vand.u32 $0x7, v11;
	v12 =	vand.u32 $0xFFFFFFF0, v59  }
0x9b: {  	v11 =	vor.u32 v11, v12  }
0x9c: {  	v12 =	vperm.xlane v11, v1;
	_ =	sdelay $0x1  }
0x9d: {  	v11 =	vperm.xlane v11, v3;
	v12 =	vadd.s32 v2, v12;
	_ =	sdelay $0x1  }
0x9e: {  	v11 =	vadd.s32 v2, v11;
	_ =	sdelay $0x1  }
0x9f: {  	s20 =	simm.s32 $0x15200  }
0xa0: {  	[tilespmem:s20], [sflag:$0x2] =	stream.indirect_vreg.gather [hbm4b:s1+s3], $0x80, v12, vm0, $0xb8;
	[tilespmem:$0x1C280] =	vst v63  }
0xa1: {  	s21 =	simm.s32 $0x15A00  }
0xa2: {  	[tilespmem:s21], [sflag:$0x2] =	stream.indirect_vreg.gather [hbm4b:s1+s3], $0x80, v11, vm0, $0xb8;
	[tilespmem:$0x1C280] =	vst v63  }
0xa3: {  	v11 =	vld [tilespmem:$0x9EC0];
	_ =	sdelay $0x4  }
0xa4: {  	v60 =	vshll.u32 v11, $0x1  }
0xa5: {  	v11 =	vand.u32 $0x7, v11;
	v12 =	vand.u32 $0xFFFFFFF0, v60  }
0xa6: {  	v11 =	vor.u32 v11, v12  }
0xa7: {  	v12 =	vperm.xlane v11, v1;
	_ =	sdelay $0x1  }
0xa8: {  	v11 =	vperm.xlane v11, v3;
	v12 =	vadd.s32 v2, v12;
	_ =	sdelay $0x1  }
0xa9: {  	v11 =	vadd.s32 v2, v11;
	_ =	sdelay $0x1  }
0xaa: {  	s22 =	simm.s32 $0x16200  }
0xab: {  	[tilespmem:s22], [sflag:$0x2] =	stream.indirect_vreg.gather [hbm4b:s1+s3], $0x80, v12, vm0, $0xb8;
	[tilespmem:$0x1C280] =	vst v63  }
0xac: {  	s23 =	simm.s32 $0x16A00  }
0xad: {  	[tilespmem:s23], [sflag:$0x2] =	stream.indirect_vreg.gather [hbm4b:s1+s3], $0x80, v11, vm0, $0xb8;
	[tilespmem:$0x1C280] =	vst v63  }
0xae: {  	v11 =	vld [tilespmem:$0x9ED0];
	_ =	sdelay $0x4  }
0xaf: {  	v61 =	vshll.u32 v11, $0x1  }
0xb0: {  	v11 =	vand.u32 $0x7, v11;
	v12 =	vand.u32 $0xFFFFFFF0, v61  }
0xb1: {  	v11 =	vor.u32 v11, v12  }
0xb2: {  	v12 =	vperm.xlane v11, v1;
	_ =	sdelay $0x1  }
0xb3: {  	v11 =	vperm.xlane v11, v3;
	v12 =	vadd.s32 v2, v12;
	_ =	sdelay $0x1  }
0xb4: {  	v11 =	vadd.s32 v2, v11;
	_ =	sdelay $0x1  }
0xb5: {  	s24 =	simm.s32 $0x17200  }
0xb6: {  	[tilespmem:s24], [sflag:$0x2] =	stream.indirect_vreg.gather [hbm4b:s1+s3], $0x80, v12, vm0, $0xb8;
	[tilespmem:$0x1C280] =	vst v63  }
0xb7: {  	s25 =	simm.s32 $0x17A00  }
0xb8: {  	[tilespmem:s25], [sflag:$0x2] =	stream.indirect_vreg.gather [hbm4b:s1+s3], $0x80, v11, vm0, $0xb8;
	[tilespmem:$0x1C280] =	vst v63  }
0xb9: {  	v11 =	vld [tilespmem:$0x9EE0];
	_ =	sdelay $0x4  }
0xba: {  	v62 =	vshll.u32 v11, $0x1  }
0xbb: {  	v11 =	vand.u32 $0x7, v11;
	v12 =	vand.u32 $0xFFFFFFF0, v62  }
0xbc: {  	v11 =	vor.u32 v11, v12  }
0xbd: {  	v12 =	vperm.xlane v11, v1;
	_ =	sdelay $0x1  }
0xbe: {  	v11 =	vperm.xlane v11, v3;
	v12 =	vadd.s32 v2, v12;
	_ =	sdelay $0x1  }
0xbf: {  	v11 =	vadd.s32 v2, v11;
	_ =	sdelay $0x1  }
0xc0: {  	s26 =	simm.s32 $0x18200  }
0xc1: {  	[tilespmem:s26], [sflag:$0x2] =	stream.indirect_vreg.gather [hbm4b:s1+s3], $0x80, v12, vm0, $0xb8;
	[tilespmem:$0x1C280] =	vst v63  }
0xc2: {  	s28 =	simm.s32 $0x18A00  }
0xc3: {  	[tilespmem:s28], [sflag:$0x2] =	stream.indirect_vreg.gather [hbm4b:s1+s3], $0x80, v11, vm0, $0xb8;
	[tilespmem:$0x1C280] =	vst v63  }
0xc4: {  	v11 =	vld [tilespmem:$0x9EF0];
	_ =	sdelay $0x4  }
0xc5: {  	v63 =	vshll.u32 v11, $0x1  }
0xc6: {  	v11 =	vand.u32 $0x7, v11;
	v12 =	vand.u32 $0xFFFFFFF0, v63  }
0xc7: {  	v11 =	vor.u32 v11, v12  }
0xc8: {  	v12 =	vperm.xlane v11, v1;
	_ =	sdelay $0x1  }
0xc9: {  	v11 =	vperm.xlane v11, v3;
	v12 =	vadd.s32 v2, v12;
	_ =	sdelay $0x1  }
0xca: {  	v11 =	vadd.s32 v2, v11;
	_ =	sdelay $0x1  }
0xcb: {  	s29 =	simm.s32 $0x19200  }
0xcc: {  	[tilespmem:s29], [sflag:$0x2] =	stream.indirect_vreg.gather [hbm4b:s1+s3], $0x80, v12, vm0, $0xb8;
	[tilespmem:$0x1C280] =	vst v63  }
0xcd: {  	s30 =	simm.s32 $0x19A00  }
0xce: {  	[tilespmem:s30], [sflag:$0x2] =	stream.indirect_vreg.gather [hbm4b:s1+s3], $0x80, v11, vm0, $0xb8;
	[tilespmem:$0x1C280] =	vst v63  }
0xcf: {  	s31 =	rddreg [dreg:$0x4]  }
0xd0: {  	[tilespmem:s3], [sflag:$0x5] =	stream.linear.gather [hbm4b:s31+s3], $0x9E00, $0x38;
	[tilespmem:$0x1C280] =	vst v63  }
0xd1: {  	_ =	swait.ge [sflag:s2], $0x9E00  }
0xd2: {  	[sflag:s2] =	ssyncset.done $0x0  }
0xd3: {  	s20 =	simm.s32 $0x0;
	[sflag:s2] =	ssyncadd.s32 $0xFFFF6200  }
.LBB2_2:
0xd4: {  	s0 =	sshll.u32 s20, $0x8  }
0xd5: {  	v11 =	vmov s0  }
0xd6: {  	v11 =	vshrl.u32 v11, $0x7  }
0xd7: {  	v11 =	vshll.u32 v11, $0x7  }
0xd8: {  	v11 =	vbroadcast v11, $0x0;
	_ =	sdelay $0x1  }
0xd9: {  	v12 =	vor.u32 v0, v11  }
0xda: {  	v13 =	vor.u32 v4, v11  }
0xdb: {  	v14 =	vor.u32 v5, v11  }
0xdc: {  	v15 =	vor.u32 v6, v11  }
0xdd: {  	v16 =	vor.u32 v7, v11  }
0xde: {  	v17 =	vor.u32 v8, v11;
	v12 =	vld.idx.msk [tilespmem:v12+s8+$0x0], $0xffff  }
0xdf: {  	v18 =	vor.u32 v9, v11;
	v13 =	vld.idx.msk [tilespmem:v13+s8+$0x0], $0xffff  }
0xe0: {  	v11 =	vor.u32 v10, v11;
	v14 =	vld.idx.msk [tilespmem:v14+s8+$0x0], $0xffff  }
0xe1: {  	v15 =	vld.idx.msk [tilespmem:v15+s8+$0x0], $0xffff  }
0xe2: {  	v16 =	vld.idx.msk [tilespmem:v16+s8+$0x0], $0xffff  }
0xe3: {  	v17 =	vld.idx.msk [tilespmem:v17+s8+$0x0], $0xffff  }
0xe4: {  	v18 =	vld.idx.msk [tilespmem:v18+s8+$0x0], $0xffff  }
0xe5: {  	v11 =	vld.idx.msk [tilespmem:v11+s8+$0x0], $0xffff  }
0xe6: {  	v19 =	vshll.u32 v12, $0x2;
	v12 =	vand.u32 $0x7F, v12;
	v20 =	vand.u32 $0x7F, v13  }
0xe7: {  	v13 =	vshll.u32 v13, $0x2;
	v21 =	vshll.u32 v14, $0x2;
	v14 =	vand.u32 $0x7F, v14  }
0xe8: {  	v57 =	vand.u32 $0x7F, v15;
	v58 =	vshll.u32 v15, $0x2;
	v59 =	vshll.u32 v16, $0x2  }
0xe9: {  	v60 =	vand.u32 $0x7F, v16;
	v61 =	vshll.u32 v17, $0x2;
	v62 =	vand.u32 $0x7F, v17  }
0xea: {  	v27 =	vshll.u32 v18, $0x2;
	v34 =	vand.u32 $0x7F, v18;
	v36 =	vshll.u32 v11, $0x2  }
0xeb: {  	v11 =	vand.u32 $0x7F, v11;
	v19 =	vand.u32 $0xFFFFFE00, v19;
	v13 =	vand.u32 $0xFFFFFE00, v13  }
0xec: {  	v21 =	vand.u32 $0xFFFFFE00, v21;
	v29 =	vor.u32 v12, v19;
	v24 =	vor.u32 v20, v13  }
0xed: {  	v30 =	vor.u32 v14, v21;
	v13 =	vand.u32 $0xFFFFFE00, v58;
	v63 =	vor.u32 $0x80, v24  }
0xee: {  	v14 =	vand.u32 $0xFFFFFE00, v59;
	v32 =	vor.u32 v57, v13;
	v28 =	vor.u32 $0x80, v30  }
0xef: {  	v12 =	vand.u32 $0xFFFFFE00, v61;
	v33 =	vor.u32 v60, v14;
	v35 =	vor.u32 $0x80, v32  }
0xf0: {  	v31 =	vor.u32 v62, v12;
	v12 =	vand.u32 $0xFFFFFE00, v27;
	v37 =	vor.u32 $0x80, v33  }
0xf1: {  	v25 =	vor.u32 v34, v12;
	v12 =	vand.u32 $0xFFFFFE00, v36;
	v39 =	vor.u32 $0x80, v31;
	v38 =	vld.idx.msk [tilespmem:v29+s3+$0x0], $0xffff  }
0xf2: {  	v21 =	vor.u32 v11, v12;
	v11 =	vor.u32 $0x80, v25;
	v12 =	vld.idx.msk [tilespmem:v63+s3+$0x0], $0xffff  }
0xf3: {  	v40 =	vor.u32 $0x80, v21;
	v14 =	vld.idx.msk [tilespmem:v28+s3+$0x0], $0xffff  }
0xf4: {  	v17 =	vld.idx.msk [tilespmem:v35+s3+$0x0], $0xffff  }
0xf5: {  	v15 =	vld.idx.msk [tilespmem:v37+s3+$0x0], $0xffff  }
0xf6: {  	v13 =	vld.idx.msk [tilespmem:v39+s3+$0x0], $0xffff  }
0xf7: {  	v11 =	vld.idx.msk [tilespmem:v11+s3+$0x0], $0xffff  }
0xf8: {  	v26 =	vld.idx.msk [tilespmem:v40+s3+$0x0], $0xffff;
	v41 =	vmul.f32 v12, v38;
	v42 =	vmul.f32 v14, v38  }
0xf9: {  	v43 =	vmul.f32 v17, v38  }
0xfa: {  	v22 =	vmul.f32 v15, v38;
	v23 =	vmax.f32 v41, v42  }
0xfb: {  	v27 =	vmul.f32 v13, v38;
	v23 =	vmax.f32 v23, v43  }
0xfc: {  	v28 =	vmul.f32 v11, v38;
	v23 =	vmax.f32 v23, v22  }
0xfd: {  	v18 =	vmul.f32 v26, v38;
	v23 =	vmax.f32 v23, v27  }
0xfe: {  	v23 =	vmax.f32 v23, v28  }
0xff: {  	v23 =	vmax.f32 v23, v18  }
0x100: {  	v16 =	vsub.f32 v41, v23  }
0x101: {  	v19 =	vsub.f32 v42, v23  }
0x102: {  	v16 =	vmul.f32 $1.442695020e+00, v16  }
0x103: {  	v20 =	vsub.f32 v43, v23;
	v19 =	vmul.f32 $1.442695020e+00, v19  }
0x104: {  	(erf) = vpow2.f32 v16  }
0x105: {  	v45 =	vsub.f32 v22, v23;
	v44 =	vmul.f32 $1.442695020e+00, v20;
	(erf) = vpow2.f32 v19;
	_ =	sdelay $0x1  }
0x106: {  	v47 =	vsub.f32 v27, v23;
	v46 =	vmul.f32 $1.442695020e+00, v45;
	(erf) = vpow2.f32 v44;
	_ =	sdelay $0x1  }
0x107: {  	v49 =	vsub.f32 v28, v23;
	v48 =	vmul.f32 $1.442695020e+00, v47;
	(erf) = vpow2.f32 v46;
	_ =	sdelay $0x1  }
0x108: {  	v18 =	vsub.f32 v18, v23;
	v50 =	vmul.f32 $1.442695020e+00, v49;
	(erf) = vpow2.f32 v48  }
0x109: {  	v51 =	vor.u32 $0x100, v24  }
0x10a: {  	v52 =	vor.u32 $0x100, v30;
	v54 =	vmul.f32 $1.442695020e+00, v18;
	v53 =	vpop (erf);
	(erf) = vpow2.f32 v50  }
0x10b: {  	v55 =	vpop (erf)  }
0x10c: {  	v56 =	vor.u32 $0x100, v32;
	(erf) = vpow2.f32 v54;
	v57 =	vadd.f32 v55, v53  }
0x10d: {  	v34 =	vpop (erf)  }
0x10e: {  	v35 =	vor.u32 $0x100, v33;
	v18 =	vld.idx.msk [tilespmem:v51+s3+$0x0], $0xffff;
	v58 =	vadd.f32 v57, v34  }
0x10f: {  	v16 =	vld.idx.msk [tilespmem:v52+s3+$0x0], $0xffff;
	v59 =	vpop (erf)  }
0x110: {  	v36 =	vor.u32 $0x100, v31;
	v60 =	vadd.f32 v58, v59  }
0x111: {  	v19 =	vld.idx.msk [tilespmem:v56+s3+$0x0], $0xffff;
	v37 =	vpop (erf)  }
0x112: {  	v61 =	vor.u32 $0x100, v25;
	v38 =	vadd.f32 v60, v37  }
0x113: {  	v62 =	vor.u32 $0x100, v21;
	v20 =	vld.idx.msk [tilespmem:v35+s3+$0x0], $0xffff;
	v39 =	vpop (erf)  }
0x114: {  	v40 =	vmul.f32 v53, v18;
	v23 =	vmul.f32 v55, v16;
	v38 =	vadd.f32 v38, v39  }
0x115: {  	v22 =	vld.idx.msk [tilespmem:v36+s3+$0x0], $0xffff;
	v63 =	vpop (erf)  }
0x116: {  	v40 =	vadd.f32 v23, v40;
	v34 =	vmul.f32 v34, v19;
	v38 =	vadd.f32 v38, v63  }
0x117: {  	v23 =	vld.idx.msk [tilespmem:v61+s3+$0x0], $0xffff  }
0x118: {  	v28 =	vmul.f32 v20, v59;
	v34 =	vadd.f32 v40, v34;
	(erf) = vrcp.f32 v38  }
0x119: {  	v27 =	vld.idx.msk [tilespmem:v62+s3+$0x0], $0xffff  }
0x11a: {  	v43 =	vmul.f32 v22, v37;
	v28 =	vadd.f32 v34, v28;
	_ =	sdelay $0x1  }
0x11b: {  	v28 =	vadd.f32 v28, v43;
	v44 =	vmul.f32 v23, v39;
	_ =	sdelay $0x1  }
0x11c: {  	v45 =	vmul.f32 v27, v63;
	v28 =	vadd.f32 v28, v44  }
0x11d: {  	v46 =	vor.u32 $0x80, v29  }
0x11e: {  	v28 =	vadd.f32 v28, v45  }
0x11f: {  	v47 =	vpop (erf)  }
0x120: {  	v34 =	vmul.f32 v47, v28  }
0x121: {  	v24 =	vld.idx.msk [tilespmem:v24+s3+$0x0], $0xffff  }
0x122: {  	v28 =	vld.idx.msk [tilespmem:v46+s3+$0x0], $0xffff;
	v34 =	vadd.f32 v34, v34;
	_ =	sdelay $0x1  }
0x123: {  	v34 =	vmul.f32 $1.442695020e+00, v34;
	_ =	sdelay $0x1  }
0x124: {  	(erf) = vpow2.f32 v34  }
0x125: {  	v49 =	vmul.f32 v14, v24;
	v48 =	vmul.f32 v28, v24  }
0x126: {  	v50 =	vmul.f32 v17, v24  }
0x127: {  	v51 =	vmul.f32 v15, v24;
	v52 =	vmax.f32 v48, v49  }
0x128: {  	v53 =	vmul.f32 v13, v24;
	v38 =	vmax.f32 v52, v50  }
0x129: {  	v54 =	vmul.f32 v11, v24;
	v38 =	vmax.f32 v38, v51  }
0x12a: {  	v24 =	vmul.f32 v26, v24;
	v38 =	vmax.f32 v38, v53  }
0x12b: {  	v38 =	vmax.f32 v38, v54  }
0x12c: {  	v38 =	vmax.f32 v38, v24  }
0x12d: {  	v34 =	vsub.f32 v48, v38;
	v41 =	vpop (erf)  }
0x12e: {  	v35 =	vsub.f32 v49, v38;
	v41 =	vadd.f32 $1.000000000e+00, v41  }
0x12f: {  	v34 =	vmul.f32 $1.442695020e+00, v34  }
0x130: {  	v36 =	vsub.f32 v50, v38;
	v35 =	vmul.f32 $1.442695020e+00, v35;
	(erf) = vrcp.f32 v41  }
0x131: {  	(erf) = vpow2.f32 v34  }
0x132: {  	v56 =	vsub.f32 v51, v38;
	v55 =	vmul.f32 $1.442695020e+00, v36;
	(erf) = vpow2.f32 v35;
	_ =	sdelay $0x1  }
0x133: {  	v58 =	vsub.f32 v53, v38;
	v57 =	vmul.f32 $1.442695020e+00, v56;
	(erf) = vpow2.f32 v55;
	_ =	sdelay $0x1  }
0x134: {  	v60 =	vsub.f32 v54, v38;
	v59 =	vmul.f32 $1.442695020e+00, v58;
	(erf) = vpow2.f32 v57;
	_ =	sdelay $0x1  }
0x135: {  	v62 =	vsub.f32 v24, v38;
	v61 =	vmul.f32 $1.442695020e+00, v60;
	(erf) = vpow2.f32 v59  }
0x136: {  	v24 =	vpop (erf)  }
0x137: {  	v29 =	vor.u32 $0x100, v29;
	v44 =	vmul.f32 $1.442695020e+00, v62;
	v63 =	vpop (erf);
	(erf) = vpow2.f32 v61  }
0x138: {  	v45 =	vpop (erf)  }
0x139: {  	(erf) = vpow2.f32 v44;
	v46 =	vadd.f32 v45, v63  }
0x13a: {  	v47 =	vpop (erf)  }
0x13b: {  	v37 =	vadd.f32 v46, v47  }
0x13c: {  	v29 =	vld.idx.msk [tilespmem:v29+s3+$0x0], $0xffff;
	v48 =	vpop (erf)  }
0x13d: {  	v37 =	vadd.f32 v37, v48  }
0x13e: {  	v49 =	vpop (erf)  }
0x13f: {  	v37 =	vadd.f32 v37, v49  }
0x140: {  	v50 =	vpop (erf)  }
0x141: {  	v36 =	vmul.f32 v63, v29;
	v35 =	vmul.f32 v45, v16;
	v37 =	vadd.f32 v37, v50  }
0x142: {  	v51 =	vpop (erf)  }
0x143: {  	v34 =	vmul.f32 v47, v19;
	v35 =	vadd.f32 v35, v36;
	v52 =	vadd.f32 v37, v51;
	_ =	sdelay $0x1  }
0x144: {  	v53 =	vmul.f32 v20, v48;
	v34 =	vadd.f32 v35, v34;
	(erf) = vrcp.f32 v52;
	_ =	sdelay $0x1  }
0x145: {  	v54 =	vmul.f32 v22, v49;
	v34 =	vadd.f32 v34, v53;
	_ =	sdelay $0x1  }
0x146: {  	v34 =	vadd.f32 v34, v54;
	v55 =	vmul.f32 v23, v50;
	_ =	sdelay $0x1  }
0x147: {  	v56 =	vmul.f32 v27, v51;
	v34 =	vadd.f32 v34, v55;
	_ =	sdelay $0x1  }
0x148: {  	v34 =	vadd.f32 v34, v56  }
0x149: {  	v57 =	vpop (erf)  }
0x14a: {  	v34 =	vmul.f32 v57, v34;
	_ =	sdelay $0x1  }
0x14b: {  	v30 =	vld.idx.msk [tilespmem:v30+s3+$0x0], $0xffff;
	v34 =	vadd.f32 v34, v34;
	_ =	sdelay $0x1  }
0x14c: {  	v34 =	vmul.f32 $1.442695020e+00, v34;
	_ =	sdelay $0x1  }
0x14d: {  	(erf) = vpow2.f32 v34  }
0x14e: {  	v58 =	vmul.f32 v28, v30;
	v59 =	vmul.f32 v12, v30  }
0x14f: {  	v60 =	vmul.f32 v17, v30  }
0x150: {  	v62 =	vmax.f32 v58, v59;
	v61 =	vmul.f32 v15, v30  }
0x151: {  	v38 =	vmax.f32 v62, v60;
	v63 =	vmul.f32 v13, v30  }
0x152: {  	v44 =	vmul.f32 v11, v30;
	v38 =	vmax.f32 v38, v61  }
0x153: {  	v30 =	vmul.f32 v26, v30;
	v38 =	vmax.f32 v38, v63  }
0x154: {  	v38 =	vmax.f32 v38, v44  }
0x155: {  	v38 =	vmax.f32 v38, v30  }
0x156: {  	v34 =	vsub.f32 v58, v38;
	v45 =	vpop (erf)  }
0x157: {  	v35 =	vsub.f32 v59, v38;
	v41 =	vadd.f32 $1.000000000e+00, v45  }
0x158: {  	v34 =	vmul.f32 $1.442695020e+00, v34  }
0x159: {  	v36 =	vsub.f32 v60, v38;
	v35 =	vmul.f32 $1.442695020e+00, v35;
	(erf) = vrcp.f32 v41  }
0x15a: {  	(erf) = vpow2.f32 v34  }
0x15b: {  	v47 =	vsub.f32 v61, v38;
	v46 =	vmul.f32 $1.442695020e+00, v36;
	(erf) = vpow2.f32 v35;
	_ =	sdelay $0x1  }
0x15c: {  	v49 =	vsub.f32 v63, v38;
	v48 =	vmul.f32 $1.442695020e+00, v47;
	(erf) = vpow2.f32 v46;
	_ =	sdelay $0x1  }
0x15d: {  	v50 =	vmul.f32 $1.442695020e+00, v49;
	v51 =	vsub.f32 v44, v38;
	(erf) = vpow2.f32 v48;
	_ =	sdelay $0x1  }
0x15e: {  	v53 =	vsub.f32 v30, v38;
	v52 =	vmul.f32 $1.442695020e+00, v51;
	(erf) = vpow2.f32 v50  }
0x15f: {  	v30 =	vpop (erf)  }
0x160: {  	v55 =	vmul.f32 $1.442695020e+00, v53;
	v54 =	vpop (erf);
	(erf) = vpow2.f32 v52  }
0x161: {  	v56 =	vpop (erf)  }
0x162: {  	(erf) = vpow2.f32 v55;
	v57 =	vadd.f32 v56, v54  }
0x163: {  	v58 =	vpop (erf)  }
0x164: {  	v37 =	vadd.f32 v57, v58  }
0x165: {  	v59 =	vpop (erf)  }
0x166: {  	v37 =	vadd.f32 v37, v59  }
0x167: {  	v60 =	vpop (erf)  }
0x168: {  	v37 =	vadd.f32 v37, v60  }
0x169: {  	v61 =	vpop (erf)  }
0x16a: {  	v36 =	vmul.f32 v54, v29;
	v35 =	vmul.f32 v56, v18;
	v37 =	vadd.f32 v37, v61  }
0x16b: {  	v62 =	vpop (erf)  }
0x16c: {  	v34 =	vmul.f32 v58, v19;
	v35 =	vadd.f32 v35, v36;
	v63 =	vadd.f32 v37, v62;
	_ =	sdelay $0x1  }
0x16d: {  	v42 =	vmul.f32 v20, v59;
	v34 =	vadd.f32 v35, v34;
	(erf) = vrcp.f32 v63;
	_ =	sdelay $0x1  }
0x16e: {  	v43 =	vmul.f32 v22, v60;
	v34 =	vadd.f32 v34, v42;
	_ =	sdelay $0x1  }
0x16f: {  	v34 =	vadd.f32 v34, v43;
	v44 =	vmul.f32 v23, v61;
	_ =	sdelay $0x1  }
0x170: {  	v45 =	vmul.f32 v27, v62;
	v34 =	vadd.f32 v34, v44;
	_ =	sdelay $0x1  }
0x171: {  	v34 =	vadd.f32 v34, v45  }
0x172: {  	v46 =	vpop (erf)  }
0x173: {  	v34 =	vmul.f32 v46, v34;
	_ =	sdelay $0x1  }
0x174: {  	v32 =	vld.idx.msk [tilespmem:v32+s3+$0x0], $0xffff;
	v34 =	vadd.f32 v34, v34;
	_ =	sdelay $0x1  }
0x175: {  	v34 =	vmul.f32 $1.442695020e+00, v34;
	_ =	sdelay $0x1  }
0x176: {  	(erf) = vpow2.f32 v34  }
0x177: {  	v47 =	vmul.f32 v28, v32;
	v48 =	vmul.f32 v12, v32  }
0x178: {  	v49 =	vmul.f32 v14, v32  }
0x179: {  	v50 =	vmul.f32 v15, v32;
	v51 =	vmax.f32 v47, v48  }
0x17a: {  	v38 =	vmax.f32 v51, v49;
	v52 =	vmul.f32 v13, v32  }
0x17b: {  	v53 =	vmul.f32 v11, v32;
	v38 =	vmax.f32 v38, v50  }
0x17c: {  	v32 =	vmul.f32 v26, v32;
	v38 =	vmax.f32 v38, v52  }
0x17d: {  	v38 =	vmax.f32 v38, v53  }
0x17e: {  	v38 =	vmax.f32 v38, v32  }
0x17f: {  	v34 =	vsub.f32 v47, v38;
	v54 =	vpop (erf)  }
0x180: {  	v35 =	vsub.f32 v48, v38;
	v41 =	vadd.f32 $1.000000000e+00, v54  }
0x181: {  	v34 =	vmul.f32 $1.442695020e+00, v34  }
0x182: {  	v36 =	vsub.f32 v49, v38;
	v35 =	vmul.f32 $1.442695020e+00, v35;
	(erf) = vrcp.f32 v41  }
0x183: {  	(erf) = vpow2.f32 v34  }
0x184: {  	v56 =	vsub.f32 v50, v38;
	v55 =	vmul.f32 $1.442695020e+00, v36;
	(erf) = vpow2.f32 v35;
	_ =	sdelay $0x1  }
0x185: {  	v58 =	vsub.f32 v52, v38;
	v57 =	vmul.f32 $1.442695020e+00, v56;
	(erf) = vpow2.f32 v55;
	_ =	sdelay $0x1  }
0x186: {  	v59 =	vmul.f32 $1.442695020e+00, v58;
	v60 =	vsub.f32 v53, v38;
	(erf) = vpow2.f32 v57;
	_ =	sdelay $0x1  }
0x187: {  	v61 =	vmul.f32 $1.442695020e+00, v60;
	v62 =	vsub.f32 v32, v38;
	(erf) = vpow2.f32 v59  }
0x188: {  	v32 =	vpop (erf)  }
0x189: {  	v44 =	vmul.f32 $1.442695020e+00, v62;
	v63 =	vpop (erf);
	(erf) = vpow2.f32 v61  }
0x18a: {  	v45 =	vpop (erf)  }
0x18b: {  	(erf) = vpow2.f32 v44;
	v46 =	vadd.f32 v45, v63  }
0x18c: {  	v47 =	vpop (erf)  }
0x18d: {  	v37 =	vadd.f32 v46, v47  }
0x18e: {  	v48 =	vpop (erf)  }
0x18f: {  	v37 =	vadd.f32 v37, v48  }
0x190: {  	v49 =	vpop (erf)  }
0x191: {  	v37 =	vadd.f32 v37, v49  }
0x192: {  	v50 =	vpop (erf)  }
0x193: {  	v36 =	vmul.f32 v63, v29;
	v35 =	vmul.f32 v45, v18;
	v37 =	vadd.f32 v37, v50  }
0x194: {  	v51 =	vpop (erf)  }
0x195: {  	v34 =	vmul.f32 v47, v16;
	v35 =	vadd.f32 v35, v36;
	v52 =	vadd.f32 v37, v51;
	_ =	sdelay $0x1  }
0x196: {  	v53 =	vmul.f32 v20, v48;
	v34 =	vadd.f32 v35, v34;
	(erf) = vrcp.f32 v52;
	_ =	sdelay $0x1  }
0x197: {  	v54 =	vmul.f32 v22, v49;
	v34 =	vadd.f32 v34, v53;
	_ =	sdelay $0x1  }
0x198: {  	v34 =	vadd.f32 v34, v54;
	v55 =	vmul.f32 v23, v50;
	_ =	sdelay $0x1  }
0x199: {  	v56 =	vmul.f32 v27, v51;
	v34 =	vadd.f32 v34, v55;
	_ =	sdelay $0x1  }
0x19a: {  	v34 =	vadd.f32 v34, v56  }
0x19b: {  	v57 =	vpop (erf)  }
0x19c: {  	v34 =	vmul.f32 v57, v34;
	_ =	sdelay $0x1  }
0x19d: {  	v33 =	vld.idx.msk [tilespmem:v33+s3+$0x0], $0xffff;
	v34 =	vadd.f32 v34, v34;
	_ =	sdelay $0x1  }
0x19e: {  	v34 =	vmul.f32 $1.442695020e+00, v34;
	_ =	sdelay $0x1  }
0x19f: {  	(erf) = vpow2.f32 v34  }
0x1a0: {  	v58 =	vmul.f32 v28, v33;
	v59 =	vmul.f32 v12, v33  }
0x1a1: {  	v60 =	vmul.f32 v14, v33  }
0x1a2: {  	v62 =	vmax.f32 v58, v59;
	v61 =	vmul.f32 v17, v33  }
0x1a3: {  	v38 =	vmax.f32 v62, v60;
	v63 =	vmul.f32 v13, v33  }
0x1a4: {  	v44 =	vmul.f32 v11, v33;
	v38 =	vmax.f32 v38, v61  }
0x1a5: {  	v33 =	vmul.f32 v26, v33;
	v38 =	vmax.f32 v38, v63  }
0x1a6: {  	v38 =	vmax.f32 v38, v44  }
0x1a7: {  	v38 =	vmax.f32 v38, v33  }
0x1a8: {  	v34 =	vsub.f32 v58, v38;
	v45 =	vpop (erf)  }
0x1a9: {  	v35 =	vsub.f32 v59, v38;
	v41 =	vadd.f32 $1.000000000e+00, v45  }
0x1aa: {  	v34 =	vmul.f32 $1.442695020e+00, v34  }
0x1ab: {  	v36 =	vsub.f32 v60, v38;
	v35 =	vmul.f32 $1.442695020e+00, v35;
	(erf) = vrcp.f32 v41  }
0x1ac: {  	(erf) = vpow2.f32 v34  }
0x1ad: {  	v47 =	vsub.f32 v61, v38;
	v46 =	vmul.f32 $1.442695020e+00, v36;
	(erf) = vpow2.f32 v35;
	_ =	sdelay $0x1  }
0x1ae: {  	v49 =	vsub.f32 v63, v38;
	v48 =	vmul.f32 $1.442695020e+00, v47;
	(erf) = vpow2.f32 v46;
	_ =	sdelay $0x1  }
0x1af: {  	v50 =	vmul.f32 $1.442695020e+00, v49;
	v51 =	vsub.f32 v44, v38;
	(erf) = vpow2.f32 v48;
	_ =	sdelay $0x1  }
0x1b0: {  	v53 =	vsub.f32 v33, v38;
	v52 =	vmul.f32 $1.442695020e+00, v51;
	(erf) = vpow2.f32 v50  }
0x1b1: {  	v33 =	vpop (erf)  }
0x1b2: {  	v55 =	vmul.f32 $1.442695020e+00, v53;
	v54 =	vpop (erf);
	(erf) = vpow2.f32 v52  }
0x1b3: {  	v56 =	vpop (erf)  }
0x1b4: {  	(erf) = vpow2.f32 v55;
	v57 =	vadd.f32 v56, v54  }
0x1b5: {  	v58 =	vpop (erf)  }
0x1b6: {  	v37 =	vadd.f32 v57, v58  }
0x1b7: {  	v59 =	vpop (erf)  }
0x1b8: {  	v37 =	vadd.f32 v37, v59  }
0x1b9: {  	v60 =	vpop (erf)  }
0x1ba: {  	v37 =	vadd.f32 v37, v60  }
0x1bb: {  	v61 =	vpop (erf)  }
0x1bc: {  	v36 =	vmul.f32 v54, v29;
	v35 =	vmul.f32 v56, v18;
	v37 =	vadd.f32 v37, v61  }
0x1bd: {  	v62 =	vpop (erf)  }
0x1be: {  	v34 =	vmul.f32 v58, v16;
	v35 =	vadd.f32 v35, v36;
	v63 =	vadd.f32 v37, v62;
	_ =	sdelay $0x1  }
0x1bf: {  	v42 =	vmul.f32 v59, v19;
	v34 =	vadd.f32 v35, v34;
	(erf) = vrcp.f32 v63;
	_ =	sdelay $0x1  }
0x1c0: {  	v43 =	vmul.f32 v22, v60;
	v34 =	vadd.f32 v34, v42;
	_ =	sdelay $0x1  }
0x1c1: {  	v34 =	vadd.f32 v34, v43;
	v44 =	vmul.f32 v23, v61;
	_ =	sdelay $0x1  }
0x1c2: {  	v45 =	vmul.f32 v27, v62;
	v34 =	vadd.f32 v34, v44;
	_ =	sdelay $0x1  }
0x1c3: {  	v34 =	vadd.f32 v34, v45  }
0x1c4: {  	v46 =	vpop (erf)  }
0x1c5: {  	v34 =	vmul.f32 v46, v34;
	_ =	sdelay $0x1  }
0x1c6: {  	v31 =	vld.idx.msk [tilespmem:v31+s3+$0x0], $0xffff;
	v34 =	vadd.f32 v34, v34;
	_ =	sdelay $0x1  }
0x1c7: {  	v34 =	vmul.f32 $1.442695020e+00, v34;
	_ =	sdelay $0x1  }
0x1c8: {  	(erf) = vpow2.f32 v34  }
0x1c9: {  	v47 =	vmul.f32 v28, v31;
	v48 =	vmul.f32 v12, v31  }
0x1ca: {  	v49 =	vmul.f32 v14, v31  }
0x1cb: {  	v50 =	vmul.f32 v17, v31;
	v51 =	vmax.f32 v47, v48  }
0x1cc: {  	v38 =	vmax.f32 v51, v49;
	v52 =	vmul.f32 v15, v31  }
0x1cd: {  	v53 =	vmul.f32 v11, v31;
	v38 =	vmax.f32 v38, v50  }
0x1ce: {  	v31 =	vmul.f32 v26, v31;
	v38 =	vmax.f32 v38, v52  }
0x1cf: {  	v38 =	vmax.f32 v38, v53  }
0x1d0: {  	v38 =	vmax.f32 v38, v31  }
0x1d1: {  	v34 =	vsub.f32 v47, v38;
	v54 =	vpop (erf)  }
0x1d2: {  	v35 =	vsub.f32 v48, v38;
	v41 =	vadd.f32 $1.000000000e+00, v54  }
0x1d3: {  	v34 =	vmul.f32 $1.442695020e+00, v34  }
0x1d4: {  	v36 =	vsub.f32 v49, v38;
	v35 =	vmul.f32 $1.442695020e+00, v35;
	(erf) = vrcp.f32 v41  }
0x1d5: {  	(erf) = vpow2.f32 v34  }
0x1d6: {  	v56 =	vsub.f32 v50, v38;
	v55 =	vmul.f32 $1.442695020e+00, v36;
	(erf) = vpow2.f32 v35;
	_ =	sdelay $0x1  }
0x1d7: {  	v58 =	vsub.f32 v52, v38;
	v57 =	vmul.f32 $1.442695020e+00, v56;
	(erf) = vpow2.f32 v55;
	_ =	sdelay $0x1  }
0x1d8: {  	v59 =	vmul.f32 $1.442695020e+00, v58;
	v60 =	vsub.f32 v53, v38;
	(erf) = vpow2.f32 v57;
	_ =	sdelay $0x1  }
0x1d9: {  	v61 =	vmul.f32 $1.442695020e+00, v60;
	v62 =	vsub.f32 v31, v38;
	(erf) = vpow2.f32 v59  }
0x1da: {  	v31 =	vpop (erf)  }
0x1db: {  	v43 =	vmul.f32 $1.442695020e+00, v62;
	v63 =	vpop (erf);
	(erf) = vpow2.f32 v61  }
0x1dc: {  	v44 =	vpop (erf)  }
0x1dd: {  	(erf) = vpow2.f32 v43;
	v45 =	vadd.f32 v44, v63  }
0x1de: {  	v46 =	vpop (erf)  }
0x1df: {  	v37 =	vadd.f32 v45, v46  }
0x1e0: {  	v47 =	vpop (erf)  }
0x1e1: {  	v37 =	vadd.f32 v37, v47  }
0x1e2: {  	v48 =	vpop (erf)  }
0x1e3: {  	v37 =	vadd.f32 v37, v48  }
0x1e4: {  	v49 =	vpop (erf)  }
0x1e5: {  	v36 =	vmul.f32 v63, v29;
	v35 =	vmul.f32 v44, v18;
	v37 =	vadd.f32 v37, v49  }
0x1e6: {  	v50 =	vpop (erf)  }
0x1e7: {  	v34 =	vmul.f32 v46, v16;
	v35 =	vadd.f32 v35, v36;
	v51 =	vadd.f32 v37, v50;
	_ =	sdelay $0x1  }
0x1e8: {  	v52 =	vmul.f32 v47, v19;
	v34 =	vadd.f32 v35, v34;
	(erf) = vrcp.f32 v51;
	_ =	sdelay $0x1  }
0x1e9: {  	v53 =	vmul.f32 v20, v48;
	v34 =	vadd.f32 v34, v52;
	_ =	sdelay $0x1  }
0x1ea: {  	v34 =	vadd.f32 v34, v53;
	v54 =	vmul.f32 v23, v49;
	_ =	sdelay $0x1  }
0x1eb: {  	v55 =	vmul.f32 v27, v50;
	v34 =	vadd.f32 v34, v54;
	_ =	sdelay $0x1  }
0x1ec: {  	v34 =	vadd.f32 v34, v55  }
0x1ed: {  	v56 =	vpop (erf)  }
0x1ee: {  	v34 =	vmul.f32 v56, v34;
	_ =	sdelay $0x1  }
0x1ef: {  	v25 =	vld.idx.msk [tilespmem:v25+s3+$0x0], $0xffff;
	v34 =	vadd.f32 v34, v34;
	_ =	sdelay $0x1  }
0x1f0: {  	v34 =	vmul.f32 $1.442695020e+00, v34;
	_ =	sdelay $0x1  }
0x1f1: {  	(erf) = vpow2.f32 v34  }
0x1f2: {  	v58 =	vmul.f32 v12, v25;
	v57 =	vmul.f32 v28, v25  }
0x1f3: {  	v59 =	vmul.f32 v14, v25  }
0x1f4: {  	v60 =	vmul.f32 v17, v25;
	v61 =	vmax.f32 v57, v58  }
0x1f5: {  	v62 =	vmul.f32 v15, v25;
	v38 =	vmax.f32 v61, v59  }
0x1f6: {  	v63 =	vmul.f32 v13, v25;
	v38 =	vmax.f32 v38, v60  }
0x1f7: {  	v25 =	vmul.f32 v26, v25;
	v38 =	vmax.f32 v38, v62  }
0x1f8: {  	v26 =	vmax.f32 v38, v63  }
0x1f9: {  	v26 =	vmax.f32 v26, v25  }
0x1fa: {  	v34 =	vsub.f32 v57, v26;
	v41 =	vpop (erf)  }
0x1fb: {  	v35 =	vsub.f32 v58, v26;
	v38 =	vadd.f32 $1.000000000e+00, v41  }
0x1fc: {  	v34 =	vmul.f32 $1.442695020e+00, v34  }
0x1fd: {  	v36 =	vsub.f32 v59, v26;
	v35 =	vmul.f32 $1.442695020e+00, v35;
	(erf) = vrcp.f32 v38  }
0x1fe: {  	(erf) = vpow2.f32 v34  }
0x1ff: {  	v43 =	vsub.f32 v60, v26;
	v42 =	vmul.f32 $1.442695020e+00, v36;
	(erf) = vpow2.f32 v35;
	_ =	sdelay $0x1  }
0x200: {  	v45 =	vsub.f32 v62, v26;
	v44 =	vmul.f32 $1.442695020e+00, v43;
	(erf) = vpow2.f32 v42;
	_ =	sdelay $0x1  }
0x201: {  	v47 =	vsub.f32 v63, v26;
	v46 =	vmul.f32 $1.442695020e+00, v45;
	(erf) = vpow2.f32 v44;
	_ =	sdelay $0x1  }
0x202: {  	v25 =	vsub.f32 v25, v26;
	v48 =	vmul.f32 $1.442695020e+00, v47;
	(erf) = vpow2.f32 v46  }
0x203: {  	v26 =	vpop (erf)  }
0x204: {  	v25 =	vmul.f32 $1.442695020e+00, v25;
	v49 =	vpop (erf);
	(erf) = vpow2.f32 v48  }
0x205: {  	v50 =	vpop (erf)  }
0x206: {  	(erf) = vpow2.f32 v25;
	v51 =	vadd.f32 v50, v49  }
0x207: {  	v52 =	vpop (erf)  }
0x208: {  	v36 =	vadd.f32 v51, v52  }
0x209: {  	v53 =	vpop (erf)  }
0x20a: {  	v36 =	vadd.f32 v36, v53  }
0x20b: {  	v54 =	vpop (erf)  }
0x20c: {  	v36 =	vadd.f32 v36, v54  }
0x20d: {  	v55 =	vpop (erf)  }
0x20e: {  	v35 =	vmul.f32 v49, v29;
	v34 =	vmul.f32 v50, v18;
	v36 =	vadd.f32 v36, v55  }
0x20f: {  	v56 =	vpop (erf)  }
0x210: {  	v25 =	vmul.f32 v52, v16;
	v34 =	vadd.f32 v34, v35;
	v57 =	vadd.f32 v36, v56;
	_ =	sdelay $0x1  }
0x211: {  	v58 =	vmul.f32 v53, v19;
	v25 =	vadd.f32 v34, v25;
	(erf) = vrcp.f32 v57;
	_ =	sdelay $0x1  }
0x212: {  	v59 =	vmul.f32 v20, v54;
	v25 =	vadd.f32 v25, v58;
	_ =	sdelay $0x1  }
0x213: {  	v25 =	vadd.f32 v25, v59;
	v60 =	vmul.f32 v22, v55;
	_ =	sdelay $0x1  }
0x214: {  	v27 =	vmul.f32 v27, v56;
	v25 =	vadd.f32 v25, v60;
	_ =	sdelay $0x1  }
0x215: {  	v25 =	vadd.f32 v25, v27  }
0x216: {  	v61 =	vpop (erf)  }
0x217: {  	v25 =	vmul.f32 v61, v25;
	_ =	sdelay $0x1  }
0x218: {  	v21 =	vld.idx.msk [tilespmem:v21+s3+$0x0], $0xffff;
	v25 =	vadd.f32 v25, v25;
	_ =	sdelay $0x1  }
0x219: {  	v25 =	vmul.f32 $1.442695020e+00, v25;
	_ =	sdelay $0x1  }
0x21a: {  	(erf) = vpow2.f32 v25  }
0x21b: {  	v12 =	vmul.f32 v12, v21;
	v62 =	vmul.f32 v28, v21  }
0x21c: {  	v14 =	vmul.f32 v14, v21  }
0x21d: {  	v17 =	vmul.f32 v17, v21;
	v63 =	vmax.f32 v62, v12  }
0x21e: {  	v15 =	vmul.f32 v15, v21;
	v27 =	vmax.f32 v63, v14  }
0x21f: {  	v13 =	vmul.f32 v13, v21;
	v27 =	vmax.f32 v27, v17  }
0x220: {  	v11 =	vmul.f32 v11, v21;
	v28 =	vmax.f32 v27, v15  }
0x221: {  	v21 =	vmax.f32 v28, v13  }
0x222: {  	v21 =	vmax.f32 v21, v11  }
0x223: {  	v25 =	vsub.f32 v62, v21;
	v34 =	vpop (erf)  }
0x224: {  	v12 =	vsub.f32 v12, v21;
	v27 =	vadd.f32 $1.000000000e+00, v34  }
0x225: {  	v25 =	vmul.f32 $1.442695020e+00, v25  }
0x226: {  	v14 =	vsub.f32 v14, v21;
	v12 =	vmul.f32 $1.442695020e+00, v12;
	(erf) = vrcp.f32 v27  }
0x227: {  	(erf) = vpow2.f32 v25  }
0x228: {  	v36 =	vsub.f32 v17, v21;
	v35 =	vmul.f32 $1.442695020e+00, v14;
	(erf) = vpow2.f32 v12;
	_ =	sdelay $0x1  }
0x229: {  	v38 =	vsub.f32 v15, v21;
	v37 =	vmul.f32 $1.442695020e+00, v36;
	(erf) = vpow2.f32 v35;
	_ =	sdelay $0x1  }
0x22a: {  	v13 =	vsub.f32 v13, v21;
	v39 =	vmul.f32 $1.442695020e+00, v38;
	(erf) = vpow2.f32 v37  }
0x22b: {  	v11 =	vsub.f32 v11, v21  }
0x22c: {  	v40 =	vmul.f32 $1.442695020e+00, v13;
	(erf) = vpow2.f32 v39  }
0x22d: {  	v11 =	vmul.f32 $1.442695020e+00, v11;
	v41 =	vpop (erf)  }
0x22e: {  	(erf) = vpow2.f32 v40;
	v42 =	vpop (erf)  }
0x22f: {  	v43 =	vpop (erf)  }
0x230: {  	(erf) = vpow2.f32 v11;
	v44 =	vadd.f32 v43, v42  }
0x231: {  	v11 =	vpop (erf)  }
0x232: {  	v15 =	vadd.f32 v44, v11  }
0x233: {  	v45 =	vpop (erf)  }
0x234: {  	v15 =	vadd.f32 v15, v45  }
0x235: {  	v46 =	vpop (erf)  }
0x236: {  	v15 =	vadd.f32 v15, v46  }
0x237: {  	v47 =	vpop (erf)  }
0x238: {  	v14 =	vmul.f32 v42, v29;
	v12 =	vmul.f32 v43, v18;
	v15 =	vadd.f32 v15, v47  }
0x239: {  	v48 =	vpop (erf)  }
0x23a: {  	v12 =	vadd.f32 v12, v14;
	v11 =	vmul.f32 v11, v16;
	v49 =	vadd.f32 v15, v48;
	_ =	sdelay $0x1  }
0x23b: {  	v50 =	vmul.f32 v19, v45;
	v11 =	vadd.f32 v12, v11;
	(erf) = vrcp.f32 v49;
	_ =	sdelay $0x1  }
0x23c: {  	v51 =	vmul.f32 v20, v46;
	v11 =	vadd.f32 v11, v50;
	_ =	sdelay $0x1  }
0x23d: {  	v52 =	vmul.f32 v22, v47;
	v11 =	vadd.f32 v11, v51;
	_ =	sdelay $0x1  }
0x23e: {  	v53 =	vmul.f32 v23, v48;
	v11 =	vadd.f32 v11, v52;
	_ =	sdelay $0x1  }
0x23f: {  	v11 =	vadd.f32 v11, v53  }
0x240: {  	v54 =	vpop (erf)  }
0x241: {  	v11 =	vmul.f32 v54, v11;
	_ =	sdelay $0x1  }
0x242: {  	v11 =	vadd.f32 v11, v11;
	_ =	sdelay $0x1  }
0x243: {  	v11 =	vmul.f32 $1.442695020e+00, v11;
	_ =	sdelay $0x1  }
0x244: {  	(erf) = vpow2.f32 v11;
	_ =	sdelay $0x8  }
0x245: {  	v11 =	vpop (erf)  }
0x246: {  	v11 =	vadd.f32 $1.000000000e+00, v11;
	_ =	sdelay $0x1  }
0x247: {  	(erf) = vrcp.f32 v11;
	_ =	sdelay $0x2  }
0x248: {  	v11 =	vadd.f32 v24, v24  }
0x249: {  	v57 =	vadd.f32 v33, v33  }
0x24a: {  	v56 =	vadd.f32 v32, v32;
	v11 =	vsub.f32 $1.000000000e+00, v11  }
0x24b: {  	v60 =	vadd.f32 v26, v26;
	v59 =	vsub.f32 $1.000000000e+00, v57  }
0x24c: {  	v58 =	vadd.f32 v31, v31;
	[tilespmem:$0x1C200] =	vst v11;
	v11 =	vsub.f32 $1.000000000e+00, v56  }
0x24d: {  	v55 =	vadd.f32 v30, v30;
	[tilespmem:$0x1C230] =	vst v59;
	v62 =	vsub.f32 $1.000000000e+00, v60  }
0x24e: {  	v13 =	vadd.f32 v41, v41;
	[tilespmem:$0x1C220] =	vst v11;
	v11 =	vsub.f32 $1.000000000e+00, v58;
	v61 =	vpop (erf)  }
0x24f: {  	[tilespmem:$0x1C250] =	vst v62;
	v12 =	vsub.f32 $1.000000000e+00, v55;
	v14 =	vadd.f32 v61, v61  }
0x250: {  	[tilespmem:$0x1C240] =	vst v11;
	v11 =	vsub.f32 $1.000000000e+00, v13  }
0x251: {  	[tilespmem:$0x1C210] =	vst v12;
	v63 =	vsub.f32 $1.000000000e+00, v14  }
0x252: {  	[tilespmem:$0x1C260] =	vst v11  }
0x253: {  	[tilespmem:$0x1C270] =	vst v63  }
0x254: {  	_ =	swait.ge [sflag:s15], $0x8000  }
0x255: {  	p0 =	seq.s32 s20, $0x0;
	[sflag:s15] =	ssyncset.done $0x0  }
0x256: {  	s0 =	simm.s32 @!p0 $0x3;
	[sflag:s15] =	ssyncadd.s32 $0xFFFF8000  }
0x257: {  	_ =	swait.ge @!p0 [sflag:s0], $0x1000  }
0x258: {  	s22 =	sshll.u32 s20, $0x1;
	[sflag:s0] =	ssyncset.done @!p0 $0x0  }
0x259: {  	s21 =	simm.s32 $0x0;
	s23 =	simm.s32 $0x0;
	[sflag:s0] =	ssyncadd.s32 @!p0 $0xFFFFF000  }
.LBB2_3:
0x25a: {  	v11 =	vmov s23  }
0x25b: {  	s0 =	sshll.u32 s23, $0xB  }
0x25c: {  	s0 =	sand.u32 $0x3FFFF800, s0  }
0x25d: {  	s13 =	sand.u32 $0x40, s21;
	s4 =	sand.u32 $0x400, s21;
	s24 =	sadd.s32 $0xA200, s0  }
0x25e: {  	s2 =	sor.u32 $0x30, s13;
	s9 =	sadd.s32 s4, s24  }
0x25f: {  	s10 =	sadd.s32 s2, s9;
	v12 =	vld.idx.msk [tilespmem:v11+s16+$0x0], $0xffff  }
0x260: {  	s28 =	sadd.s32 s13, s9;
	v20 =	vld [tilespmem:s10+$0x80]  }
0x261: {  	v21 =	vld [tilespmem:s28+$0x0]  }
0x262: {  	v22 =	vld [tilespmem:s10+$0x100]  }
0x263: {  	s5 =	sor.u32 $0x10, s13;
	v23 =	vld [tilespmem:s28+$0x80]  }
0x264: {  	v13 =	vor.u32 $0x10, v11;
	s25 =	sadd.s32 s5, s9;
	v24 =	vld [tilespmem:s10+$0x180]  }
0x265: {  	v16 =	vor.u32 $0x30, v11;
	v25 =	vld [tilespmem:s25+$0x0]  }
0x266: {  	v19 =	vor.u32 $0x50, v11;
	v26 =	vld [tilespmem:s10+$0x200]  }
0x267: {  	v27 =	vld [tilespmem:s25+$0x80]  }
0x268: {  	v28 =	vld [tilespmem:s10+$0x280]  }
0x269: {  	v15 =	vor.u32 $0x20, v11;
	v14 =	vld.idx.msk [tilespmem:v13+s16+$0x0], $0xffff  }
0x26a: {  	v17 =	vld.idx.msk [tilespmem:v16+s16+$0x0], $0xffff  }
0x26b: {  	s7 =	sor.u32 $0x20, s13;
	v16 =	vld.idx.msk [tilespmem:v19+s16+$0x0], $0xffff  }
0x26c: {  	s26 =	sadd.s32 s7, s9;
	v19 =	vld [tilespmem:s10+$0x0]  }
0x26d: {  	v18 =	vor.u32 $0x40, v11;
	v29 =	vld [tilespmem:s26+$0x0]  }
0x26e: {  	v15 =	vld.idx.msk [tilespmem:v15+s16+$0x0], $0xffff  }
0x26f: {  	v30 =	vld [tilespmem:s10+$0x300]  }
0x270: {  	v31 =	vld [tilespmem:s10+$0x380];
	v13 =	vor.u32 $0x60, v11  }
0x271: {  	v32 =	vld [tilespmem:s25+$0x100];
	v19 =	vmul.f32 v19, v12;
	v20 =	vmul.f32 v20, v14  }
0x272: {  	v18 =	vld.idx.msk [tilespmem:v18+s16+$0x0], $0xffff  }
0x273: {  	v33 =	vld [tilespmem:s28+$0x180];
	v19 =	vadd.f32 v20, v19;
	v20 =	vmul.f32 v22, v15  }
0x274: {  	v63 =	vld [tilespmem:s25+$0x200];
	v11 =	vor.u32 $0x70, v11  }
0x275: {  	v13 =	vld.idx.msk [tilespmem:v13+s16+$0x0], $0xffff;
	v19 =	vadd.f32 v20, v19;
	v20 =	vmul.f32 v24, v17  }
0x276: {  	v22 =	vld [tilespmem:s26+$0x80]  }
0x277: {  	v24 =	vld [tilespmem:s28+$0x100];
	v19 =	vadd.f32 v20, v19;
	v20 =	vmul.f32 v26, v18  }
0x278: {  	v21 =	vmul.f32 v21, v12;
	v23 =	vmul.f32 v23, v14;
	v26 =	vld [tilespmem:s26+$0x100]  }
0x279: {  	v25 =	vmul.f32 v25, v12;
	v11 =	vld.idx.msk [tilespmem:v11+s16+$0x0], $0xffff;
	v19 =	vadd.f32 v20, v19;
	v20 =	vmul.f32 v28, v16  }
0x27a: {  	v21 =	vadd.f32 v23, v21;
	v23 =	vmul.f32 v27, v14;
	v27 =	vmul.f32 v29, v12;
	v28 =	vld [tilespmem:s25+$0x180]  }
0x27b: {  	v29 =	vld [tilespmem:s26+$0x180];
	v22 =	vmul.f32 v22, v14;
	v19 =	vadd.f32 v20, v19;
	v20 =	vmul.f32 v30, v13  }
0x27c: {  	v23 =	vadd.f32 v23, v25;
	v25 =	vmul.f32 v32, v15;
	v24 =	vmul.f32 v24, v15;
	v30 =	vld [tilespmem:s28+$0x200]  }
0x27d: {  	s14 =	sshll.u32 s23, $0x8;
	s17 =	sshll.u32 s23, $0x7;
	v20 =	vadd.f32 v20, v19;
	v19 =	vadd.f32 v22, v27;
	v22 =	vmul.f32 v26, v15;
	v27 =	vld [tilespmem:s26+$0x200]  }
0x27e: {  	s9 =	sand.u32 $0x800, s14;
	s10 =	sand.u32 $0x380, s17;
	v23 =	vadd.f32 v25, v23;
	v25 =	vld [tilespmem:s28+$0x280];
	v21 =	vadd.f32 v24, v21;
	v24 =	vmul.f32 v33, v17  }
0x27f: {  	s9 =	sor.u32 s10, s9;
	v26 =	vmul.f32 v31, v11;
	v28 =	vmul.f32 v28, v17;
	v22 =	vadd.f32 v22, v19;
	v19 =	vld [tilespmem:s25+$0x280]  }
0x280: {  	s29 =	sadd.s32 $0x1A200, s9;
	v32 =	vmul.f32 v63, v18;
	v29 =	vmul.f32 v29, v17;
	v24 =	vadd.f32 v24, v21;
	v21 =	vld [tilespmem:s26+$0x280]  }
0x281: {  	s30 =	simm.s32 $0x0;
	s9 =	sadd.s32 s4, s29;
	v31 =	vadd.f32 v26, v20;
	v20 =	vld [tilespmem:s28+$0x300];
	v30 =	vmul.f32 v30, v18;
	v23 =	vadd.f32 v28, v23  }
0x282: {  	s31 =	simm.s32 $0x200;
	s4 =	sadd.s32 s13, s9;
	s2 =	sadd.s32 s2, s9;
	v26 =	vadd.f32 v29, v22;
	v22 =	vld [tilespmem:s25+$0x300];
	v28 =	vmul.f32 v27, v18  }
0x283: {  	s0 =	sadd.s32 s5, s9;
	s5 =	sadd.s32 s7, s9;
	[tilespmem:s2+$0x0] =	vst v31;
	s2 =	simm.s32 $0x40;
	v24 =	vadd.f32 v30, v24;
	v27 =	vmul.f32 v25, v16;
	v25 =	vadd.f32 v32, v23;
	v23 =	vld [tilespmem:s26+$0x300]  }
.LBB2_4:
0x284: {  	s7 =	sand.u32 $0x40, s2;
	s10 =	sand.u32 $0x400, s31;
	v29 =	vld [tilespmem:s28+$0x380];
	v19 =	vmul.f32 v19, v16;
	v26 =	vadd.f32 v28, v26  }
0x285: {  	s30 =	sadd.s32 $0x4, s30;
	s14 =	sadd.s32 s10, s24;
	s9 =	sor.u32 $0x30, s7;
	v24 =	vadd.f32 v27, v24;
	v27 =	vld [tilespmem:s25+$0x380];
	v21 =	vmul.f32 v21, v16  }
0x286: {  	s11 =	sor.u32 $0x10, s7;
	p1 =	slt.u32 s30, $0xC;
	s13 =	sadd.s32 s9, s14;
	v20 =	vmul.f32 v20, v13;
	v19 =	vadd.f32 v19, v25;
	v25 =	vld [tilespmem:s26+$0x380]  }
0x287: {  	s12 =	sor.u32 $0x20, s7;
	s28 =	sadd.s32 s7, s14;
	s25 =	sadd.s32 s11, s14;
	v28 =	vld [tilespmem:s13+$0x0];
	v22 =	vmul.f32 v22, v13;
	v21 =	vadd.f32 v21, v26  }
0x288: {  	s26 =	sadd.s32 s12, s14;
	v26 =	vld [tilespmem:s13+$0x80];
	v20 =	vadd.f32 v20, v24;
	v23 =	vmul.f32 v23, v13  }
0x289: {  	v24 =	vld [tilespmem:s28+$0x0];
	v29 =	vmul.f32 v29, v11;
	v19 =	vadd.f32 v22, v19  }
0x28a: {  	v22 =	vld [tilespmem:s13+$0x100];
	v27 =	vmul.f32 v27, v11;
	v21 =	vadd.f32 v23, v21  }
0x28b: {  	v23 =	vld [tilespmem:s28+$0x80];
	v20 =	vadd.f32 v29, v20;
	v25 =	vmul.f32 v25, v11  }
0x28c: {  	v29 =	vld [tilespmem:s13+$0x180];
	v19 =	vadd.f32 v27, v19  }
0x28d: {  	v28 =	vmul.f32 v28, v12;
	v27 =	vld [tilespmem:s25+$0x0];
	v26 =	vmul.f32 v26, v14;
	[tilespmem:s4+$0x0] =	vst v20;
	v20 =	vadd.f32 v25, v21  }
0x28e: {  	v21 =	vmul.f32 v24, v12;
	v24 =	vld [tilespmem:s13+$0x200];
	[tilespmem:s0+$0x0] =	vst v19  }
0x28f: {  	v19 =	vld [tilespmem:s25+$0x80];
	v25 =	vadd.f32 v26, v28;
	v22 =	vmul.f32 v22, v15;
	[tilespmem:s5+$0x0] =	vst v20  }
0x290: {  	v20 =	vmul.f32 v23, v14;
	v23 =	vld [tilespmem:s13+$0x280]  }
0x291: {  	v26 =	vld [tilespmem:s26+$0x0];
	v22 =	vadd.f32 v22, v25;
	v25 =	vmul.f32 v29, v17  }
0x292: {  	v20 =	vadd.f32 v20, v21;
	v21 =	vmul.f32 v27, v12;
	v27 =	vld [tilespmem:s13+$0x300]  }
0x293: {  	v28 =	vld [tilespmem:s26+$0x80];
	v22 =	vadd.f32 v25, v22;
	v24 =	vmul.f32 v24, v18  }
0x294: {  	v19 =	vmul.f32 v19, v14;
	v25 =	vld [tilespmem:s13+$0x380]  }
0x295: {  	v29 =	vld [tilespmem:s28+$0x100];
	v22 =	vadd.f32 v24, v22;
	v23 =	vmul.f32 v23, v16  }
0x296: {  	v19 =	vadd.f32 v19, v21;
	v21 =	vld [tilespmem:s25+$0x100];
	v24 =	vmul.f32 v26, v12  }
0x297: {  	v26 =	vld [tilespmem:s26+$0x100];
	v22 =	vadd.f32 v23, v22;
	v23 =	vmul.f32 v27, v13  }
0x298: {  	v27 =	vld [tilespmem:s28+$0x180];
	v28 =	vmul.f32 v28, v14  }
0x299: {  	v30 =	vld [tilespmem:s25+$0x180];
	v22 =	vadd.f32 v23, v22;
	v23 =	vmul.f32 v25, v11  }
0x29a: {  	v25 =	vmul.f32 v29, v15;
	v24 =	vadd.f32 v28, v24;
	v28 =	vld [tilespmem:s26+$0x180]  }
0x29b: {  	s5 =	sadd.s32 s10, s29;
	v29 =	vld [tilespmem:s28+$0x200];
	v21 =	vmul.f32 v21, v15;
	v22 =	vadd.f32 v23, v22  }
0x29c: {  	s4 =	sadd.s32 s7, s5;
	s0 =	sadd.s32 s11, s5;
	s7 =	sadd.s32 s9, s5;
	v20 =	vadd.f32 v25, v20;
	v23 =	vld [tilespmem:s25+$0x200];
	v25 =	vmul.f32 v26, v15  }
0x29d: {  	s5 =	sadd.s32 s12, s5;
	v26 =	vmul.f32 v27, v17;
	v21 =	vadd.f32 v21, v19;
	v27 =	vld [tilespmem:s26+$0x200];
	[tilespmem:s7+$0x0] =	vst v22  }
0x29e: {  	v31 =	vld [tilespmem:s28+$0x280];
	v22 =	vmul.f32 v30, v17;
	v24 =	vadd.f32 v25, v24  }
.Ltmp2:
0x29f: {  	v25 =	vadd.f32 v26, v20;
	v19 =	vld [tilespmem:s25+$0x280];
	v26 =	vmul.f32 v28, v17;
	(pc) =	sbr.rel @p1 .LBB2_4-.Ltmp2, $4  }
0x2a0: {  	v28 =	vmul.f32 v29, v18;
	v29 =	vadd.f32 v22, v21;
	v21 =	vld [tilespmem:s26+$0x280]  }
0x2a1: {  	v20 =	vld [tilespmem:s28+$0x300];
	v23 =	vmul.f32 v23, v18;
	v26 =	vadd.f32 v26, v24  }
0x2a2: {  	v24 =	vadd.f32 v28, v25;
	v22 =	vld [tilespmem:s25+$0x300];
	v28 =	vmul.f32 v27, v18  }
0x2a3: {  	s31 =	sadd.s32 $0x200, s31;
	s2 =	sadd.s32 $0x40, s2;
	v27 =	vmul.f32 v31, v16;
	v25 =	vadd.f32 v23, v29;
	v23 =	vld [tilespmem:s26+$0x300]  }
0x2a4: {  	v12 =	vld [tilespmem:s28+$0x380]  }
0x2a5: {  	v14 =	vld [tilespmem:s25+$0x380]  }
0x2a6: {  	v15 =	vadd.f32 v28, v26;
	v17 =	vmul.f32 v19, v16;
	v18 =	vld [tilespmem:s26+$0x380];
	v59 =	vmul.f32 v21, v16  }
0x2a7: {  	v60 =	vadd.f32 v27, v24;
	v20 =	vmul.f32 v20, v13  }
0x2a8: {  	v17 =	vadd.f32 v17, v25;
	v61 =	vmul.f32 v22, v13;
	v15 =	vadd.f32 v59, v15  }
0x2a9: {  	s23 =	sadd.s32 $0x1, s23;
	v62 =	vadd.f32 v20, v60;
	v63 =	vmul.f32 v23, v13;
	v12 =	vmul.f32 v12, v11  }
0x2aa: {  	p1 =	sne.s32 s23, $0x10;
	v17 =	vadd.f32 v61, v17;
	v14 =	vmul.f32 v14, v11  }
.Ltmp3:
0x2ab: {  	v11 =	vmul.f32 v18, v11;
	v13 =	vadd.f32 v63, v15;
	v12 =	vadd.f32 v12, v62;
	(pc) =	sbr.rel @p1 .LBB2_3-.Ltmp3, $4  }
0x2ac: {  	v14 =	vadd.f32 v14, v17  }
0x2ad: {  	v11 =	vadd.f32 v11, v13;
	[tilespmem:s4+$0x0] =	vst v12  }
0x2ae: {  	[tilespmem:s0+$0x0] =	vst v14  }
0x2af: {  	[tilespmem:s5+$0x0] =	vst v11  }
0x2b0: {  	p1 =	seq.s32 s20, $0x3  }
.Ltmp4:
0x2b1: {  	_ = 	snop;
	(pc) =	sbr.rel @p1 .LBB2_8-.Ltmp4, $4  }
0x2b2: {  	_ = 	snop  }
0x2b3: {  	s21 =	sshll.u32 s20, $0xA  }
0x2b4: {  	s2 =	simm.s32 $0x1A200;
	s0 =	sadd.s32 s21, s6  }
0x2b5: {  	[hbm4b:s0+s3] =	stream.linear.scatter [tilespmem:s2], [sflag:$0x3], $0x1000, $0x38;
	[tilespmem:$0x1C280] =	vst v63  }
0x2b6: {  	s0 =	sshrl.u32 s21, $0x2  }
0x2b7: {  	v11 =	vld [tilespmem:s0+$0x9F00];
	_ =	sdelay $0x4  }
0x2b8: {  	v12 =	vshll.u32 v11, $0x1  }
0x2b9: {  	v11 =	vand.u32 $0x7, v11;
	v12 =	vand.u32 $0xFFFFFFF0, v12  }
0x2ba: {  	v11 =	vor.u32 v11, v12  }
0x2bb: {  	v12 =	vperm.xlane v11, v1;
	_ =	sdelay $0x1  }
0x2bc: {  	v11 =	vperm.xlane v11, v3;
	v12 =	vadd.s32 v2, v12;
	_ =	sdelay $0x1  }
0x2bd: {  	v11 =	vadd.s32 v2, v11;
	_ =	sdelay $0x1  }
0x2be: {  	s2 =	simm.s32 $0xA200  }
0x2bf: {  	[tilespmem:s2], [sflag:$0x1] =	stream.indirect_vreg.gather [hbm4b:s1+s3], $0x80, v12, vm0, $0xb8;
	[tilespmem:$0x1C280] =	vst v63  }
0x2c0: {  	s9 =	simm.s32 $0xAA00  }
0x2c1: {  	[tilespmem:s9], [sflag:$0x1] =	stream.indirect_vreg.gather [hbm4b:s1+s3], $0x80, v11, vm0, $0xb8;
	[tilespmem:$0x1C280] =	vst v63  }
0x2c2: {  	v11 =	vld [tilespmem:s0+$0x9F10];
	_ =	sdelay $0x4  }
0x2c3: {  	v57 =	vshll.u32 v11, $0x1  }
0x2c4: {  	v11 =	vand.u32 $0x7, v11;
	v12 =	vand.u32 $0xFFFFFFF0, v57  }
0x2c5: {  	v11 =	vor.u32 v11, v12  }
0x2c6: {  	v12 =	vperm.xlane v11, v1;
	_ =	sdelay $0x1  }
0x2c7: {  	v11 =	vperm.xlane v11, v3;
	v12 =	vadd.s32 v2, v12;
	_ =	sdelay $0x1  }
0x2c8: {  	v11 =	vadd.s32 v2, v11;
	_ =	sdelay $0x1  }
0x2c9: {  	s10 =	simm.s32 $0xB200  }
0x2ca: {  	[tilespmem:s10], [sflag:$0x1] =	stream.indirect_vreg.gather [hbm4b:s1+s3], $0x80, v12, vm0, $0xb8;
	[tilespmem:$0x1C280] =	vst v63  }
0x2cb: {  	s11 =	simm.s32 $0xBA00  }
0x2cc: {  	[tilespmem:s11], [sflag:$0x1] =	stream.indirect_vreg.gather [hbm4b:s1+s3], $0x80, v11, vm0, $0xb8;
	[tilespmem:$0x1C280] =	vst v63  }
0x2cd: {  	v11 =	vld [tilespmem:s0+$0x9F20];
	_ =	sdelay $0x4  }
0x2ce: {  	v58 =	vshll.u32 v11, $0x1  }
0x2cf: {  	v11 =	vand.u32 $0x7, v11;
	v12 =	vand.u32 $0xFFFFFFF0, v58  }
0x2d0: {  	v11 =	vor.u32 v11, v12  }
0x2d1: {  	v12 =	vperm.xlane v11, v1;
	_ =	sdelay $0x1  }
0x2d2: {  	v11 =	vperm.xlane v11, v3;
	v12 =	vadd.s32 v2, v12;
	_ =	sdelay $0x1  }
0x2d3: {  	v11 =	vadd.s32 v2, v11;
	_ =	sdelay $0x1  }
0x2d4: {  	s12 =	simm.s32 $0xC200  }
0x2d5: {  	[tilespmem:s12], [sflag:$0x1] =	stream.indirect_vreg.gather [hbm4b:s1+s3], $0x80, v12, vm0, $0xb8;
	[tilespmem:$0x1C280] =	vst v63  }
0x2d6: {  	s13 =	simm.s32 $0xCA00  }
0x2d7: {  	[tilespmem:s13], [sflag:$0x1] =	stream.indirect_vreg.gather [hbm4b:s1+s3], $0x80, v11, vm0, $0xb8;
	[tilespmem:$0x1C280] =	vst v63  }
0x2d8: {  	v11 =	vld [tilespmem:s0+$0x9F30];
	_ =	sdelay $0x4  }
0x2d9: {  	v59 =	vshll.u32 v11, $0x1  }
0x2da: {  	v11 =	vand.u32 $0x7, v11;
	v12 =	vand.u32 $0xFFFFFFF0, v59  }
0x2db: {  	v11 =	vor.u32 v11, v12  }
0x2dc: {  	v12 =	vperm.xlane v11, v1;
	_ =	sdelay $0x1  }
0x2dd: {  	v11 =	vperm.xlane v11, v3;
	v12 =	vadd.s32 v2, v12;
	_ =	sdelay $0x1  }
0x2de: {  	v11 =	vadd.s32 v2, v11;
	_ =	sdelay $0x1  }
0x2df: {  	s14 =	simm.s32 $0xD200  }
0x2e0: {  	[tilespmem:s14], [sflag:$0x1] =	stream.indirect_vreg.gather [hbm4b:s1+s3], $0x80, v12, vm0, $0xb8;
	[tilespmem:$0x1C280] =	vst v63  }
0x2e1: {  	s17 =	simm.s32 $0xDA00  }
0x2e2: {  	[tilespmem:s17], [sflag:$0x1] =	stream.indirect_vreg.gather [hbm4b:s1+s3], $0x80, v11, vm0, $0xb8;
	[tilespmem:$0x1C280] =	vst v63  }
0x2e3: {  	v11 =	vld [tilespmem:s0+$0x9F40];
	_ =	sdelay $0x4  }
0x2e4: {  	v60 =	vshll.u32 v11, $0x1  }
0x2e5: {  	v11 =	vand.u32 $0x7, v11;
	v12 =	vand.u32 $0xFFFFFFF0, v60  }
0x2e6: {  	v11 =	vor.u32 v11, v12  }
0x2e7: {  	v12 =	vperm.xlane v11, v1;
	_ =	sdelay $0x1  }
0x2e8: {  	v11 =	vperm.xlane v11, v3;
	v12 =	vadd.s32 v2, v12;
	_ =	sdelay $0x1  }
0x2e9: {  	v11 =	vadd.s32 v2, v11;
	_ =	sdelay $0x1  }
0x2ea: {  	s23 =	simm.s32 $0xE200  }
0x2eb: {  	[tilespmem:s23], [sflag:$0x1] =	stream.indirect_vreg.gather [hbm4b:s1+s3], $0x80, v12, vm0, $0xb8;
	[tilespmem:$0x1C280] =	vst v63  }
0x2ec: {  	s24 =	simm.s32 $0xEA00  }
0x2ed: {  	[tilespmem:s24], [sflag:$0x1] =	stream.indirect_vreg.gather [hbm4b:s1+s3], $0x80, v11, vm0, $0xb8;
	[tilespmem:$0x1C280] =	vst v63  }
0x2ee: {  	v11 =	vld [tilespmem:s0+$0x9F50];
	_ =	sdelay $0x4  }
0x2ef: {  	v61 =	vshll.u32 v11, $0x1  }
0x2f0: {  	v11 =	vand.u32 $0x7, v11;
	v12 =	vand.u32 $0xFFFFFFF0, v61  }
0x2f1: {  	v11 =	vor.u32 v11, v12  }
0x2f2: {  	v12 =	vperm.xlane v11, v1;
	_ =	sdelay $0x1  }
0x2f3: {  	v11 =	vperm.xlane v11, v3;
	v12 =	vadd.s32 v2, v12;
	_ =	sdelay $0x1  }
0x2f4: {  	v11 =	vadd.s32 v2, v11;
	_ =	sdelay $0x1  }
0x2f5: {  	s25 =	simm.s32 $0xF200  }
0x2f6: {  	[tilespmem:s25], [sflag:$0x1] =	stream.indirect_vreg.gather [hbm4b:s1+s3], $0x80, v12, vm0, $0xb8;
	[tilespmem:$0x1C280] =	vst v63  }
0x2f7: {  	s26 =	simm.s32 $0xFA00  }
0x2f8: {  	[tilespmem:s26], [sflag:$0x1] =	stream.indirect_vreg.gather [hbm4b:s1+s3], $0x80, v11, vm0, $0xb8;
	[tilespmem:$0x1C280] =	vst v63  }
0x2f9: {  	v11 =	vld [tilespmem:s0+$0x9F60];
	_ =	sdelay $0x4  }
0x2fa: {  	v62 =	vshll.u32 v11, $0x1  }
0x2fb: {  	v11 =	vand.u32 $0x7, v11;
	v12 =	vand.u32 $0xFFFFFFF0, v62  }
0x2fc: {  	v11 =	vor.u32 v11, v12  }
0x2fd: {  	v12 =	vperm.xlane v11, v1;
	_ =	sdelay $0x1  }
0x2fe: {  	v11 =	vperm.xlane v11, v3;
	v12 =	vadd.s32 v2, v12;
	_ =	sdelay $0x1  }
0x2ff: {  	v11 =	vadd.s32 v2, v11;
	_ =	sdelay $0x1  }
0x300: {  	s28 =	simm.s32 $0x10200  }
0x301: {  	[tilespmem:s28], [sflag:$0x1] =	stream.indirect_vreg.gather [hbm4b:s1+s3], $0x80, v12, vm0, $0xb8;
	[tilespmem:$0x1C280] =	vst v63  }
0x302: {  	s29 =	simm.s32 $0x10A00  }
0x303: {  	[tilespmem:s29], [sflag:$0x1] =	stream.indirect_vreg.gather [hbm4b:s1+s3], $0x80, v11, vm0, $0xb8;
	[tilespmem:$0x1C280] =	vst v63  }
0x304: {  	v11 =	vld [tilespmem:s0+$0x9F70];
	_ =	sdelay $0x4  }
0x305: {  	v63 =	vshll.u32 v11, $0x1  }
0x306: {  	v11 =	vand.u32 $0x7, v11;
	v12 =	vand.u32 $0xFFFFFFF0, v63  }
0x307: {  	v11 =	vor.u32 v11, v12  }
0x308: {  	v12 =	vperm.xlane v11, v1;
	_ =	sdelay $0x1  }
0x309: {  	v11 =	vperm.xlane v11, v3;
	v12 =	vadd.s32 v2, v12;
	_ =	sdelay $0x1  }
0x30a: {  	v11 =	vadd.s32 v2, v11;
	_ =	sdelay $0x1  }
0x30b: {  	s30 =	simm.s32 $0x11200  }
0x30c: {  	[tilespmem:s30], [sflag:$0x1] =	stream.indirect_vreg.gather [hbm4b:s1+s3], $0x80, v12, vm0, $0xb8;
	[tilespmem:$0x1C280] =	vst v63  }
0x30d: {  	s31 =	simm.s32 $0x11A00  }
0x30e: {  	[tilespmem:s31], [sflag:$0x1] =	stream.indirect_vreg.gather [hbm4b:s1+s3], $0x80, v11, vm0, $0xb8;
	[tilespmem:$0x1C280] =	vst v63  }
.LBB2_8:
0x30f: {  	s22 =	sor.u32 $0x1, s22  }
0x310: {  	s0 =	sshll.u32 s22, $0x7  }
0x311: {  	v11 =	vmov s0  }
0x312: {  	v11 =	vshrl.u32 v11, $0x7  }
0x313: {  	v11 =	vshll.u32 v11, $0x7  }
0x314: {  	v11 =	vbroadcast v11, $0x0;
	_ =	sdelay $0x1  }
0x315: {  	v12 =	vor.u32 v0, v11  }
0x316: {  	v13 =	vor.u32 v4, v11  }
0x317: {  	v14 =	vor.u32 v5, v11  }
0x318: {  	v15 =	vor.u32 v6, v11  }
0x319: {  	v16 =	vor.u32 v7, v11  }
0x31a: {  	v17 =	vor.u32 v8, v11;
	v12 =	vld.idx.msk [tilespmem:v12+s8+$0x0], $0xffff  }
0x31b: {  	v18 =	vor.u32 v9, v11;
	v13 =	vld.idx.msk [tilespmem:v13+s8+$0x0], $0xffff  }
0x31c: {  	v11 =	vor.u32 v10, v11;
	v14 =	vld.idx.msk [tilespmem:v14+s8+$0x0], $0xffff  }
0x31d: {  	v15 =	vld.idx.msk [tilespmem:v15+s8+$0x0], $0xffff  }
0x31e: {  	v16 =	vld.idx.msk [tilespmem:v16+s8+$0x0], $0xffff  }
0x31f: {  	v17 =	vld.idx.msk [tilespmem:v17+s8+$0x0], $0xffff  }
0x320: {  	v18 =	vld.idx.msk [tilespmem:v18+s8+$0x0], $0xffff  }
0x321: {  	v11 =	vld.idx.msk [tilespmem:v11+s8+$0x0], $0xffff  }
0x322: {  	v19 =	vshll.u32 v12, $0x2;
	v12 =	vand.u32 $0x7F, v12;
	v20 =	vand.u32 $0x7F, v13  }
0x323: {  	v13 =	vshll.u32 v13, $0x2;
	v21 =	vshll.u32 v14, $0x2;
	v14 =	vand.u32 $0x7F, v14  }
0x324: {  	v57 =	vand.u32 $0x7F, v15;
	v58 =	vshll.u32 v15, $0x2;
	v59 =	vshll.u32 v16, $0x2  }
0x325: {  	v60 =	vand.u32 $0x7F, v16;
	v61 =	vshll.u32 v17, $0x2;
	v62 =	vand.u32 $0x7F, v17  }
0x326: {  	v27 =	vshll.u32 v18, $0x2;
	v34 =	vand.u32 $0x7F, v18;
	v36 =	vshll.u32 v11, $0x2  }
0x327: {  	v11 =	vand.u32 $0x7F, v11;
	v19 =	vand.u32 $0xFFFFFE00, v19;
	v13 =	vand.u32 $0xFFFFFE00, v13  }
0x328: {  	v21 =	vand.u32 $0xFFFFFE00, v21;
	v29 =	vor.u32 v12, v19;
	v24 =	vor.u32 v20, v13  }
0x329: {  	v30 =	vor.u32 v14, v21;
	v13 =	vand.u32 $0xFFFFFE00, v58;
	v63 =	vor.u32 $0x80, v24  }
0x32a: {  	v14 =	vand.u32 $0xFFFFFE00, v59;
	v32 =	vor.u32 v57, v13;
	v28 =	vor.u32 $0x80, v30  }
0x32b: {  	v12 =	vand.u32 $0xFFFFFE00, v61;
	v33 =	vor.u32 v60, v14;
	v35 =	vor.u32 $0x80, v32  }
0x32c: {  	v31 =	vor.u32 v62, v12;
	v12 =	vand.u32 $0xFFFFFE00, v27;
	v37 =	vor.u32 $0x80, v33  }
0x32d: {  	v25 =	vor.u32 v34, v12;
	v12 =	vand.u32 $0xFFFFFE00, v36;
	v39 =	vor.u32 $0x80, v31;
	v38 =	vld.idx.msk [tilespmem:v29+s3+$0x0], $0xffff  }
0x32e: {  	v21 =	vor.u32 v11, v12;
	v11 =	vor.u32 $0x80, v25;
	v12 =	vld.idx.msk [tilespmem:v63+s3+$0x0], $0xffff  }
0x32f: {  	v40 =	vor.u32 $0x80, v21;
	v14 =	vld.idx.msk [tilespmem:v28+s3+$0x0], $0xffff  }
0x330: {  	v17 =	vld.idx.msk [tilespmem:v35+s3+$0x0], $0xffff  }
0x331: {  	v15 =	vld.idx.msk [tilespmem:v37+s3+$0x0], $0xffff  }
0x332: {  	v13 =	vld.idx.msk [tilespmem:v39+s3+$0x0], $0xffff  }
0x333: {  	v11 =	vld.idx.msk [tilespmem:v11+s3+$0x0], $0xffff  }
0x334: {  	v26 =	vld.idx.msk [tilespmem:v40+s3+$0x0], $0xffff;
	v41 =	vmul.f32 v12, v38;
	v42 =	vmul.f32 v14, v38  }
0x335: {  	v43 =	vmul.f32 v17, v38  }
0x336: {  	v22 =	vmul.f32 v15, v38;
	v23 =	vmax.f32 v41, v42  }
0x337: {  	v27 =	vmul.f32 v13, v38;
	v23 =	vmax.f32 v23, v43  }
0x338: {  	v28 =	vmul.f32 v11, v38;
	v23 =	vmax.f32 v23, v22  }
0x339: {  	v18 =	vmul.f32 v26, v38;
	v23 =	vmax.f32 v23, v27  }
0x33a: {  	v23 =	vmax.f32 v23, v28  }
0x33b: {  	v23 =	vmax.f32 v23, v18  }
0x33c: {  	v16 =	vsub.f32 v41, v23  }
0x33d: {  	v19 =	vsub.f32 v42, v23  }
0x33e: {  	v16 =	vmul.f32 $1.442695020e+00, v16  }
0x33f: {  	v20 =	vsub.f32 v43, v23;
	v19 =	vmul.f32 $1.442695020e+00, v19  }
0x340: {  	(erf) = vpow2.f32 v16  }
0x341: {  	v45 =	vsub.f32 v22, v23;
	v44 =	vmul.f32 $1.442695020e+00, v20;
	(erf) = vpow2.f32 v19;
	_ =	sdelay $0x1  }
0x342: {  	v47 =	vsub.f32 v27, v23;
	v46 =	vmul.f32 $1.442695020e+00, v45;
	(erf) = vpow2.f32 v44;
	_ =	sdelay $0x1  }
0x343: {  	v49 =	vsub.f32 v28, v23;
	v48 =	vmul.f32 $1.442695020e+00, v47;
	(erf) = vpow2.f32 v46;
	_ =	sdelay $0x1  }
0x344: {  	v18 =	vsub.f32 v18, v23;
	v50 =	vmul.f32 $1.442695020e+00, v49;
	(erf) = vpow2.f32 v48  }
0x345: {  	v51 =	vor.u32 $0x100, v24  }
0x346: {  	v52 =	vor.u32 $0x100, v30;
	v54 =	vmul.f32 $1.442695020e+00, v18;
	v53 =	vpop (erf);
	(erf) = vpow2.f32 v50  }
0x347: {  	v55 =	vpop (erf)  }
0x348: {  	v56 =	vor.u32 $0x100, v32;
	(erf) = vpow2.f32 v54;
	v57 =	vadd.f32 v55, v53  }
0x349: {  	v34 =	vpop (erf)  }
0x34a: {  	v35 =	vor.u32 $0x100, v33;
	v18 =	vld.idx.msk [tilespmem:v51+s3+$0x0], $0xffff;
	v58 =	vadd.f32 v57, v34  }
0x34b: {  	v16 =	vld.idx.msk [tilespmem:v52+s3+$0x0], $0xffff;
	v59 =	vpop (erf)  }
0x34c: {  	v36 =	vor.u32 $0x100, v31;
	v60 =	vadd.f32 v58, v59  }
0x34d: {  	v19 =	vld.idx.msk [tilespmem:v56+s3+$0x0], $0xffff;
	v37 =	vpop (erf)  }
0x34e: {  	v61 =	vor.u32 $0x100, v25;
	v38 =	vadd.f32 v60, v37  }
0x34f: {  	v62 =	vor.u32 $0x100, v21;
	v20 =	vld.idx.msk [tilespmem:v35+s3+$0x0], $0xffff;
	v39 =	vpop (erf)  }
0x350: {  	v40 =	vmul.f32 v53, v18;
	v23 =	vmul.f32 v55, v16;
	v38 =	vadd.f32 v38, v39  }
0x351: {  	v22 =	vld.idx.msk [tilespmem:v36+s3+$0x0], $0xffff;
	v63 =	vpop (erf)  }
0x352: {  	v40 =	vadd.f32 v23, v40;
	v34 =	vmul.f32 v34, v19;
	v38 =	vadd.f32 v38, v63  }
0x353: {  	v23 =	vld.idx.msk [tilespmem:v61+s3+$0x0], $0xffff  }
0x354: {  	v28 =	vmul.f32 v20, v59;
	v34 =	vadd.f32 v40, v34;
	(erf) = vrcp.f32 v38  }
0x355: {  	v27 =	vld.idx.msk [tilespmem:v62+s3+$0x0], $0xffff  }
0x356: {  	v43 =	vmul.f32 v22, v37;
	v28 =	vadd.f32 v34, v28;
	_ =	sdelay $0x1  }
0x357: {  	v28 =	vadd.f32 v28, v43;
	v44 =	vmul.f32 v23, v39;
	_ =	sdelay $0x1  }
0x358: {  	v45 =	vmul.f32 v27, v63;
	v28 =	vadd.f32 v28, v44  }
0x359: {  	v46 =	vor.u32 $0x80, v29  }
0x35a: {  	v28 =	vadd.f32 v28, v45  }
0x35b: {  	v47 =	vpop (erf)  }
0x35c: {  	v34 =	vmul.f32 v47, v28  }
0x35d: {  	v24 =	vld.idx.msk [tilespmem:v24+s3+$0x0], $0xffff  }
0x35e: {  	v28 =	vld.idx.msk [tilespmem:v46+s3+$0x0], $0xffff;
	v34 =	vadd.f32 v34, v34;
	_ =	sdelay $0x1  }
0x35f: {  	v34 =	vmul.f32 $1.442695020e+00, v34;
	_ =	sdelay $0x1  }
0x360: {  	(erf) = vpow2.f32 v34  }
0x361: {  	v49 =	vmul.f32 v14, v24;
	v48 =	vmul.f32 v28, v24  }
0x362: {  	v50 =	vmul.f32 v17, v24  }
0x363: {  	v51 =	vmul.f32 v15, v24;
	v52 =	vmax.f32 v48, v49  }
0x364: {  	v53 =	vmul.f32 v13, v24;
	v38 =	vmax.f32 v52, v50  }
0x365: {  	v54 =	vmul.f32 v11, v24;
	v38 =	vmax.f32 v38, v51  }
0x366: {  	v24 =	vmul.f32 v26, v24;
	v38 =	vmax.f32 v38, v53  }
0x367: {  	v38 =	vmax.f32 v38, v54  }
0x368: {  	v38 =	vmax.f32 v38, v24  }
0x369: {  	v34 =	vsub.f32 v48, v38;
	v41 =	vpop (erf)  }
0x36a: {  	v35 =	vsub.f32 v49, v38;
	v41 =	vadd.f32 $1.000000000e+00, v41  }
0x36b: {  	v34 =	vmul.f32 $1.442695020e+00, v34  }
0x36c: {  	v36 =	vsub.f32 v50, v38;
	v35 =	vmul.f32 $1.442695020e+00, v35;
	(erf) = vrcp.f32 v41  }
0x36d: {  	(erf) = vpow2.f32 v34  }
0x36e: {  	v56 =	vsub.f32 v51, v38;
	v55 =	vmul.f32 $1.442695020e+00, v36;
	(erf) = vpow2.f32 v35;
	_ =	sdelay $0x1  }
0x36f: {  	v58 =	vsub.f32 v53, v38;
	v57 =	vmul.f32 $1.442695020e+00, v56;
	(erf) = vpow2.f32 v55;
	_ =	sdelay $0x1  }
0x370: {  	v60 =	vsub.f32 v54, v38;
	v59 =	vmul.f32 $1.442695020e+00, v58;
	(erf) = vpow2.f32 v57;
	_ =	sdelay $0x1  }
0x371: {  	v62 =	vsub.f32 v24, v38;
	v61 =	vmul.f32 $1.442695020e+00, v60;
	(erf) = vpow2.f32 v59  }
0x372: {  	v24 =	vpop (erf)  }
0x373: {  	v29 =	vor.u32 $0x100, v29;
	v44 =	vmul.f32 $1.442695020e+00, v62;
	v63 =	vpop (erf);
	(erf) = vpow2.f32 v61  }
0x374: {  	v45 =	vpop (erf)  }
0x375: {  	(erf) = vpow2.f32 v44;
	v46 =	vadd.f32 v45, v63  }
0x376: {  	v47 =	vpop (erf)  }
0x377: {  	v37 =	vadd.f32 v46, v47  }
0x378: {  	v29 =	vld.idx.msk [tilespmem:v29+s3+$0x0], $0xffff;
	v48 =	vpop (erf)  }
0x379: {  	v37 =	vadd.f32 v37, v48  }
0x37a: {  	v49 =	vpop (erf)  }
0x37b: {  	v37 =	vadd.f32 v37, v49  }
0x37c: {  	v50 =	vpop (erf)  }
0x37d: {  	v36 =	vmul.f32 v63, v29;
	v35 =	vmul.f32 v45, v16;
	v37 =	vadd.f32 v37, v50  }
0x37e: {  	v51 =	vpop (erf)  }
0x37f: {  	v34 =	vmul.f32 v47, v19;
	v35 =	vadd.f32 v35, v36;
	v52 =	vadd.f32 v37, v51;
	_ =	sdelay $0x1  }
0x380: {  	v53 =	vmul.f32 v20, v48;
	v34 =	vadd.f32 v35, v34;
	(erf) = vrcp.f32 v52;
	_ =	sdelay $0x1  }
0x381: {  	v54 =	vmul.f32 v22, v49;
	v34 =	vadd.f32 v34, v53;
	_ =	sdelay $0x1  }
0x382: {  	v34 =	vadd.f32 v34, v54;
	v55 =	vmul.f32 v23, v50;
	_ =	sdelay $0x1  }
0x383: {  	v56 =	vmul.f32 v27, v51;
	v34 =	vadd.f32 v34, v55;
	_ =	sdelay $0x1  }
0x384: {  	v34 =	vadd.f32 v34, v56  }
0x385: {  	v57 =	vpop (erf)  }
0x386: {  	v34 =	vmul.f32 v57, v34;
	_ =	sdelay $0x1  }
0x387: {  	v30 =	vld.idx.msk [tilespmem:v30+s3+$0x0], $0xffff;
	v34 =	vadd.f32 v34, v34;
	_ =	sdelay $0x1  }
0x388: {  	v34 =	vmul.f32 $1.442695020e+00, v34;
	_ =	sdelay $0x1  }
0x389: {  	(erf) = vpow2.f32 v34  }
0x38a: {  	v58 =	vmul.f32 v28, v30;
	v59 =	vmul.f32 v12, v30  }
0x38b: {  	v60 =	vmul.f32 v17, v30  }
0x38c: {  	v62 =	vmax.f32 v58, v59;
	v61 =	vmul.f32 v15, v30  }
0x38d: {  	v38 =	vmax.f32 v62, v60;
	v63 =	vmul.f32 v13, v30  }
0x38e: {  	v44 =	vmul.f32 v11, v30;
	v38 =	vmax.f32 v38, v61  }
0x38f: {  	v30 =	vmul.f32 v26, v30;
	v38 =	vmax.f32 v38, v63  }
0x390: {  	v38 =	vmax.f32 v38, v44  }
0x391: {  	v38 =	vmax.f32 v38, v30  }
0x392: {  	v34 =	vsub.f32 v58, v38;
	v45 =	vpop (erf)  }
0x393: {  	v35 =	vsub.f32 v59, v38;
	v41 =	vadd.f32 $1.000000000e+00, v45  }
0x394: {  	v34 =	vmul.f32 $1.442695020e+00, v34  }
0x395: {  	v36 =	vsub.f32 v60, v38;
	v35 =	vmul.f32 $1.442695020e+00, v35;
	(erf) = vrcp.f32 v41  }
0x396: {  	(erf) = vpow2.f32 v34  }
0x397: {  	v47 =	vsub.f32 v61, v38;
	v46 =	vmul.f32 $1.442695020e+00, v36;
	(erf) = vpow2.f32 v35;
	_ =	sdelay $0x1  }
0x398: {  	v49 =	vsub.f32 v63, v38;
	v48 =	vmul.f32 $1.442695020e+00, v47;
	(erf) = vpow2.f32 v46;
	_ =	sdelay $0x1  }
0x399: {  	v50 =	vmul.f32 $1.442695020e+00, v49;
	v51 =	vsub.f32 v44, v38;
	(erf) = vpow2.f32 v48;
	_ =	sdelay $0x1  }
0x39a: {  	v53 =	vsub.f32 v30, v38;
	v52 =	vmul.f32 $1.442695020e+00, v51;
	(erf) = vpow2.f32 v50  }
0x39b: {  	v30 =	vpop (erf)  }
0x39c: {  	v55 =	vmul.f32 $1.442695020e+00, v53;
	v54 =	vpop (erf);
	(erf) = vpow2.f32 v52  }
0x39d: {  	v56 =	vpop (erf)  }
0x39e: {  	(erf) = vpow2.f32 v55;
	v57 =	vadd.f32 v56, v54  }
0x39f: {  	v58 =	vpop (erf)  }
0x3a0: {  	v37 =	vadd.f32 v57, v58  }
0x3a1: {  	v59 =	vpop (erf)  }
0x3a2: {  	v37 =	vadd.f32 v37, v59  }
0x3a3: {  	v60 =	vpop (erf)  }
0x3a4: {  	v37 =	vadd.f32 v37, v60  }
0x3a5: {  	v61 =	vpop (erf)  }
0x3a6: {  	v36 =	vmul.f32 v54, v29;
	v35 =	vmul.f32 v56, v18;
	v37 =	vadd.f32 v37, v61  }
0x3a7: {  	v62 =	vpop (erf)  }
0x3a8: {  	v34 =	vmul.f32 v58, v19;
	v35 =	vadd.f32 v35, v36;
	v63 =	vadd.f32 v37, v62;
	_ =	sdelay $0x1  }
0x3a9: {  	v42 =	vmul.f32 v20, v59;
	v34 =	vadd.f32 v35, v34;
	(erf) = vrcp.f32 v63;
	_ =	sdelay $0x1  }
0x3aa: {  	v43 =	vmul.f32 v22, v60;
	v34 =	vadd.f32 v34, v42;
	_ =	sdelay $0x1  }
0x3ab: {  	v34 =	vadd.f32 v34, v43;
	v44 =	vmul.f32 v23, v61;
	_ =	sdelay $0x1  }
0x3ac: {  	v45 =	vmul.f32 v27, v62;
	v34 =	vadd.f32 v34, v44;
	_ =	sdelay $0x1  }
0x3ad: {  	v34 =	vadd.f32 v34, v45  }
0x3ae: {  	v46 =	vpop (erf)  }
0x3af: {  	v34 =	vmul.f32 v46, v34;
	_ =	sdelay $0x1  }
0x3b0: {  	v32 =	vld.idx.msk [tilespmem:v32+s3+$0x0], $0xffff;
	v34 =	vadd.f32 v34, v34;
	_ =	sdelay $0x1  }
0x3b1: {  	v34 =	vmul.f32 $1.442695020e+00, v34;
	_ =	sdelay $0x1  }
0x3b2: {  	(erf) = vpow2.f32 v34  }
0x3b3: {  	v47 =	vmul.f32 v28, v32;
	v48 =	vmul.f32 v12, v32  }
0x3b4: {  	v49 =	vmul.f32 v14, v32  }
0x3b5: {  	v50 =	vmul.f32 v15, v32;
	v51 =	vmax.f32 v47, v48  }
0x3b6: {  	v38 =	vmax.f32 v51, v49;
	v52 =	vmul.f32 v13, v32  }
0x3b7: {  	v53 =	vmul.f32 v11, v32;
	v38 =	vmax.f32 v38, v50  }
0x3b8: {  	v32 =	vmul.f32 v26, v32;
	v38 =	vmax.f32 v38, v52  }
0x3b9: {  	v38 =	vmax.f32 v38, v53  }
0x3ba: {  	v38 =	vmax.f32 v38, v32  }
0x3bb: {  	v34 =	vsub.f32 v47, v38;
	v54 =	vpop (erf)  }
0x3bc: {  	v35 =	vsub.f32 v48, v38;
	v41 =	vadd.f32 $1.000000000e+00, v54  }
0x3bd: {  	v34 =	vmul.f32 $1.442695020e+00, v34  }
0x3be: {  	v36 =	vsub.f32 v49, v38;
	v35 =	vmul.f32 $1.442695020e+00, v35;
	(erf) = vrcp.f32 v41  }
0x3bf: {  	(erf) = vpow2.f32 v34  }
0x3c0: {  	v56 =	vsub.f32 v50, v38;
	v55 =	vmul.f32 $1.442695020e+00, v36;
	(erf) = vpow2.f32 v35;
	_ =	sdelay $0x1  }
0x3c1: {  	v58 =	vsub.f32 v52, v38;
	v57 =	vmul.f32 $1.442695020e+00, v56;
	(erf) = vpow2.f32 v55;
	_ =	sdelay $0x1  }
0x3c2: {  	v59 =	vmul.f32 $1.442695020e+00, v58;
	v60 =	vsub.f32 v53, v38;
	(erf) = vpow2.f32 v57;
	_ =	sdelay $0x1  }
0x3c3: {  	v61 =	vmul.f32 $1.442695020e+00, v60;
	v62 =	vsub.f32 v32, v38;
	(erf) = vpow2.f32 v59  }
0x3c4: {  	v32 =	vpop (erf)  }
0x3c5: {  	v44 =	vmul.f32 $1.442695020e+00, v62;
	v63 =	vpop (erf);
	(erf) = vpow2.f32 v61  }
0x3c6: {  	v45 =	vpop (erf)  }
0x3c7: {  	(erf) = vpow2.f32 v44;
	v46 =	vadd.f32 v45, v63  }
0x3c8: {  	v47 =	vpop (erf)  }
0x3c9: {  	v37 =	vadd.f32 v46, v47  }
0x3ca: {  	v48 =	vpop (erf)  }
0x3cb: {  	v37 =	vadd.f32 v37, v48  }
0x3cc: {  	v49 =	vpop (erf)  }
0x3cd: {  	v37 =	vadd.f32 v37, v49  }
0x3ce: {  	v50 =	vpop (erf)  }
0x3cf: {  	v36 =	vmul.f32 v63, v29;
	v35 =	vmul.f32 v45, v18;
	v37 =	vadd.f32 v37, v50  }
0x3d0: {  	v51 =	vpop (erf)  }
0x3d1: {  	v34 =	vmul.f32 v47, v16;
	v35 =	vadd.f32 v35, v36;
	v52 =	vadd.f32 v37, v51;
	_ =	sdelay $0x1  }
0x3d2: {  	v53 =	vmul.f32 v20, v48;
	v34 =	vadd.f32 v35, v34;
	(erf) = vrcp.f32 v52;
	_ =	sdelay $0x1  }
0x3d3: {  	v54 =	vmul.f32 v22, v49;
	v34 =	vadd.f32 v34, v53;
	_ =	sdelay $0x1  }
0x3d4: {  	v34 =	vadd.f32 v34, v54;
	v55 =	vmul.f32 v23, v50;
	_ =	sdelay $0x1  }
0x3d5: {  	v56 =	vmul.f32 v27, v51;
	v34 =	vadd.f32 v34, v55;
	_ =	sdelay $0x1  }
0x3d6: {  	v34 =	vadd.f32 v34, v56  }
0x3d7: {  	v57 =	vpop (erf)  }
0x3d8: {  	v34 =	vmul.f32 v57, v34;
	_ =	sdelay $0x1  }
0x3d9: {  	v33 =	vld.idx.msk [tilespmem:v33+s3+$0x0], $0xffff;
	v34 =	vadd.f32 v34, v34;
	_ =	sdelay $0x1  }
0x3da: {  	v34 =	vmul.f32 $1.442695020e+00, v34;
	_ =	sdelay $0x1  }
0x3db: {  	(erf) = vpow2.f32 v34  }
0x3dc: {  	v58 =	vmul.f32 v28, v33;
	v59 =	vmul.f32 v12, v33  }
0x3dd: {  	v60 =	vmul.f32 v14, v33  }
0x3de: {  	v62 =	vmax.f32 v58, v59;
	v61 =	vmul.f32 v17, v33  }
0x3df: {  	v38 =	vmax.f32 v62, v60;
	v63 =	vmul.f32 v13, v33  }
0x3e0: {  	v44 =	vmul.f32 v11, v33;
	v38 =	vmax.f32 v38, v61  }
0x3e1: {  	v33 =	vmul.f32 v26, v33;
	v38 =	vmax.f32 v38, v63  }
0x3e2: {  	v38 =	vmax.f32 v38, v44  }
0x3e3: {  	v38 =	vmax.f32 v38, v33  }
0x3e4: {  	v34 =	vsub.f32 v58, v38;
	v45 =	vpop (erf)  }
0x3e5: {  	v35 =	vsub.f32 v59, v38;
	v41 =	vadd.f32 $1.000000000e+00, v45  }
0x3e6: {  	v34 =	vmul.f32 $1.442695020e+00, v34  }
0x3e7: {  	v36 =	vsub.f32 v60, v38;
	v35 =	vmul.f32 $1.442695020e+00, v35;
	(erf) = vrcp.f32 v41  }
0x3e8: {  	(erf) = vpow2.f32 v34  }
0x3e9: {  	v47 =	vsub.f32 v61, v38;
	v46 =	vmul.f32 $1.442695020e+00, v36;
	(erf) = vpow2.f32 v35;
	_ =	sdelay $0x1  }
0x3ea: {  	v49 =	vsub.f32 v63, v38;
	v48 =	vmul.f32 $1.442695020e+00, v47;
	(erf) = vpow2.f32 v46;
	_ =	sdelay $0x1  }
0x3eb: {  	v50 =	vmul.f32 $1.442695020e+00, v49;
	v51 =	vsub.f32 v44, v38;
	(erf) = vpow2.f32 v48;
	_ =	sdelay $0x1  }
0x3ec: {  	v53 =	vsub.f32 v33, v38;
	v52 =	vmul.f32 $1.442695020e+00, v51;
	(erf) = vpow2.f32 v50  }
0x3ed: {  	v33 =	vpop (erf)  }
0x3ee: {  	v55 =	vmul.f32 $1.442695020e+00, v53;
	v54 =	vpop (erf);
	(erf) = vpow2.f32 v52  }
0x3ef: {  	v56 =	vpop (erf)  }
0x3f0: {  	(erf) = vpow2.f32 v55;
	v57 =	vadd.f32 v56, v54  }
0x3f1: {  	v58 =	vpop (erf)  }
0x3f2: {  	v37 =	vadd.f32 v57, v58  }
0x3f3: {  	v59 =	vpop (erf)  }
0x3f4: {  	v37 =	vadd.f32 v37, v59  }
0x3f5: {  	v60 =	vpop (erf)  }
0x3f6: {  	v37 =	vadd.f32 v37, v60  }
0x3f7: {  	v61 =	vpop (erf)  }
0x3f8: {  	v36 =	vmul.f32 v54, v29;
	v35 =	vmul.f32 v56, v18;
	v37 =	vadd.f32 v37, v61  }
0x3f9: {  	v62 =	vpop (erf)  }
0x3fa: {  	v34 =	vmul.f32 v58, v16;
	v35 =	vadd.f32 v35, v36;
	v63 =	vadd.f32 v37, v62;
	_ =	sdelay $0x1  }
0x3fb: {  	v42 =	vmul.f32 v59, v19;
	v34 =	vadd.f32 v35, v34;
	(erf) = vrcp.f32 v63;
	_ =	sdelay $0x1  }
0x3fc: {  	v43 =	vmul.f32 v22, v60;
	v34 =	vadd.f32 v34, v42;
	_ =	sdelay $0x1  }
0x3fd: {  	v34 =	vadd.f32 v34, v43;
	v44 =	vmul.f32 v23, v61;
	_ =	sdelay $0x1  }
0x3fe: {  	v45 =	vmul.f32 v27, v62;
	v34 =	vadd.f32 v34, v44;
	_ =	sdelay $0x1  }
0x3ff: {  	v34 =	vadd.f32 v34, v45  }
0x400: {  	v46 =	vpop (erf)  }
0x401: {  	v34 =	vmul.f32 v46, v34;
	_ =	sdelay $0x1  }
0x402: {  	v31 =	vld.idx.msk [tilespmem:v31+s3+$0x0], $0xffff;
	v34 =	vadd.f32 v34, v34;
	_ =	sdelay $0x1  }
0x403: {  	v34 =	vmul.f32 $1.442695020e+00, v34;
	_ =	sdelay $0x1  }
0x404: {  	(erf) = vpow2.f32 v34  }
0x405: {  	v47 =	vmul.f32 v28, v31;
	v48 =	vmul.f32 v12, v31  }
0x406: {  	v49 =	vmul.f32 v14, v31  }
0x407: {  	v50 =	vmul.f32 v17, v31;
	v51 =	vmax.f32 v47, v48  }
0x408: {  	v38 =	vmax.f32 v51, v49;
	v52 =	vmul.f32 v15, v31  }
0x409: {  	v53 =	vmul.f32 v11, v31;
	v38 =	vmax.f32 v38, v50  }
0x40a: {  	v31 =	vmul.f32 v26, v31;
	v38 =	vmax.f32 v38, v52  }
0x40b: {  	v38 =	vmax.f32 v38, v53  }
0x40c: {  	v38 =	vmax.f32 v38, v31  }
0x40d: {  	v34 =	vsub.f32 v47, v38;
	v54 =	vpop (erf)  }
0x40e: {  	v35 =	vsub.f32 v48, v38;
	v41 =	vadd.f32 $1.000000000e+00, v54  }
0x40f: {  	v34 =	vmul.f32 $1.442695020e+00, v34  }
0x410: {  	v36 =	vsub.f32 v49, v38;
	v35 =	vmul.f32 $1.442695020e+00, v35;
	(erf) = vrcp.f32 v41  }
0x411: {  	(erf) = vpow2.f32 v34  }
0x412: {  	v56 =	vsub.f32 v50, v38;
	v55 =	vmul.f32 $1.442695020e+00, v36;
	(erf) = vpow2.f32 v35;
	_ =	sdelay $0x1  }
0x413: {  	v58 =	vsub.f32 v52, v38;
	v57 =	vmul.f32 $1.442695020e+00, v56;
	(erf) = vpow2.f32 v55;
	_ =	sdelay $0x1  }
0x414: {  	v59 =	vmul.f32 $1.442695020e+00, v58;
	v60 =	vsub.f32 v53, v38;
	(erf) = vpow2.f32 v57;
	_ =	sdelay $0x1  }
0x415: {  	v61 =	vmul.f32 $1.442695020e+00, v60;
	v62 =	vsub.f32 v31, v38;
	(erf) = vpow2.f32 v59  }
0x416: {  	v31 =	vpop (erf)  }
0x417: {  	v43 =	vmul.f32 $1.442695020e+00, v62;
	v63 =	vpop (erf);
	(erf) = vpow2.f32 v61  }
0x418: {  	v44 =	vpop (erf)  }
0x419: {  	(erf) = vpow2.f32 v43;
	v45 =	vadd.f32 v44, v63  }
0x41a: {  	v46 =	vpop (erf)  }
0x41b: {  	v37 =	vadd.f32 v45, v46  }
0x41c: {  	v47 =	vpop (erf)  }
0x41d: {  	v37 =	vadd.f32 v37, v47  }
0x41e: {  	v48 =	vpop (erf)  }
0x41f: {  	v37 =	vadd.f32 v37, v48  }
0x420: {  	v49 =	vpop (erf)  }
0x421: {  	v36 =	vmul.f32 v63, v29;
	v35 =	vmul.f32 v44, v18;
	v37 =	vadd.f32 v37, v49  }
0x422: {  	v50 =	vpop (erf)  }
0x423: {  	v34 =	vmul.f32 v46, v16;
	v35 =	vadd.f32 v35, v36;
	v51 =	vadd.f32 v37, v50;
	_ =	sdelay $0x1  }
0x424: {  	v52 =	vmul.f32 v47, v19;
	v34 =	vadd.f32 v35, v34;
	(erf) = vrcp.f32 v51;
	_ =	sdelay $0x1  }
0x425: {  	v53 =	vmul.f32 v20, v48;
	v34 =	vadd.f32 v34, v52;
	_ =	sdelay $0x1  }
0x426: {  	v34 =	vadd.f32 v34, v53;
	v54 =	vmul.f32 v23, v49;
	_ =	sdelay $0x1  }
0x427: {  	v55 =	vmul.f32 v27, v50;
	v34 =	vadd.f32 v34, v54;
	_ =	sdelay $0x1  }
0x428: {  	v34 =	vadd.f32 v34, v55  }
0x429: {  	v56 =	vpop (erf)  }
0x42a: {  	v34 =	vmul.f32 v56, v34;
	_ =	sdelay $0x1  }
0x42b: {  	v25 =	vld.idx.msk [tilespmem:v25+s3+$0x0], $0xffff;
	v34 =	vadd.f32 v34, v34;
	_ =	sdelay $0x1  }
0x42c: {  	v34 =	vmul.f32 $1.442695020e+00, v34;
	_ =	sdelay $0x1  }
0x42d: {  	(erf) = vpow2.f32 v34  }
0x42e: {  	v58 =	vmul.f32 v12, v25;
	v57 =	vmul.f32 v28, v25  }
0x42f: {  	v59 =	vmul.f32 v14, v25  }
0x430: {  	v60 =	vmul.f32 v17, v25;
	v61 =	vmax.f32 v57, v58  }
0x431: {  	v62 =	vmul.f32 v15, v25;
	v38 =	vmax.f32 v61, v59  }
0x432: {  	v63 =	vmul.f32 v13, v25;
	v38 =	vmax.f32 v38, v60  }
0x433: {  	v25 =	vmul.f32 v26, v25;
	v38 =	vmax.f32 v38, v62  }
0x434: {  	v26 =	vmax.f32 v38, v63  }
0x435: {  	v26 =	vmax.f32 v26, v25  }
0x436: {  	v34 =	vsub.f32 v57, v26;
	v41 =	vpop (erf)  }
0x437: {  	v35 =	vsub.f32 v58, v26;
	v38 =	vadd.f32 $1.000000000e+00, v41  }
0x438: {  	v34 =	vmul.f32 $1.442695020e+00, v34  }
0x439: {  	v36 =	vsub.f32 v59, v26;
	v35 =	vmul.f32 $1.442695020e+00, v35;
	(erf) = vrcp.f32 v38  }
0x43a: {  	(erf) = vpow2.f32 v34  }
0x43b: {  	v43 =	vsub.f32 v60, v26;
	v42 =	vmul.f32 $1.442695020e+00, v36;
	(erf) = vpow2.f32 v35;
	_ =	sdelay $0x1  }
0x43c: {  	v45 =	vsub.f32 v62, v26;
	v44 =	vmul.f32 $1.442695020e+00, v43;
	(erf) = vpow2.f32 v42;
	_ =	sdelay $0x1  }
0x43d: {  	v47 =	vsub.f32 v63, v26;
	v46 =	vmul.f32 $1.442695020e+00, v45;
	(erf) = vpow2.f32 v44;
	_ =	sdelay $0x1  }
0x43e: {  	v25 =	vsub.f32 v25, v26;
	v48 =	vmul.f32 $1.442695020e+00, v47;
	(erf) = vpow2.f32 v46  }
0x43f: {  	v26 =	vpop (erf)  }
0x440: {  	v25 =	vmul.f32 $1.442695020e+00, v25;
	v49 =	vpop (erf);
	(erf) = vpow2.f32 v48  }
0x441: {  	v50 =	vpop (erf)  }
0x442: {  	(erf) = vpow2.f32 v25;
	v51 =	vadd.f32 v50, v49  }
0x443: {  	v52 =	vpop (erf)  }
0x444: {  	v36 =	vadd.f32 v51, v52  }
0x445: {  	v53 =	vpop (erf)  }
0x446: {  	v36 =	vadd.f32 v36, v53  }
0x447: {  	v54 =	vpop (erf)  }
0x448: {  	v36 =	vadd.f32 v36, v54  }
0x449: {  	v55 =	vpop (erf)  }
0x44a: {  	v35 =	vmul.f32 v49, v29;
	v34 =	vmul.f32 v50, v18;
	v36 =	vadd.f32 v36, v55  }
0x44b: {  	v56 =	vpop (erf)  }
0x44c: {  	v25 =	vmul.f32 v52, v16;
	v34 =	vadd.f32 v34, v35;
	v57 =	vadd.f32 v36, v56;
	_ =	sdelay $0x1  }
0x44d: {  	v58 =	vmul.f32 v53, v19;
	v25 =	vadd.f32 v34, v25;
	(erf) = vrcp.f32 v57;
	_ =	sdelay $0x1  }
0x44e: {  	v59 =	vmul.f32 v20, v54;
	v25 =	vadd.f32 v25, v58;
	_ =	sdelay $0x1  }
0x44f: {  	v25 =	vadd.f32 v25, v59;
	v60 =	vmul.f32 v22, v55;
	_ =	sdelay $0x1  }
0x450: {  	v27 =	vmul.f32 v27, v56;
	v25 =	vadd.f32 v25, v60;
	_ =	sdelay $0x1  }
0x451: {  	v25 =	vadd.f32 v25, v27  }
0x452: {  	v61 =	vpop (erf)  }
0x453: {  	v25 =	vmul.f32 v61, v25;
	_ =	sdelay $0x1  }
0x454: {  	v21 =	vld.idx.msk [tilespmem:v21+s3+$0x0], $0xffff;
	v25 =	vadd.f32 v25, v25;
	_ =	sdelay $0x1  }
0x455: {  	v25 =	vmul.f32 $1.442695020e+00, v25;
	_ =	sdelay $0x1  }
0x456: {  	(erf) = vpow2.f32 v25  }
0x457: {  	v12 =	vmul.f32 v12, v21;
	v62 =	vmul.f32 v28, v21  }
0x458: {  	v14 =	vmul.f32 v14, v21  }
0x459: {  	v17 =	vmul.f32 v17, v21;
	v63 =	vmax.f32 v62, v12  }
0x45a: {  	v15 =	vmul.f32 v15, v21;
	v27 =	vmax.f32 v63, v14  }
0x45b: {  	v13 =	vmul.f32 v13, v21;
	v27 =	vmax.f32 v27, v17  }
0x45c: {  	v11 =	vmul.f32 v11, v21;
	v28 =	vmax.f32 v27, v15  }
0x45d: {  	v21 =	vmax.f32 v28, v13  }
0x45e: {  	v21 =	vmax.f32 v21, v11  }
0x45f: {  	v25 =	vsub.f32 v62, v21;
	v34 =	vpop (erf)  }
0x460: {  	v12 =	vsub.f32 v12, v21;
	v27 =	vadd.f32 $1.000000000e+00, v34  }
0x461: {  	v25 =	vmul.f32 $1.442695020e+00, v25  }
0x462: {  	v14 =	vsub.f32 v14, v21;
	v12 =	vmul.f32 $1.442695020e+00, v12;
	(erf) = vrcp.f32 v27  }
0x463: {  	(erf) = vpow2.f32 v25  }
0x464: {  	v36 =	vsub.f32 v17, v21;
	v35 =	vmul.f32 $1.442695020e+00, v14;
	(erf) = vpow2.f32 v12;
	_ =	sdelay $0x1  }
0x465: {  	v38 =	vsub.f32 v15, v21;
	v37 =	vmul.f32 $1.442695020e+00, v36;
	(erf) = vpow2.f32 v35;
	_ =	sdelay $0x1  }
0x466: {  	v13 =	vsub.f32 v13, v21;
	v39 =	vmul.f32 $1.442695020e+00, v38;
	(erf) = vpow2.f32 v37  }
0x467: {  	v11 =	vsub.f32 v11, v21  }
0x468: {  	v40 =	vmul.f32 $1.442695020e+00, v13;
	(erf) = vpow2.f32 v39  }
0x469: {  	v11 =	vmul.f32 $1.442695020e+00, v11;
	v41 =	vpop (erf)  }
0x46a: {  	(erf) = vpow2.f32 v40;
	v42 =	vpop (erf)  }
0x46b: {  	v43 =	vpop (erf)  }
0x46c: {  	(erf) = vpow2.f32 v11;
	v44 =	vadd.f32 v43, v42  }
0x46d: {  	v11 =	vpop (erf)  }
0x46e: {  	v15 =	vadd.f32 v44, v11  }
0x46f: {  	v45 =	vpop (erf)  }
0x470: {  	v15 =	vadd.f32 v15, v45  }
0x471: {  	v46 =	vpop (erf)  }
0x472: {  	v15 =	vadd.f32 v15, v46  }
0x473: {  	v47 =	vpop (erf)  }
0x474: {  	v14 =	vmul.f32 v42, v29;
	v12 =	vmul.f32 v43, v18;
	v15 =	vadd.f32 v15, v47  }
0x475: {  	v48 =	vpop (erf)  }
0x476: {  	v12 =	vadd.f32 v12, v14;
	v11 =	vmul.f32 v11, v16;
	v49 =	vadd.f32 v15, v48;
	_ =	sdelay $0x1  }
0x477: {  	v50 =	vmul.f32 v19, v45;
	v11 =	vadd.f32 v12, v11;
	(erf) = vrcp.f32 v49;
	_ =	sdelay $0x1  }
0x478: {  	v51 =	vmul.f32 v20, v46;
	v11 =	vadd.f32 v11, v50;
	_ =	sdelay $0x1  }
0x479: {  	v52 =	vmul.f32 v22, v47;
	v11 =	vadd.f32 v11, v51;
	_ =	sdelay $0x1  }
0x47a: {  	v53 =	vmul.f32 v23, v48;
	v11 =	vadd.f32 v11, v52;
	_ =	sdelay $0x1  }
0x47b: {  	v11 =	vadd.f32 v11, v53  }
0x47c: {  	v54 =	vpop (erf)  }
0x47d: {  	v11 =	vmul.f32 v54, v11;
	_ =	sdelay $0x1  }
0x47e: {  	v11 =	vadd.f32 v11, v11;
	_ =	sdelay $0x1  }
0x47f: {  	v11 =	vmul.f32 $1.442695020e+00, v11;
	_ =	sdelay $0x1  }
0x480: {  	(erf) = vpow2.f32 v11;
	_ =	sdelay $0x8  }
0x481: {  	v11 =	vpop (erf)  }
0x482: {  	v11 =	vadd.f32 $1.000000000e+00, v11;
	_ =	sdelay $0x1  }
0x483: {  	(erf) = vrcp.f32 v11;
	_ =	sdelay $0x2  }
0x484: {  	v11 =	vadd.f32 v24, v24  }
0x485: {  	v57 =	vadd.f32 v33, v33  }
0x486: {  	v56 =	vadd.f32 v32, v32;
	v11 =	vsub.f32 $1.000000000e+00, v11  }
0x487: {  	v60 =	vadd.f32 v26, v26;
	v59 =	vsub.f32 $1.000000000e+00, v57  }
0x488: {  	v58 =	vadd.f32 v31, v31;
	[tilespmem:$0x1C200] =	vst v11;
	v11 =	vsub.f32 $1.000000000e+00, v56  }
0x489: {  	v55 =	vadd.f32 v30, v30;
	[tilespmem:$0x1C230] =	vst v59;
	v62 =	vsub.f32 $1.000000000e+00, v60  }
0x48a: {  	v13 =	vadd.f32 v41, v41;
	[tilespmem:$0x1C220] =	vst v11;
	v11 =	vsub.f32 $1.000000000e+00, v58;
	v61 =	vpop (erf)  }
0x48b: {  	[tilespmem:$0x1C250] =	vst v62;
	v12 =	vsub.f32 $1.000000000e+00, v55;
	v14 =	vadd.f32 v61, v61  }
0x48c: {  	[tilespmem:$0x1C240] =	vst v11;
	v11 =	vsub.f32 $1.000000000e+00, v13  }
0x48d: {  	[tilespmem:$0x1C210] =	vst v12;
	v63 =	vsub.f32 $1.000000000e+00, v14  }
0x48e: {  	[tilespmem:$0x1C260] =	vst v11  }
0x48f: {  	[tilespmem:$0x1C270] =	vst v63  }
0x490: {  	_ =	swait.ge [sflag:s18], $0x8000  }
0x491: {  	[sflag:s18] =	ssyncset.done $0x0  }
0x492: {  	s0 =	simm.s32 @!p0 $0x4;
	[sflag:s18] =	ssyncadd.s32 $0xFFFF8000  }
0x493: {  	_ =	swait.ge @!p0 [sflag:s0], $0x1000  }
0x494: {  	[sflag:s0] =	ssyncset.done @!p0 $0x0  }
0x495: {  	s23 =	simm.s32 $0x0;
	s24 =	simm.s32 $0x0;
	[sflag:s0] =	ssyncadd.s32 @!p0 $0xFFFFF000  }
.LBB2_9:
0x496: {  	v11 =	vmov s24  }
0x497: {  	s0 =	sshll.u32 s24, $0xB  }
0x498: {  	s0 =	sand.u32 $0x3FFFF800, s0  }
0x499: {  	s11 =	sand.u32 $0x40, s23;
	s4 =	sand.u32 $0x400, s23;
	s25 =	sadd.s32 $0x12200, s0  }
0x49a: {  	s2 =	sor.u32 $0x30, s11;
	s5 =	sadd.s32 s4, s25  }
0x49b: {  	s10 =	sadd.s32 s2, s5;
	v12 =	vld.idx.msk [tilespmem:v11+s16+$0x0], $0xffff  }
0x49c: {  	s29 =	sadd.s32 s11, s5;
	v20 =	vld [tilespmem:s10+$0x80]  }
0x49d: {  	v21 =	vld [tilespmem:s29+$0x0]  }
0x49e: {  	v22 =	vld [tilespmem:s10+$0x100]  }
0x49f: {  	s7 =	sor.u32 $0x10, s11;
	v23 =	vld [tilespmem:s29+$0x80]  }
0x4a0: {  	v13 =	vor.u32 $0x10, v11;
	s26 =	sadd.s32 s7, s5;
	v24 =	vld [tilespmem:s10+$0x180]  }
0x4a1: {  	v16 =	vor.u32 $0x30, v11;
	v25 =	vld [tilespmem:s26+$0x0]  }
0x4a2: {  	v19 =	vor.u32 $0x50, v11;
	v26 =	vld [tilespmem:s10+$0x200]  }
0x4a3: {  	v27 =	vld [tilespmem:s26+$0x80]  }
0x4a4: {  	v28 =	vld [tilespmem:s10+$0x280]  }
0x4a5: {  	v15 =	vor.u32 $0x20, v11;
	v14 =	vld.idx.msk [tilespmem:v13+s16+$0x0], $0xffff  }
0x4a6: {  	v17 =	vld.idx.msk [tilespmem:v16+s16+$0x0], $0xffff  }
0x4a7: {  	s9 =	sor.u32 $0x20, s11;
	v16 =	vld.idx.msk [tilespmem:v19+s16+$0x0], $0xffff  }
0x4a8: {  	s28 =	sadd.s32 s9, s5;
	v19 =	vld [tilespmem:s10+$0x0]  }
0x4a9: {  	v18 =	vor.u32 $0x40, v11;
	v29 =	vld [tilespmem:s28+$0x0]  }
0x4aa: {  	v15 =	vld.idx.msk [tilespmem:v15+s16+$0x0], $0xffff  }
0x4ab: {  	v30 =	vld [tilespmem:s10+$0x300]  }
0x4ac: {  	v31 =	vld [tilespmem:s10+$0x380];
	v13 =	vor.u32 $0x60, v11  }
0x4ad: {  	v32 =	vld [tilespmem:s26+$0x100];
	v19 =	vmul.f32 v19, v12;
	v20 =	vmul.f32 v20, v14  }
0x4ae: {  	v18 =	vld.idx.msk [tilespmem:v18+s16+$0x0], $0xffff  }
0x4af: {  	v33 =	vld [tilespmem:s29+$0x180];
	v19 =	vadd.f32 v20, v19;
	v20 =	vmul.f32 v22, v15  }
0x4b0: {  	v63 =	vld [tilespmem:s26+$0x200];
	v11 =	vor.u32 $0x70, v11  }
0x4b1: {  	v13 =	vld.idx.msk [tilespmem:v13+s16+$0x0], $0xffff;
	v19 =	vadd.f32 v20, v19;
	v20 =	vmul.f32 v24, v17  }
0x4b2: {  	v22 =	vld [tilespmem:s28+$0x80]  }
0x4b3: {  	v24 =	vld [tilespmem:s29+$0x100];
	v19 =	vadd.f32 v20, v19;
	v20 =	vmul.f32 v26, v18  }
0x4b4: {  	v21 =	vmul.f32 v21, v12;
	v23 =	vmul.f32 v23, v14;
	v26 =	vld [tilespmem:s28+$0x100]  }
0x4b5: {  	v25 =	vmul.f32 v25, v12;
	v11 =	vld.idx.msk [tilespmem:v11+s16+$0x0], $0xffff;
	v19 =	vadd.f32 v20, v19;
	v20 =	vmul.f32 v28, v16  }
0x4b6: {  	v21 =	vadd.f32 v23, v21;
	v23 =	vmul.f32 v27, v14;
	v27 =	vmul.f32 v29, v12;
	v28 =	vld [tilespmem:s26+$0x180]  }
0x4b7: {  	v29 =	vld [tilespmem:s28+$0x180];
	v22 =	vmul.f32 v22, v14;
	v19 =	vadd.f32 v20, v19;
	v20 =	vmul.f32 v30, v13  }
0x4b8: {  	v23 =	vadd.f32 v23, v25;
	v25 =	vmul.f32 v32, v15;
	v24 =	vmul.f32 v24, v15;
	v30 =	vld [tilespmem:s29+$0x200]  }
0x4b9: {  	s12 =	sshll.u32 s24, $0x8;
	s13 =	sshll.u32 s24, $0x7;
	v20 =	vadd.f32 v20, v19;
	v19 =	vadd.f32 v22, v27;
	v22 =	vmul.f32 v26, v15;
	v27 =	vld [tilespmem:s28+$0x200]  }
0x4ba: {  	s5 =	sand.u32 $0x800, s12;
	s10 =	sand.u32 $0x380, s13;
	v23 =	vadd.f32 v25, v23;
	v25 =	vld [tilespmem:s29+$0x280];
	v21 =	vadd.f32 v24, v21;
	v24 =	vmul.f32 v33, v17  }
0x4bb: {  	s5 =	sor.u32 s10, s5;
	v26 =	vmul.f32 v31, v11;
	v28 =	vmul.f32 v28, v17;
	v22 =	vadd.f32 v22, v19;
	v19 =	vld [tilespmem:s26+$0x280]  }
0x4bc: {  	s30 =	sadd.s32 $0x1B200, s5;
	v32 =	vmul.f32 v63, v18;
	v29 =	vmul.f32 v29, v17;
	v24 =	vadd.f32 v24, v21;
	v21 =	vld [tilespmem:s28+$0x280]  }
0x4bd: {  	s31 =	simm.s32 $0x0;
	s14 =	sadd.s32 s4, s30;
	v31 =	vadd.f32 v26, v20;
	v20 =	vld [tilespmem:s29+$0x300];
	v30 =	vmul.f32 v30, v18;
	v23 =	vadd.f32 v28, v23  }
0x4be: {  	s0 =	simm.s32 $0x40;
	s5 =	sadd.s32 s11, s14;
	s17 =	sadd.s32 s2, s14;
	v26 =	vadd.f32 v29, v22;
	v22 =	vld [tilespmem:s26+$0x300];
	v28 =	vmul.f32 v27, v18  }
0x4bf: {  	s4 =	sadd.s32 s7, s14;
	s7 =	sadd.s32 s9, s14;
	s2 =	simm.s32 $0x200;
	[tilespmem:s17+$0x0] =	vst v31;
	v24 =	vadd.f32 v30, v24;
	v27 =	vmul.f32 v25, v16;
	v25 =	vadd.f32 v32, v23;
	v23 =	vld [tilespmem:s28+$0x300]  }
.LBB2_10:
0x4c0: {  	s9 =	sand.u32 $0x40, s0;
	s11 =	sand.u32 $0x400, s2;
	v29 =	vld [tilespmem:s29+$0x380];
	v19 =	vmul.f32 v19, v16;
	v26 =	vadd.f32 v28, v26  }
0x4c1: {  	s31 =	sadd.s32 $0x4, s31;
	s17 =	sadd.s32 s11, s25;
	s10 =	sor.u32 $0x30, s9;
	v24 =	vadd.f32 v27, v24;
	v27 =	vld [tilespmem:s26+$0x380];
	v21 =	vmul.f32 v21, v16  }
0x4c2: {  	s12 =	sor.u32 $0x10, s9;
	p0 =	slt.u32 s31, $0xC;
	s14 =	sadd.s32 s10, s17;
	v20 =	vmul.f32 v20, v13;
	v19 =	vadd.f32 v19, v25;
	v25 =	vld [tilespmem:s28+$0x380]  }
0x4c3: {  	s13 =	sor.u32 $0x20, s9;
	s29 =	sadd.s32 s9, s17;
	s26 =	sadd.s32 s12, s17;
	v28 =	vld [tilespmem:s14+$0x0];
	v22 =	vmul.f32 v22, v13;
	v21 =	vadd.f32 v21, v26  }
0x4c4: {  	s28 =	sadd.s32 s13, s17;
	v26 =	vld [tilespmem:s14+$0x80];
	v20 =	vadd.f32 v20, v24;
	v23 =	vmul.f32 v23, v13  }
0x4c5: {  	v24 =	vld [tilespmem:s29+$0x0];
	v29 =	vmul.f32 v29, v11;
	v19 =	vadd.f32 v22, v19  }
0x4c6: {  	v22 =	vld [tilespmem:s14+$0x100];
	v27 =	vmul.f32 v27, v11;
	v21 =	vadd.f32 v23, v21  }
0x4c7: {  	v23 =	vld [tilespmem:s29+$0x80];
	v20 =	vadd.f32 v29, v20;
	v25 =	vmul.f32 v25, v11  }
0x4c8: {  	v29 =	vld [tilespmem:s14+$0x180];
	v19 =	vadd.f32 v27, v19  }
0x4c9: {  	v28 =	vmul.f32 v28, v12;
	v27 =	vld [tilespmem:s26+$0x0];
	v26 =	vmul.f32 v26, v14;
	[tilespmem:s5+$0x0] =	vst v20;
	v20 =	vadd.f32 v25, v21  }
0x4ca: {  	v21 =	vmul.f32 v24, v12;
	v24 =	vld [tilespmem:s14+$0x200];
	[tilespmem:s4+$0x0] =	vst v19  }
0x4cb: {  	v19 =	vld [tilespmem:s26+$0x80];
	v25 =	vadd.f32 v26, v28;
	v22 =	vmul.f32 v22, v15;
	[tilespmem:s7+$0x0] =	vst v20  }
0x4cc: {  	v20 =	vmul.f32 v23, v14;
	v23 =	vld [tilespmem:s14+$0x280]  }
0x4cd: {  	v26 =	vld [tilespmem:s28+$0x0];
	v22 =	vadd.f32 v22, v25;
	v25 =	vmul.f32 v29, v17  }
0x4ce: {  	v20 =	vadd.f32 v20, v21;
	v21 =	vmul.f32 v27, v12;
	v27 =	vld [tilespmem:s14+$0x300]  }
0x4cf: {  	v28 =	vld [tilespmem:s28+$0x80];
	v22 =	vadd.f32 v25, v22;
	v24 =	vmul.f32 v24, v18  }
0x4d0: {  	v19 =	vmul.f32 v19, v14;
	v25 =	vld [tilespmem:s14+$0x380]  }
0x4d1: {  	v29 =	vld [tilespmem:s29+$0x100];
	v22 =	vadd.f32 v24, v22;
	v23 =	vmul.f32 v23, v16  }
0x4d2: {  	v19 =	vadd.f32 v19, v21;
	v21 =	vld [tilespmem:s26+$0x100];
	v24 =	vmul.f32 v26, v12  }
0x4d3: {  	v26 =	vld [tilespmem:s28+$0x100];
	v22 =	vadd.f32 v23, v22;
	v23 =	vmul.f32 v27, v13  }
0x4d4: {  	v27 =	vld [tilespmem:s29+$0x180];
	v28 =	vmul.f32 v28, v14  }
0x4d5: {  	v30 =	vld [tilespmem:s26+$0x180];
	v22 =	vadd.f32 v23, v22;
	v23 =	vmul.f32 v25, v11  }
0x4d6: {  	v25 =	vmul.f32 v29, v15;
	v24 =	vadd.f32 v28, v24;
	v28 =	vld [tilespmem:s28+$0x180]  }
0x4d7: {  	s7 =	sadd.s32 s11, s30;
	v29 =	vld [tilespmem:s29+$0x200];
	v21 =	vmul.f32 v21, v15;
	v22 =	vadd.f32 v23, v22  }
0x4d8: {  	s5 =	sadd.s32 s9, s7;
	s4 =	sadd.s32 s12, s7;
	s9 =	sadd.s32 s10, s7;
	v20 =	vadd.f32 v25, v20;
	v23 =	vld [tilespmem:s26+$0x200];
	v25 =	vmul.f32 v26, v15  }
0x4d9: {  	s7 =	sadd.s32 s13, s7;
	v26 =	vmul.f32 v27, v17;
	v21 =	vadd.f32 v21, v19;
	v27 =	vld [tilespmem:s28+$0x200];
	[tilespmem:s9+$0x0] =	vst v22  }
0x4da: {  	v31 =	vld [tilespmem:s29+$0x280];
	v22 =	vmul.f32 v30, v17;
	v24 =	vadd.f32 v25, v24  }
.Ltmp5:
0x4db: {  	v25 =	vadd.f32 v26, v20;
	v19 =	vld [tilespmem:s26+$0x280];
	v26 =	vmul.f32 v28, v17;
	(pc) =	sbr.rel @p0 .LBB2_10-.Ltmp5, $4  }
0x4dc: {  	v28 =	vmul.f32 v29, v18;
	v29 =	vadd.f32 v22, v21;
	v21 =	vld [tilespmem:s28+$0x280]  }
0x4dd: {  	v20 =	vld [tilespmem:s29+$0x300];
	v23 =	vmul.f32 v23, v18;
	v26 =	vadd.f32 v26, v24  }
0x4de: {  	v24 =	vadd.f32 v28, v25;
	v22 =	vld [tilespmem:s26+$0x300];
	v28 =	vmul.f32 v27, v18  }
0x4df: {  	s2 =	sadd.s32 $0x200, s2;
	s0 =	sadd.s32 $0x40, s0;
	v27 =	vmul.f32 v31, v16;
	v25 =	vadd.f32 v23, v29;
	v23 =	vld [tilespmem:s28+$0x300]  }
0x4e0: {  	v12 =	vld [tilespmem:s29+$0x380]  }
0x4e1: {  	v14 =	vld [tilespmem:s26+$0x380]  }
0x4e2: {  	v15 =	vadd.f32 v28, v26;
	v17 =	vmul.f32 v19, v16;
	v18 =	vld [tilespmem:s28+$0x380];
	v59 =	vmul.f32 v21, v16  }
0x4e3: {  	v60 =	vadd.f32 v27, v24;
	v20 =	vmul.f32 v20, v13  }
0x4e4: {  	v17 =	vadd.f32 v17, v25;
	v61 =	vmul.f32 v22, v13;
	v15 =	vadd.f32 v59, v15  }
0x4e5: {  	s24 =	sadd.s32 $0x1, s24;
	v62 =	vadd.f32 v20, v60;
	v63 =	vmul.f32 v23, v13;
	v12 =	vmul.f32 v12, v11  }
0x4e6: {  	p0 =	sne.s32 s24, $0x10;
	v17 =	vadd.f32 v61, v17;
	v14 =	vmul.f32 v14, v11  }
.Ltmp6:
0x4e7: {  	v11 =	vmul.f32 v18, v11;
	v13 =	vadd.f32 v63, v15;
	v12 =	vadd.f32 v12, v62;
	(pc) =	sbr.rel @p0 .LBB2_9-.Ltmp6, $4  }
0x4e8: {  	v14 =	vadd.f32 v14, v17  }
0x4e9: {  	v11 =	vadd.f32 v11, v13;
	[tilespmem:s5+$0x0] =	vst v12  }
0x4ea: {  	[tilespmem:s4+$0x0] =	vst v14  }
0x4eb: {  	[tilespmem:s7+$0x0] =	vst v11  }
.Ltmp7:
0x4ec: {  	(pc) =	sbr.rel @p1 .LBB2_14-.Ltmp7, $4  }
0x4ed: {  	_ = 	snop  }
0x4ee: {  	s0 =	sshll.u32 s22, $0x9  }
0x4ef: {  	s0 =	sadd.s32 s0, s6  }
0x4f0: {  	[hbm4b:s0+s3] =	stream.linear.scatter [tilespmem:s19], [sflag:$0x4], $0x1000, $0x38;
	[tilespmem:$0x1C280] =	vst v63  }
0x4f1: {  	s0 =	sshrl.u32 s21, $0x2  }
0x4f2: {  	v11 =	vld [tilespmem:s0+$0x9F80];
	_ =	sdelay $0x4  }
0x4f3: {  	v12 =	vshll.u32 v11, $0x1  }
0x4f4: {  	v11 =	vand.u32 $0x7, v11;
	v12 =	vand.u32 $0xFFFFFFF0, v12  }
0x4f5: {  	v11 =	vor.u32 v11, v12  }
0x4f6: {  	v12 =	vperm.xlane v11, v1;
	_ =	sdelay $0x1  }
0x4f7: {  	v11 =	vperm.xlane v11, v3;
	v12 =	vadd.s32 v2, v12;
	_ =	sdelay $0x1  }
0x4f8: {  	v11 =	vadd.s32 v2, v11;
	_ =	sdelay $0x1  }
0x4f9: {  	s2 =	simm.s32 $0x12200  }
0x4fa: {  	[tilespmem:s2], [sflag:$0x2] =	stream.indirect_vreg.gather [hbm4b:s1+s3], $0x80, v12, vm0, $0xb8;
	[tilespmem:$0x1C280] =	vst v63  }
0x4fb: {  	s11 =	simm.s32 $0x12A00  }
0x4fc: {  	[tilespmem:s11], [sflag:$0x2] =	stream.indirect_vreg.gather [hbm4b:s1+s3], $0x80, v11, vm0, $0xb8;
	[tilespmem:$0x1C280] =	vst v63  }
0x4fd: {  	v11 =	vld [tilespmem:s0+$0x9F90];
	_ =	sdelay $0x4  }
0x4fe: {  	v57 =	vshll.u32 v11, $0x1  }
0x4ff: {  	v11 =	vand.u32 $0x7, v11;
	v12 =	vand.u32 $0xFFFFFFF0, v57  }
0x500: {  	v11 =	vor.u32 v11, v12  }
0x501: {  	v12 =	vperm.xlane v11, v1;
	_ =	sdelay $0x1  }
0x502: {  	v11 =	vperm.xlane v11, v3;
	v12 =	vadd.s32 v2, v12;
	_ =	sdelay $0x1  }
0x503: {  	v11 =	vadd.s32 v2, v11;
	_ =	sdelay $0x1  }
0x504: {  	s12 =	simm.s32 $0x13200  }
0x505: {  	[tilespmem:s12], [sflag:$0x2] =	stream.indirect_vreg.gather [hbm4b:s1+s3], $0x80, v12, vm0, $0xb8;
	[tilespmem:$0x1C280] =	vst v63  }
0x506: {  	s13 =	simm.s32 $0x13A00  }
0x507: {  	[tilespmem:s13], [sflag:$0x2] =	stream.indirect_vreg.gather [hbm4b:s1+s3], $0x80, v11, vm0, $0xb8;
	[tilespmem:$0x1C280] =	vst v63  }
0x508: {  	v11 =	vld [tilespmem:s0+$0x9FA0];
	_ =	sdelay $0x4  }
0x509: {  	v58 =	vshll.u32 v11, $0x1  }
0x50a: {  	v11 =	vand.u32 $0x7, v11;
	v12 =	vand.u32 $0xFFFFFFF0, v58  }
0x50b: {  	v11 =	vor.u32 v11, v12  }
0x50c: {  	v12 =	vperm.xlane v11, v1;
	_ =	sdelay $0x1  }
0x50d: {  	v11 =	vperm.xlane v11, v3;
	v12 =	vadd.s32 v2, v12;
	_ =	sdelay $0x1  }
0x50e: {  	v11 =	vadd.s32 v2, v11;
	_ =	sdelay $0x1  }
0x50f: {  	s14 =	simm.s32 $0x14200  }
0x510: {  	[tilespmem:s14], [sflag:$0x2] =	stream.indirect_vreg.gather [hbm4b:s1+s3], $0x80, v12, vm0, $0xb8;
	[tilespmem:$0x1C280] =	vst v63  }
0x511: {  	s17 =	simm.s32 $0x14A00  }
0x512: {  	[tilespmem:s17], [sflag:$0x2] =	stream.indirect_vreg.gather [hbm4b:s1+s3], $0x80, v11, vm0, $0xb8;
	[tilespmem:$0x1C280] =	vst v63  }
0x513: {  	v11 =	vld [tilespmem:s0+$0x9FB0];
	_ =	sdelay $0x4  }
0x514: {  	v59 =	vshll.u32 v11, $0x1  }
0x515: {  	v11 =	vand.u32 $0x7, v11;
	v12 =	vand.u32 $0xFFFFFFF0, v59  }
0x516: {  	v11 =	vor.u32 v11, v12  }
0x517: {  	v12 =	vperm.xlane v11, v1;
	_ =	sdelay $0x1  }
0x518: {  	v11 =	vperm.xlane v11, v3;
	v12 =	vadd.s32 v2, v12;
	_ =	sdelay $0x1  }
0x519: {  	v11 =	vadd.s32 v2, v11;
	_ =	sdelay $0x1  }
0x51a: {  	s21 =	simm.s32 $0x15200  }
0x51b: {  	[tilespmem:s21], [sflag:$0x2] =	stream.indirect_vreg.gather [hbm4b:s1+s3], $0x80, v12, vm0, $0xb8;
	[tilespmem:$0x1C280] =	vst v63  }
0x51c: {  	s22 =	simm.s32 $0x15A00  }
0x51d: {  	[tilespmem:s22], [sflag:$0x2] =	stream.indirect_vreg.gather [hbm4b:s1+s3], $0x80, v11, vm0, $0xb8;
	[tilespmem:$0x1C280] =	vst v63  }
0x51e: {  	v11 =	vld [tilespmem:s0+$0x9FC0];
	_ =	sdelay $0x4  }
0x51f: {  	v60 =	vshll.u32 v11, $0x1  }
0x520: {  	v11 =	vand.u32 $0x7, v11;
	v12 =	vand.u32 $0xFFFFFFF0, v60  }
0x521: {  	v11 =	vor.u32 v11, v12  }
0x522: {  	v12 =	vperm.xlane v11, v1;
	_ =	sdelay $0x1  }
0x523: {  	v11 =	vperm.xlane v11, v3;
	v12 =	vadd.s32 v2, v12;
	_ =	sdelay $0x1  }
0x524: {  	v11 =	vadd.s32 v2, v11;
	_ =	sdelay $0x1  }
0x525: {  	s23 =	simm.s32 $0x16200  }
0x526: {  	[tilespmem:s23], [sflag:$0x2] =	stream.indirect_vreg.gather [hbm4b:s1+s3], $0x80, v12, vm0, $0xb8;
	[tilespmem:$0x1C280] =	vst v63  }
0x527: {  	s24 =	simm.s32 $0x16A00  }
0x528: {  	[tilespmem:s24], [sflag:$0x2] =	stream.indirect_vreg.gather [hbm4b:s1+s3], $0x80, v11, vm0, $0xb8;
	[tilespmem:$0x1C280] =	vst v63  }
0x529: {  	v11 =	vld [tilespmem:s0+$0x9FD0];
	_ =	sdelay $0x4  }
0x52a: {  	v61 =	vshll.u32 v11, $0x1  }
0x52b: {  	v11 =	vand.u32 $0x7, v11;
	v12 =	vand.u32 $0xFFFFFFF0, v61  }
0x52c: {  	v11 =	vor.u32 v11, v12  }
0x52d: {  	v12 =	vperm.xlane v11, v1;
	_ =	sdelay $0x1  }
0x52e: {  	v11 =	vperm.xlane v11, v3;
	v12 =	vadd.s32 v2, v12;
	_ =	sdelay $0x1  }
0x52f: {  	v11 =	vadd.s32 v2, v11;
	_ =	sdelay $0x1  }
0x530: {  	s25 =	simm.s32 $0x17200  }
0x531: {  	[tilespmem:s25], [sflag:$0x2] =	stream.indirect_vreg.gather [hbm4b:s1+s3], $0x80, v12, vm0, $0xb8;
	[tilespmem:$0x1C280] =	vst v63  }
0x532: {  	s26 =	simm.s32 $0x17A00  }
0x533: {  	[tilespmem:s26], [sflag:$0x2] =	stream.indirect_vreg.gather [hbm4b:s1+s3], $0x80, v11, vm0, $0xb8;
	[tilespmem:$0x1C280] =	vst v63  }
0x534: {  	v11 =	vld [tilespmem:s0+$0x9FE0];
	_ =	sdelay $0x4  }
0x535: {  	v62 =	vshll.u32 v11, $0x1  }
0x536: {  	v11 =	vand.u32 $0x7, v11;
	v12 =	vand.u32 $0xFFFFFFF0, v62  }
0x537: {  	v11 =	vor.u32 v11, v12  }
0x538: {  	v12 =	vperm.xlane v11, v1;
	_ =	sdelay $0x1  }
0x539: {  	v11 =	vperm.xlane v11, v3;
	v12 =	vadd.s32 v2, v12;
	_ =	sdelay $0x1  }
0x53a: {  	v11 =	vadd.s32 v2, v11;
	_ =	sdelay $0x1  }
0x53b: {  	s28 =	simm.s32 $0x18200  }
0x53c: {  	[tilespmem:s28], [sflag:$0x2] =	stream.indirect_vreg.gather [hbm4b:s1+s3], $0x80, v12, vm0, $0xb8;
	[tilespmem:$0x1C280] =	vst v63  }
0x53d: {  	s29 =	simm.s32 $0x18A00  }
0x53e: {  	[tilespmem:s29], [sflag:$0x2] =	stream.indirect_vreg.gather [hbm4b:s1+s3], $0x80, v11, vm0, $0xb8;
	[tilespmem:$0x1C280] =	vst v63  }
0x53f: {  	v11 =	vld [tilespmem:s0+$0x9FF0];
	_ =	sdelay $0x4  }
0x540: {  	v63 =	vshll.u32 v11, $0x1  }
0x541: {  	v11 =	vand.u32 $0x7, v11;
	v12 =	vand.u32 $0xFFFFFFF0, v63  }
0x542: {  	v11 =	vor.u32 v11, v12  }
0x543: {  	v12 =	vperm.xlane v11, v1;
	_ =	sdelay $0x1  }
0x544: {  	v11 =	vperm.xlane v11, v3;
	v12 =	vadd.s32 v2, v12;
	_ =	sdelay $0x1  }
0x545: {  	v11 =	vadd.s32 v2, v11  }
.Ltmp8:
0x546: {  	_ = 	snop;
	(pc) =	sbr.rel .LBB2_2-.Ltmp8, $4  }
0x547: {  	s30 =	simm.s32 $0x19200  }
0x548: {  	[tilespmem:s30], [sflag:$0x2] =	stream.indirect_vreg.gather [hbm4b:s1+s3], $0x80, v12, vm0, $0xb8;
	[tilespmem:$0x1C280] =	vst v63  }
0x549: {  	s31 =	simm.s32 $0x19A00;
	s20 =	sadd.s32 $0x1, s20  }
0x54a: {  	[tilespmem:s31], [sflag:$0x2] =	stream.indirect_vreg.gather [hbm4b:s1+s3], $0x80, v11, vm0, $0xb8;
	[tilespmem:$0x1C280] =	vst v63  }
.LBB2_15:
0x54b: {  	_ =	sfence.sel $0x180000  }
0x54c: {  	[bflag:$0x0] =	sbarrier.arrive $0xFFFF  }
0x54d: {  	_ =	strace $0x90000047  }
0x54e: {  	s0 =	stileid.u32;
	[bflag:$0x2] =	sbarrier.arrive $0xFFFF  }
0x54f: {  	p0 =	sne.s32 s0, $0x0;
	s0 =	rddreg [dreg:$0x3]  }
0x550: {  	s0 =	sadd.s32 @!p0 $0x100000, s0  }
0x551: {  	[sflag:s0] =	ssyncadd.tile.s32 @!p0 $0x1;
	_ =	shalt  }
.Lfunc_end2:
_tile_overlayer_lowered:
.L_overlay_start_2:
0x552: {  	(tag) =	ssettag $0x2  }
0x553: {  	s0 =	rddreg [dreg:$0x0];
	s2 =	stileid.u32  }
0x554: {  	s1 =	rddreg [dreg:$0x1];
	p0 =	sne.s32 s2, $0x0  }
0x555: {  	s3 =	rddreg [dreg:$0x2];
	[bflag:$0x3] =	sbarrier.arrive $0xFFFF;
	s2 =	simm.s32 @!p0 $0x1C05  }
0x556: {  	[timem:s3], [sflag:s2] =	dma.local @!p0 [hbm:s0], s1  }
0x557: {  	s0 =	simm.s32 @!p0 $0x5  }
0x558: {  	_ =	swait.ge @!p0 [sflag:s0], s1  }
0x559: {  	s1 =	ssub.s32 @!p0 $0x0, s1;
	[sflag:s0] =	ssyncset.done @!p0 $0x0  }
0x55a: {  	[sflag:s0] =	ssyncadd.s32 @!p0 s1  }
0x55b: {  	[bflag:$0x3] =	sbarrier.arrive $0xFFFF  }
0x55c: {  	_ =	shalt  }

</sc_bundles>
